<compile_context>
chip_gen: v7x
topology: tpu7x:2x2x1
jax: 0.10.2.dev20260603
libtpu: 0.0.44.dev20260713+nightly
codegen_flags: <defaults>
</compile_context>

<pallas_src>
import functools

import jax
import jax.numpy as jnp
from jax import lax
from jax.experimental import pallas as pl
from jax.experimental.pallas import tpu as pltpu
from jax.experimental.pallas import tpu_sc as plsc

_B = 256
_FEAT = 2048
_HID = 4096
_PROJ = 512
_MEM = 64000
_DSET = 50000
_TOPK = 5
_TOPKP = 10
_MOM = 0.99

_NT = 8
_HT = _HID // _NT
_QT = 4096
_NB = _QT // 512
_NQ = -(-(_MEM - 512) // _QT)
_BIGCOL = 1.0e9
_INF = float("inf")


def _fiota(shape, dim):
    return lax.broadcasted_iota(jnp.int32, shape, dim).astype(jnp.float32)


def _select_min_topk(d, cols, payloads, k):
    cols = jnp.broadcast_to(cols, d.shape)
    ds, cs, pss = [], [], [[] for _ in payloads]
    cur = d
    for _ in range(k):
        m = jnp.min(cur, axis=1, keepdims=True)
        elig = cur == m
        cm = jnp.min(jnp.where(elig, cols, _BIGCOL), axis=1, keepdims=True)
        chosen = elig & (cols == cm)
        ds.append(m)
        cs.append(cm)
        for i, p in enumerate(payloads):
            pss[i].append(jnp.sum(jnp.where(chosen, p, 0.0), axis=1,
                                  keepdims=True))
        cur = jnp.where(chosen, _INF, cur)
    return ds, cs, pss


def _pad8(parts, fill):
    k = len(parts)
    pad = jnp.full_like(parts[0], fill)
    return jnp.concatenate(parts + [pad] * (8 - k), axis=1)


def _enc_body(imq_ref, imt_ref, wq1_ref, wt1_ref, bq1_ref, bt1_ref,
              wq2_ref, wt2_ref, bq2_ref, bt2_ref,
              feat_ref, ct_ref, accf_ref, accc_ref):
    i = pl.program_id(0)
    wq1 = wq1_ref[...]
    wc1 = _MOM * wt1_ref[...] + (1.0 - _MOM) * wq1
    bq1 = bq1_ref[...].reshape(1, _HT)
    bc1 = _MOM * bt1_ref[...].reshape(1, _HT) + (1.0 - _MOM) * bq1
    hq = jnp.maximum(jnp.dot(imq_ref[...], wq1,
                             preferred_element_type=jnp.float32) + bq1, 0.0)
    ht = jnp.maximum(jnp.dot(imt_ref[...], wc1,
                             preferred_element_type=jnp.float32) + bc1, 0.0)
    wq2 = wq2_ref[...]
    wc2 = _MOM * wt2_ref[...] + (1.0 - _MOM) * wq2
    pf = jnp.dot(hq, wq2, preferred_element_type=jnp.float32)
    pc = jnp.dot(ht, wc2, preferred_element_type=jnp.float32)

    @pl.when(i == 0)
    def _():
        accf_ref[...] = jnp.zeros_like(accf_ref)
        accc_ref[...] = jnp.zeros_like(accc_ref)

    accf_ref[...] += pf
    accc_ref[...] += pc

    @pl.when(i == _NT - 1)
    def _():
        bq2 = bq2_ref[...].reshape(1, _PROJ)
        feat_ref[...] = accf_ref[...] + bq2
        bc2 = _MOM * bt2_ref[...].reshape(1, _PROJ) + (1.0 - _MOM) * bq2
        ctu = accc_ref[...] + bc2
        n = jnp.sqrt(jnp.sum(ctu * ctu, axis=1, keepdims=True))
        ct_ref[...] = ctu / jnp.maximum(n, 1e-12)


def _encoder(im_q, im_t, Wq1, bq1, Wq2, bq2, Wt1, bt1, Wt2, bt2):
    return pl.pallas_call(
        _enc_body,
        grid=(_NT,),
        in_specs=[
            pl.BlockSpec((_B, _FEAT), lambda i: (0, 0)),
            pl.BlockSpec((_B, _FEAT), lambda i: (0, 0)),
            pl.BlockSpec((_FEAT, _HT), lambda i: (0, i)),
            pl.BlockSpec((_FEAT, _HT), lambda i: (0, i)),
            pl.BlockSpec((_HT,), lambda i: (i,)),
            pl.BlockSpec((_HT,), lambda i: (i,)),
            pl.BlockSpec((_HT, _PROJ), lambda i: (i, 0)),
            pl.BlockSpec((_HT, _PROJ), lambda i: (i, 0)),
            pl.BlockSpec((_PROJ,), lambda i: (0,)),
            pl.BlockSpec((_PROJ,), lambda i: (0,)),
        ],
        out_specs=[
            pl.BlockSpec((_B, _PROJ), lambda i: (0, 0)),
            pl.BlockSpec((_B, _PROJ), lambda i: (0, 0)),
        ],
        out_shape=[
            jax.ShapeDtypeStruct((_B, _PROJ), jnp.float32),
            jax.ShapeDtypeStruct((_B, _PROJ), jnp.float32),
        ],
        scratch_shapes=[
            pltpu.VMEM((_B, _PROJ), jnp.float32),
            pltpu.VMEM((_B, _PROJ), jnp.float32),
        ],
    )(im_q, im_t, Wq1, Wt1, bq1, bt1, Wq2, Wt2, bq2, bt2)


def _pred_body(x_ref, w1_ref, b1_ref, w2_ref, b2_ref, out_ref, acc_ref):
    i = pl.program_id(0)
    h = jnp.maximum(jnp.dot(x_ref[...], w1_ref[...],
                            preferred_element_type=jnp.float32)
                    + b1_ref[...].reshape(1, _HT), 0.0)
    p = jnp.dot(h, w2_ref[...], preferred_element_type=jnp.float32)

    @pl.when(i == 0)
    def _():
        acc_ref[...] = jnp.zeros_like(acc_ref)

    acc_ref[...] += p

    @pl.when(i == _NT - 1)
    def _():
        qu = acc_ref[...] + b2_ref[...].reshape(1, _PROJ)
        n = jnp.sqrt(jnp.sum(qu * qu, axis=1, keepdims=True))
        out_ref[...] = qu / jnp.maximum(n, 1e-12)


def _predictor(feat_q, Wp1, bp1, Wp2, bp2):
    return pl.pallas_call(
        _pred_body,
        grid=(_NT,),
        in_specs=[
            pl.BlockSpec((_B, _PROJ), lambda i: (0, 0)),
            pl.BlockSpec((_PROJ, _HT), lambda i: (0, i)),
            pl.BlockSpec((_HT,), lambda i: (i,)),
            pl.BlockSpec((_HT, _PROJ), lambda i: (i, 0)),
            pl.BlockSpec((_PROJ,), lambda i: (0,)),
        ],
        out_specs=pl.BlockSpec((_B, _PROJ), lambda i: (0, 0)),
        out_shape=jax.ShapeDtypeStruct((_B, _PROJ), jnp.float32),
        scratch_shapes=[pltpu.VMEM((_B, _PROJ), jnp.float32)],
    )(feat_q, Wp1, bp1, Wp2, bp2)


def _sc_gather_rows(table, idx):
    info = plsc.get_sparse_core_info()
    nc, ns = info.num_cores, info.num_subcores
    nrows = idx.shape[0]
    per_w = nrows // (nc * ns)
    mesh = plsc.VectorSubcoreMesh(core_axis_name="c", subcore_axis_name="s")

    @functools.partial(
        pl.kernel,
        out_type=jax.ShapeDtypeStruct((nrows, _PROJ), jnp.float32),
        mesh=mesh,
        scratch_types=[
            pltpu.VMEM((per_w,), jnp.int32),
            pltpu.VMEM((per_w, _PROJ), jnp.float32),
            pltpu.SemaphoreType.DMA,
        ],
    )
    def k(table_hbm, idx_hbm, out_hbm, idx_v, rows_v, sem):
        wid = lax.axis_index("s") * nc + lax.axis_index("c")
        base = wid * per_w
        pltpu.sync_copy(idx_hbm.at[pl.ds(base, per_w)], idx_v)
        pltpu.async_copy(table_hbm.at[idx_v], rows_v, sem).wait()
        pltpu.sync_copy(rows_v, out_hbm.at[pl.ds(base, per_w)])

    return k(table, idx)


def _stream_body(ct_ref, q_ref, *refs):
    tile_refs = refs[:_NB]
    out_ref, bd_ref, bc_ref, bq_ref = refs[_NB:]
    i = pl.program_id(0)

    @pl.when(i == 0)
    def _():
        bd_ref[...] = jnp.full_like(bd_ref, _INF)
        bc_ref[...] = jnp.full_like(bc_ref, _BIGCOL)
        bq_ref[...] = jnp.zeros_like(bq_ref)

    ct = ct_ref[...]
    q = q_ref[...]
    dn = (((1,), (1,)), ((), ()))
    off = 512 + i * _QT
    _CW = 4096
    iot = lax.broadcasted_iota(jnp.int32, (_B, _CW), 1)

    dvs, cvs, qvs = [], [], []
    ngrp = _NB * 512 // _CW
    nblk = _CW // 512
    for g in range(ngrp):
        rhs = jnp.concatenate(
            [tile_refs[g * nblk + b][...] for b in range(nblk)], axis=0)
        boff = off + g * _CW
        crow = jnp.where(boff + lax.broadcasted_iota(jnp.int32, (1, _CW), 1)
                         > _MEM - 1, 1.0e9, 2.0).astype(jnp.float32)
        dt = crow - 2.0 * lax.dot_general(ct, rhs, dn,
                                          preferred_element_type=jnp.float32)
        dq = 2.0 - 2.0 * lax.dot_general(q, rhs, dn,
                                         preferred_element_type=jnp.float32)
        cur = dt
        ams = []
        for j in range(_TOPK):
            am = jnp.argmin(cur, axis=1)
            if j < _TOPK - 1:
                cur = jnp.where(iot == am[:, None], _INF, cur)
            ams.append(am)
        am_mat = jnp.stack(ams, axis=1)
        lane = jnp.bitwise_and(am_mat, 127)
        vreg = jnp.right_shift(am_mat, 7)

        def gatherb(x):
            out = jnp.zeros((_B, _TOPK), jnp.float32)
            for v in range(_CW // 128):
                part = jnp.take_along_axis(x[:, v * 128:(v + 1) * 128], lane,
                                           axis=1)
                out = jnp.where(vreg == v, part, out)
            return out

        dvs.append(gatherb(dt))
        qvs.append(gatherb(dq))
        cvs.append((am_mat + boff).astype(jnp.float32))

    cand_d = jnp.concatenate([bd_ref[...]] + dvs, axis=1)
    cand_c = jnp.concatenate([bc_ref[...]] + cvs, axis=1)
    cand_q = jnp.concatenate([bq_ref[...]] + qvs, axis=1)
    nl = cand_d.shape[1]
    iotm = lax.broadcasted_iota(jnp.int32, (_B, nl), 1)
    cur = cand_d
    ams = []
    for _ in range(_TOPK):
        am = jnp.argmin(cur, axis=1)
        cur = jnp.where(iotm == am[:, None], _INF, cur)
        ams.append(am)
    am_mat = jnp.stack(ams, axis=1)
    pad8 = jnp.full((_B, 8 - _TOPK), _INF, jnp.float32)
    bd_ref[...] = jnp.concatenate(
        [jnp.take_along_axis(cand_d, am_mat, axis=1), pad8], axis=1)
    bc_ref[...] = jnp.concatenate(
        [jnp.take_along_axis(cand_c, am_mat, axis=1),
         jnp.full((_B, 8 - _TOPK), _BIGCOL, jnp.float32)], axis=1)
    bq_ref[...] = jnp.concatenate(
        [jnp.take_along_axis(cand_q, am_mat, axis=1),
         jnp.zeros((_B, 8 - _TOPK), jnp.float32)], axis=1)

    @pl.when(i == _NQ - 1)
    def _():
        out_ref[...] = jnp.concatenate(
            [bd_ref[...], bc_ref[...], bq_ref[...]], axis=1)


def _stream_topk(ct, query, queue):
    return pl.pallas_call(
        _stream_body,
        grid=(_NQ,),
        in_specs=[
            pl.BlockSpec((_B, _PROJ), lambda i: (0, 0)),
            pl.BlockSpec((_B, _PROJ), lambda i: (0, 0)),
        ] + [
            pl.BlockSpec(
                (512, _PROJ),
                (lambda b: lambda i: (jnp.minimum(_NB * i + b + 1, 124), 0))(b))
            for b in range(_NB)
        ],
        out_specs=pl.BlockSpec((_B, 24), lambda i: (0, 0)),
        out_shape=jax.ShapeDtypeStruct((_B, 24), jnp.float32),
        scratch_shapes=[
            pltpu.VMEM((_B, 8), jnp.float32),
            pltpu.VMEM((_B, 8), jnp.float32),
            pltpu.VMEM((_B, 8), jnp.float32),
        ],
    )(ct, query, *([queue] * _NB))


def _combine_body(ct_ref, q_ref, qh_ref, pc_ref, lab_ref, ind_ref,
                  strm_ref, out_ref):
    ct = ct_ref[...]
    q = q_ref[...]
    qh_tail = qh_ref[_B:, :]
    dn = (((1,), (1,)), ((), ()))
    f32 = jnp.float32

    dt0 = 2.0 - 2.0 * jnp.concatenate(
        [lax.dot_general(ct, ct, dn, preferred_element_type=f32),
         lax.dot_general(ct, qh_tail, dn, preferred_element_type=f32)], axis=1)
    dq0 = 2.0 - 2.0 * jnp.concatenate(
        [lax.dot_general(q, ct, dn, preferred_element_type=f32),
         lax.dot_general(q, qh_tail, dn, preferred_element_type=f32)], axis=1)
    cols0 = _fiota((1, 2 * _B), 1)

    ds, cs, (qs,) = _select_min_topk(dt0, cols0, [dq0], _TOPK)
    cand_d = jnp.concatenate([_pad8(ds, _INF), strm_ref[:, 0:8]], axis=1)
    cand_c = jnp.concatenate([_pad8(cs, _BIGCOL), strm_ref[:, 8:16]], axis=1)
    cand_q = jnp.concatenate([_pad8(qs, 0.0), strm_ref[:, 16:24]], axis=1)
    _, ucols, (uqs,) = _select_min_topk(cand_d, cand_c, [cand_q], _TOPK)
    loss_unc_rows = sum(uqs)

    lrow = lab_ref[...].reshape(1, _B)
    eq = (lrow.reshape(_B, 1) == lrow)
    kiota = _fiota((1, _B), 1)
    purity_rows = jnp.zeros_like(loss_unc_rows)
    for c in ucols:
        onehot = (c == kiota)
        purity_rows += jnp.sum(jnp.where(onehot & eq, 1.0, 0.0), axis=1,
                               keepdims=True)

    P = pc_ref[0:_B, :]
    mem = jnp.any(ind_ref[...].reshape(1, _B) == _DSET - 1)
    c_row = jnp.where(mem, pc_ref[_B + 128:_B + 129, :],
                      pc_ref[_B:_B + 1, :])
    dS = 2.0 - 2.0 * lax.dot_general(P, P, dn, preferred_element_type=f32)
    d_c = 2.0 - 2.0 * lax.dot_general(P, c_row, dn,
                                      preferred_element_type=f32)
    cand272 = jnp.concatenate([dS, jnp.broadcast_to(d_c, (_B, 16))], axis=1)
    cols272 = _fiota((1, _B + 16), 1)
    _, pcols, _ = _select_min_topk(cand272, cols272, [], _TOPKP)

    keys, pcs, pqs = [], [], []
    for c in pcols:
        onehot = (c == cols0)
        dt_c = jnp.sum(jnp.where(onehot, dt0, 0.0), axis=1, keepdims=True)
        dq_c = jnp.sum(jnp.where(onehot, dq0, 0.0), axis=1, keepdims=True)
        keys.append(dt_c - 5.0)
        pcs.append(c)
        pqs.append(dq_c)
    pad_inf = jnp.full_like(keys[0], _INF)
    pad_col = jnp.full_like(keys[0], _BIGCOL)
    pad_z = jnp.zeros_like(keys[0])
    key16 = jnp.concatenate(keys + [pad_inf] * 6, axis=1)
    col16 = jnp.concatenate(pcs + [pad_col] * 6, axis=1)
    dq16 = jnp.concatenate(pqs + [pad_z] * 6, axis=1)
    _, _, (cqs,) = _select_min_topk(key16, col16, [dq16], _TOPK)
    loss_con_rows = sum(cqs)

    loss = (jnp.mean(loss_con_rows / _TOPK)
            + jnp.mean(loss_unc_rows / _TOPK)) / 2.0
    purity = jnp.mean(purity_rows / _TOPK)

    r = lax.broadcasted_iota(jnp.int32, (8, 128), 0)
    cc = lax.broadcasted_iota(jnp.int32, (8, 128), 1)
    out_ref[...] = jnp.where((r == 0) & (cc == 0), loss,
                             jnp.where((r == 0) & (cc == 1), purity, 0.0))


def _combine(ct, query, queue, pc, labels, indices, strm):
    return pl.pallas_call(
        _combine_body,
        grid=(1,),
        in_specs=[
            pl.BlockSpec((_B, _PROJ), lambda i: (0, 0)),
            pl.BlockSpec((_B, _PROJ), lambda i: (0, 0)),
            pl.BlockSpec((2 * _B, _PROJ), lambda i: (0, 0)),
            pl.BlockSpec((2 * _B, _PROJ), lambda i: (0, 0)),
            pl.BlockSpec((_B,), lambda i: (0,)),
            pl.BlockSpec((_B,), lambda i: (0,)),
            pl.BlockSpec((_B, 24), lambda i: (0, 0)),
        ],
        out_specs=pl.BlockSpec((8, 128), lambda i: (0, 0)),
        out_shape=jax.ShapeDtypeStruct((8, 128), jnp.float32),
    )(ct, query, queue, pc, labels, indices, strm)


def kernel(im_q, im_t, labels, indices, Wq1, bq1, Wq2, bq2, Wt1, bt1, Wt2, bt2,
           Wp1, bp1, Wp2, bp2, queue, pool, pool_qindex, labels_buf,
           index_queue):
    feat_q, ct = _encoder(im_q, im_t, Wq1, bq1, Wq2, bq2, Wt1, bt1, Wt2, bt2)
    query = _predictor(feat_q, Wp1, bp1, Wp2, bp2)

    table = pool.reshape(2 * _DSET, _PROJ)
    tail = jnp.concatenate(
        [jnp.full((128,), _DSET - 1, jnp.int32),
         jnp.full((128,), 2 * _DSET - 1, jnp.int32)])
    gidx = jnp.concatenate([indices + _DSET, tail])
    pc = _sc_gather_rows(table, gidx)

    strm = _stream_topk(ct, query, queue)
    out = _combine(ct, query, queue, pc, labels, indices, strm)
    return (out[0, 0], out[0, 1])

# --- scband reference (transcript-rebuilt; emitter-appended) ---
"""Pipeline reference for scband-constrained-mean-shift-self-52183852647059 (READ-ONLY COPY).

The authoritative reference and input builder live on the scoring server;
editing this copy changes nothing except your own understanding.
"""

import jax, jax.numpy as jnp
import numpy as np

B = 256
FEAT = 2048
HID = 4096
PROJ = 512
MEM = 64000
DSET = 50000
TOPK = 5
TOPKP = 10
MOM = 0.99


def _mlp(x, W1, b1, W2, b2):
    return jnp.maximum(x @ W1 + b1, 0.0) @ W2 + b2


def _normalize(x):
    n = jnp.linalg.norm(x, axis=1, keepdims=True)
    return x / jnp.maximum(n, 1e-12)


def setup_inputs(seed: int = 0):
    key = jax.random.key(seed)
    ks = jax.random.split(key, 16)
    s = 0.02
    inp = {}
    inp['im_q'] = jax.random.normal(ks[0], (B, FEAT), jnp.float32)
    inp['im_t'] = jax.random.normal(ks[1], (B, FEAT), jnp.float32)
    inp['labels'] = jax.random.randint(ks[2], (B,), 0, 1000, dtype=jnp.int32)
    inp['indices'] = jax.random.randint(ks[3], (B,), 0, DSET, dtype=jnp.int32)
    inp['Wq1'] = jax.random.normal(ks[4], (FEAT, HID), jnp.float32) * s
    inp['bq1'] = jnp.zeros((HID,), jnp.float32)
    inp['Wq2'] = jax.random.normal(ks[5], (HID, PROJ), jnp.float32) * s
    inp['bq2'] = jnp.zeros((PROJ,), jnp.float32)
    inp['Wt1'] = jax.random.normal(ks[6], (FEAT, HID), jnp.float32) * s
    inp['bt1'] = jnp.zeros((HID,), jnp.float32)
    inp['Wt2'] = jax.random.normal(ks[7], (HID, PROJ), jnp.float32) * s
    inp['bt2'] = jnp.zeros((PROJ,), jnp.float32)
    inp['Wp1'] = jax.random.normal(ks[8], (PROJ, HID), jnp.float32) * s
    inp['bp1'] = jnp.zeros((HID,), jnp.float32)
    inp['Wp2'] = jax.random.normal(ks[9], (HID, PROJ), jnp.float32) * s
    inp['bp2'] = jnp.zeros((PROJ,), jnp.float32)
    q = jax.random.normal(ks[10], (MEM, PROJ), jnp.float32)
    inp['queue'] = q / jnp.maximum(jnp.linalg.norm(q, axis=1, keepdims=True), 1e-12)
    inp['pool'] = jax.random.normal(ks[11], (2, DSET, PROJ), jnp.float32)
    inp['pool_qindex'] = jnp.zeros((DSET,), jnp.int32)
    inp['labels_buf'] = -jnp.ones((MEM,), jnp.int32)
    inp['index_queue'] = -jnp.ones((MEM,), jnp.int32)
    return inp


def reference(im_q, im_t, labels, indices, Wq1, bq1, Wq2, bq2, Wt1, bt1, Wt2, bt2,
              Wp1, bp1, Wp2, bp2, queue, pool, pool_qindex, labels_buf, index_queue):
    # online branch: encoder_q fc MLP + predictor, then L2-normalize
    feat_q = _mlp(im_q, Wq1, bq1, Wq2, bq2)
    query = _normalize(_mlp(feat_q, Wp1, bp1, Wp2, bp2))
    # momentum update of target encoder params
    Wt1u = MOM * Wt1 + (1.0 - MOM) * Wq1
    bt1u = MOM * bt1 + (1.0 - MOM) * bq1
    Wt2u = MOM * Wt2 + (1.0 - MOM) * Wq2
    bt2u = MOM * bt2 + (1.0 - MOM) * bq2
    # shuffle BN emulation: permute batch, encode, un-permute
    perm = jax.random.permutation(jax.random.key(42), B)
    rev = jnp.argsort(perm)
    ct = _normalize(_mlp(im_t[perm], Wt1u, bt1u, Wt2u, bt2u))
    current_target = jax.lax.stop_gradient(ct[rev])
    # dequeue/enqueue (functional buffer updates, ptr = 0)
    pool2 = pool.at[pool_qindex[indices], indices, :].set(current_target)
    pq2 = pool_qindex.at[indices].set((pool_qindex[indices] + 1) % 2)
    queue2 = queue.at[0:B, :].set(current_target)
    labels_q2 = labels_buf.at[0:B].set(labels)
    iq2 = index_queue.at[0:B].set(indices)
    targets = jax.lax.stop_gradient(queue2)
    # squared-cosine distances against the full memory bank
    dist_t = 2.0 - 2.0 * jnp.einsum('bc,kc->bk', current_target, targets)
    dist_q = 2.0 - 2.0 * jnp.einsum('bc,kc->bk', query, targets)
    _, unc_idx = jax.lax.top_k(-dist_t, TOPK)  # smallest distances
    nn_dq_unc = jnp.take_along_axis(dist_q, unc_idx, axis=1)
    # constrained branch via two-slot pool (negative indices wrap like torch)
    iqm = jnp.mod(iq2, DSET)
    targets_prime = pool2[pq2[iqm], iqm, :]
    ctp = pool2[pq2[indices], indices, :]
    dist_tp = 2.0 - 2.0 * jnp.einsum('bc,kc->bk', ctp, targets_prime)
    _, prime_idx = jax.lax.top_k(-dist_tp, TOPKP)
    rows = jnp.arange(B)[:, None]
    dist_prime = jnp.zeros_like(dist_t).at[rows, prime_idx].set(-5.0)
    dist_t2 = dist_t + dist_prime
    _, con_idx = jax.lax.top_k(-dist_t2, TOPK)
    nn_dq_con = jnp.take_along_axis(dist_q, con_idx, axis=1)
    loss = ((nn_dq_con.sum(axis=1) / TOPK).mean() + (nn_dq_unc.sum(axis=1) / TOPK).mean()) / 2.0
    lq = jax.lax.stop_gradient(labels_q2)[unc_idx]
    matches = (lq == labels[:, None]).astype(jnp.float32)
    purity = (matches.sum(axis=1) / TOPK).mean()
    return (loss, purity)

if __name__ == "__main__":
    import jax
    _d = setup_inputs()
    print(jax.jit(kernel)(*tuple(_d.values())))

</pallas_src>

<mosaic_0001>
#map = affine_map<(d0, d1) -> (0, 0)>
#map1 = affine_map<(d0, d1) -> (0)>
module attributes {stable_mosaic.version = 14 : i64} {
  func.func @k(%arg0: i32, %arg1: i32, %arg2: memref<100000x512xf32, #tpu.memory_space<hbm>>, %arg3: memref<512xi32, #tpu.memory_space<hbm>>, %arg4: memref<512x512xf32, #tpu.memory_space<hbm>>, %arg5: memref<16xi32, #tpu.memory_space<vmem>>, %arg6: memref<16x512xf32, #tpu.memory_space<vmem>>, %arg7: memref<!tpu.dma_semaphore, #tpu.memory_space<semaphore_mem>>) attributes {dimension_semantics = [#tpu.dimension_semantics<core_parallel>, #tpu.dimension_semantics<subcore_parallel>], iteration_bounds = array<i64: 2, 16>, scalar_prefetch = 0 : i64, scratch_operands = 3 : i64, tpu.core_type = #tpu.core_type<sc_vector_subcore>, window_params = [{transform_indices = #map}, {transform_indices = #map1}, {transform_indices = #map}]} {
    %mul3A = arith.constant 2 : i32
    %mul3A_0 = arith.muli %arg1, %mul3A : i32
    %add3A = arith.addi %mul3A_0, %arg0 : i32
    %mul3A_1 = arith.constant 16 : i32
    %mul3A_2 = arith.muli %add3A, %mul3A_1 : i32
    "tpu.region"() ({
      %run_scoped3A = tpu.sem_alloc : memref<!tpu.dma_semaphore, #tpu.memory_space<semaphore_mem>>
      %dma_start3A_7 = tpu.memref_slice %arg3[%mul3A_2] : memref<512xi32, #tpu.memory_space<hbm>> -> memref<16xi32, #tpu.memory_space<hbm>>
      %dma_start3A_8 = tpu.memref_slice %arg3[%mul3A_2] : memref<512xi32, #tpu.memory_space<hbm>> -> memref<16xi32, #tpu.memory_space<hbm>>
      tpu.enqueue_dma source(%dma_start3A_8 : memref<16xi32, #tpu.memory_space<hbm>>) target(%arg5 : memref<16xi32, #tpu.memory_space<vmem>>) target_semaphore(%run_scoped3A : memref<!tpu.dma_semaphore, #tpu.memory_space<semaphore_mem>>)
      %dma_wait3A_9 = tpu.memref_slice %arg3[%mul3A_2] : memref<512xi32, #tpu.memory_space<hbm>> -> memref<16xi32, #tpu.memory_space<hbm>>
      %dma_wait3A_10 = tpu.memref_slice %arg3[%mul3A_2] : memref<512xi32, #tpu.memory_space<hbm>> -> memref<16xi32, #tpu.memory_space<hbm>>
      tpu.wait_dma2 semaphore(%run_scoped3A : memref<!tpu.dma_semaphore, #tpu.memory_space<semaphore_mem>>) src(%dma_wait3A_10 : memref<16xi32, #tpu.memory_space<hbm>>) dst(%arg5 : memref<16xi32, #tpu.memory_space<vmem>>)
      tpu.yield
    }) : () -> ()
    %dma_start3A = arith.constant 0 : i32
    %dma_start3A_3 = arith.constant 0 : i32
    %dma_start3A_4 = tpu.memref_slice %arg2[%dma_start3A, %dma_start3A_3] : memref<100000x512xf32, #tpu.memory_space<hbm>> -> memref<100000x512xf32, #tpu.memory_space<hbm>>
    tpu.enqueue_indirect_dma source(%dma_start3A_4 : memref<100000x512xf32, #tpu.memory_space<hbm>>) target(%arg6 : memref<16x512xf32, #tpu.memory_space<vmem>>) offsets(%arg5 : memref<16xi32, #tpu.memory_space<vmem>>) semaphore(%arg7 : memref<!tpu.dma_semaphore, #tpu.memory_space<semaphore_mem>>)
    %dma_wait3A = arith.constant 0 : i32
    %dma_wait3A_5 = arith.constant 0 : i32
    %dma_wait3A_6 = tpu.memref_slice %arg2[%dma_wait3A, %dma_wait3A_5] : memref<100000x512xf32, #tpu.memory_space<hbm>> -> memref<100000x512xf32, #tpu.memory_space<hbm>>
    tpu.wait_indirect_dma semaphore(%arg7 : memref<!tpu.dma_semaphore, #tpu.memory_space<semaphore_mem>>) src(%dma_wait3A_6 : memref<100000x512xf32, #tpu.memory_space<hbm>>) dst(%arg6 : memref<16x512xf32, #tpu.memory_space<vmem>>)
    "tpu.region"() ({
      %run_scoped3A = tpu.sem_alloc : memref<!tpu.dma_semaphore, #tpu.memory_space<semaphore_mem>>
      %dma_start3A_7 = arith.constant 0 : i32
      %dma_start3A_8 = tpu.memref_slice %arg4[%mul3A_2, %dma_start3A_7] : memref<512x512xf32, #tpu.memory_space<hbm>> -> memref<16x512xf32, #tpu.memory_space<hbm>>
      %dma_start3A_9 = arith.constant 0 : i32
      %dma_start3A_10 = tpu.memref_slice %arg4[%mul3A_2, %dma_start3A_9] : memref<512x512xf32, #tpu.memory_space<hbm>> -> memref<16x512xf32, #tpu.memory_space<hbm>>
      tpu.enqueue_dma source(%arg6 : memref<16x512xf32, #tpu.memory_space<vmem>>) target(%dma_start3A_10 : memref<16x512xf32, #tpu.memory_space<hbm>>) target_semaphore(%run_scoped3A : memref<!tpu.dma_semaphore, #tpu.memory_space<semaphore_mem>>)
      %dma_wait3A_11 = arith.constant 0 : i32
      %dma_wait3A_12 = tpu.memref_slice %arg4[%mul3A_2, %dma_wait3A_11] : memref<512x512xf32, #tpu.memory_space<hbm>> -> memref<16x512xf32, #tpu.memory_space<hbm>>
      %dma_wait3A_13 = arith.constant 0 : i32
      %dma_wait3A_14 = tpu.memref_slice %arg4[%mul3A_2, %dma_wait3A_13] : memref<512x512xf32, #tpu.memory_space<hbm>> -> memref<16x512xf32, #tpu.memory_space<hbm>>
      tpu.wait_dma2 semaphore(%run_scoped3A : memref<!tpu.dma_semaphore, #tpu.memory_space<semaphore_mem>>) src(%arg6 : memref<16x512xf32, #tpu.memory_space<vmem>>) dst(%dma_wait3A_14 : memref<16x512xf32, #tpu.memory_space<hbm>>)
      tpu.yield
    }) : () -> ()
    return
  }
}

module attributes {stable_mosaic.version = 14 : i64} {
  func.func @_pred_body(%arg0: i32, %arg1: memref<256x512xf32, #tpu.memory_space<vmem>>, %arg2: memref<512x512xf32, #tpu.memory_space<vmem>>, %arg3: memref<512xf32, #tpu.memory_space<vmem>>, %arg4: memref<512x512xf32, #tpu.memory_space<vmem>>, %arg5: memref<512xf32, #tpu.memory_space<vmem>>, %arg6: memref<256x512xf32, #tpu.memory_space<vmem>>, %arg7: memref<256x512xf32, #tpu.memory_space<vmem>>) attributes {dimension_semantics = [#tpu.dimension_semantics<arbitrary>], iteration_bounds = array<i64: 8>, scalar_prefetch = 0 : i64, scratch_operands = 1 : i64, tpu.core_type = #tpu.core_type<tc>, window_params = [{pipeline_mode = #tpu.pipeline_mode<synchronous>, transform_indices = @transform_0, window_bounds = array<i64: 256, 512>}, {transform_indices = @transform_1, window_bounds = array<i64: 512, 512>}, {transform_indices = @transform_2, window_bounds = array<i64: 512>}, {transform_indices = @transform_3, window_bounds = array<i64: 512, 512>}, {pipeline_mode = #tpu.pipeline_mode<synchronous>, transform_indices = @transform_4, window_bounds = array<i64: 512>}, {pipeline_mode = #tpu.pipeline_mode<synchronous>, transform_indices = @transform_5, window_bounds = array<i64: 256, 512>}]} {
    %get3A = arith.constant 0 : index
    %get3A_0 = arith.constant 0 : index
    %get3A_1 = vector.load %arg1[%get3A, %get3A_0] : memref<256x512xf32, #tpu.memory_space<vmem>>, vector<256x512xf32>
    %get3A_2 = arith.constant 0 : index
    %get3A_3 = arith.constant 0 : index
    %get3A_4 = vector.load %arg2[%get3A_2, %get3A_3] : memref<512x512xf32, #tpu.memory_space<vmem>>, vector<512x512xf32>
    %dot_general3A = arith.constant dense<0.000000e+00> : vector<256x512xf32>
    %dot_general3A_5 = tpu.matmul %get3A_1, %get3A_4, %dot_general3A {dimension_numbers = #tpu.dot_dimension_numbers<[1], [0], [0], [1], [0, 0, 1, 1], [], []>, transpose_lhs_hint = false} : vector<256x512xf32>, vector<512x512xf32>, vector<256x512xf32> -> vector<256x512xf32>
    %get3A_6 = arith.constant 0 : index
    %get3A_7 = vector.load %arg3[%get3A_6] : memref<512xf32, #tpu.memory_space<vmem>>, vector<512xf32>
    %reshape3A = vector.shape_cast %get3A_7 : vector<512xf32> to vector<1x512xf32>
    %add3A = vector.broadcast %reshape3A : vector<1x512xf32> to vector<256x512xf32>
    %add3A_8 = arith.addf %dot_general3A_5, %add3A : vector<256x512xf32>
    %max3A = arith.constant 0.000000e+00 : f32
    %max3A_9 = vector.broadcast %max3A : f32 to vector<256x512xf32>
    %max3A_10 = arith.maximumf %add3A_8, %max3A_9 : vector<256x512xf32>
    %get3A_11 = arith.constant 0 : index
    %get3A_12 = arith.constant 0 : index
    %get3A_13 = vector.load %arg4[%get3A_11, %get3A_12] : memref<512x512xf32, #tpu.memory_space<vmem>>, vector<512x512xf32>
    %dot_general3A_14 = arith.constant dense<0.000000e+00> : vector<256x512xf32>
    %dot_general3A_15 = tpu.matmul %max3A_10, %get3A_13, %dot_general3A_14 {dimension_numbers = #tpu.dot_dimension_numbers<[1], [0], [0], [1], [0, 0, 1, 1], [], []>, transpose_lhs_hint = false} : vector<256x512xf32>, vector<512x512xf32>, vector<256x512xf32> -> vector<256x512xf32>
    %eq3A = arith.constant 0 : i32
    %eq3A_16 = arith.cmpi eq, %arg0, %eq3A : i32
    %convert_element_type3A = arith.extui %eq3A_16 : i1 to i32
    %cond3A = arith.constant 0 : i32
    %cond3A_17 = arith.cmpi ne, %convert_element_type3A, %cond3A : i32
    scf.if %cond3A_17 {
      %broadcast_in_dim3A = arith.constant 0.000000e+00 : f32
      %broadcast_in_dim3A_29 = vector.broadcast %broadcast_in_dim3A : f32 to vector<256x512xf32>
      %swap3A_30 = arith.constant 0 : index
      %swap3A_31 = arith.constant 0 : index
      %swap3A_32 = vector.load %arg7[%swap3A_30, %swap3A_31] : memref<256x512xf32, #tpu.memory_space<vmem>>, vector<256x512xf32>
      tpu.vector_store %arg7[%swap3A_30, %swap3A_31], %broadcast_in_dim3A_29 {strides = array<i32>} : memref<256x512xf32, #tpu.memory_space<vmem>>, vector<256x512xf32>,
    } else {
    }
    %get3A_18 = arith.constant 0 : index
    %get3A_19 = arith.constant 0 : index
    %get3A_20 = vector.load %arg7[%get3A_18, %get3A_19] : memref<256x512xf32, #tpu.memory_space<vmem>>, vector<256x512xf32>
    %add3A_21 = arith.addf %get3A_20, %dot_general3A_15 : vector<256x512xf32>
    %swap3A = arith.constant 0 : index
    %swap3A_22 = arith.constant 0 : index
    %swap3A_23 = vector.load %arg7[%swap3A, %swap3A_22] : memref<256x512xf32, #tpu.memory_space<vmem>>, vector<256x512xf32>
    tpu.vector_store %arg7[%swap3A, %swap3A_22], %add3A_21 {strides = array<i32>} : memref<256x512xf32, #tpu.memory_space<vmem>>, vector<256x512xf32>,
    %eq3A_24 = arith.constant 7 : i32
    %eq3A_25 = arith.cmpi eq, %arg0, %eq3A_24 : i32
    %convert_element_type3A_26 = arith.extui %eq3A_25 : i1 to i32
    %cond3A_27 = arith.constant 0 : i32
    %cond3A_28 = arith.cmpi ne, %convert_element_type3A_26, %cond3A_27 : i32
    scf.if %cond3A_28 {
      %get3A_29 = arith.constant 0 : index
      %get3A_30 = arith.constant 0 : index
      %get3A_31 = vector.load %arg7[%get3A_29, %get3A_30] : memref<256x512xf32, #tpu.memory_space<vmem>>, vector<256x512xf32>
      %get3A_32 = arith.constant 0 : index
      %get3A_33 = vector.load %arg5[%get3A_32] : memref<512xf32, #tpu.memory_space<vmem>>, vector<512xf32>
      %reshape3A_34 = vector.shape_cast %get3A_33 : vector<512xf32> to vector<1x512xf32>
      %add3A_35 = vector.broadcast %reshape3A_34 : vector<1x512xf32> to vector<256x512xf32>
      %add3A_36 = arith.addf %get3A_31, %add3A_35 : vector<256x512xf32>
      %mul3A = arith.mulf %add3A_36, %add3A_36 : vector<256x512xf32>
      %reduce_sum3A = arith.constant dense<0.000000e+00> : vector<256xf32>
      %reduce_sum3A_37 = vector.multi_reduction <add>, %mul3A, %reduce_sum3A [1] : vector<256x512xf32> to vector<256xf32>
      %broadcast_in_dim3A = vector.shape_cast %reduce_sum3A_37 : vector<256xf32> to vector<256x1xf32>
      %sqrt3A = math.sqrt %broadcast_in_dim3A : vector<256x1xf32>
      %max3A_38 = arith.constant 9.99999996E-13 : f32
      %max3A_39 = vector.broadcast %max3A_38 : f32 to vector<256x1xf32>
      %max3A_40 = arith.maximumf %sqrt3A, %max3A_39 : vector<256x1xf32>
      %div3A = vector.broadcast %max3A_40 : vector<256x1xf32> to vector<256x512xf32>
      %div3A_41 = arith.divf %add3A_36, %div3A : vector<256x512xf32>
      %swap3A_42 = arith.constant 0 : index
      %swap3A_43 = arith.constant 0 : index
      %swap3A_44 = vector.load %arg6[%swap3A_42, %swap3A_43] : memref<256x512xf32, #tpu.memory_space<vmem>>, vector<256x512xf32>
      tpu.vector_store %arg6[%swap3A_42, %swap3A_43], %div3A_41 {strides = array<i32>} : memref<256x512xf32, #tpu.memory_space<vmem>>, vector<256x512xf32>,
    } else {
    }
    return
  }
  func.func @transform_0(%arg0: i32) -> (i32, i32) {
    %c0_i32 = arith.constant 0 : i32
    %c0_i32_0 = arith.constant 0 : i32
    %c0_i32_1 = arith.constant 0 : i32
    return %c0_i32, %c0_i32_0 : i32, i32
  }
  func.func @transform_1(%arg0: i32) -> (i32, i32) {
    %c0_i32 = arith.constant 0 : i32
    %c0_i32_0 = arith.constant 0 : i32
    return %c0_i32, %arg0 : i32, i32
  }
  func.func @transform_2(%arg0: i32) -> i32 {
    %c0_i32 = arith.constant 0 : i32
    return %arg0 : i32
  }
  func.func @transform_3(%arg0: i32) -> (i32, i32) {
    %c0_i32 = arith.constant 0 : i32
    %c0_i32_0 = arith.constant 0 : i32
    return %arg0, %c0_i32 : i32, i32
  }
  func.func @transform_4(%arg0: i32) -> i32 {
    %c0_i32 = arith.constant 0 : i32
    %c0_i32_0 = arith.constant 0 : i32
    return %c0_i32 : i32
  }
  func.func @transform_5(%arg0: i32) -> (i32, i32) {
    %c0_i32 = arith.constant 0 : i32
    %c0_i32_0 = arith.constant 0 : i32
    %c0_i32_1 = arith.constant 0 : i32
    return %c0_i32, %c0_i32_0 : i32, i32
  }
}

module attributes {stable_mosaic.version = 14 : i64} {
  func.func @_enc_body(%arg0: i32, %arg1: memref<256x2048xf32, #tpu.memory_space<vmem>>, %arg2: memref<256x2048xf32, #tpu.memory_space<vmem>>, %arg3: memref<2048x512xf32, #tpu.memory_space<vmem>>, %arg4: memref<2048x512xf32, #tpu.memory_space<vmem>>, %arg5: memref<512xf32, #tpu.memory_space<vmem>>, %arg6: memref<512xf32, #tpu.memory_space<vmem>>, %arg7: memref<512x512xf32, #tpu.memory_space<vmem>>, %arg8: memref<512x512xf32, #tpu.memory_space<vmem>>, %arg9: memref<512xf32, #tpu.memory_space<vmem>>, %arg10: memref<512xf32, #tpu.memory_space<vmem>>, %arg11: memref<256x512xf32, #tpu.memory_space<vmem>>, %arg12: memref<256x512xf32, #tpu.memory_space<vmem>>, %arg13: memref<256x512xf32, #tpu.memory_space<vmem>>, %arg14: memref<256x512xf32, #tpu.memory_space<vmem>>) attributes {dimension_semantics = [#tpu.dimension_semantics<arbitrary>], iteration_bounds = array<i64: 8>, scalar_prefetch = 0 : i64, scratch_operands = 2 : i64, tpu.core_type = #tpu.core_type<tc>, window_params = [{pipeline_mode = #tpu.pipeline_mode<synchronous>, transform_indices = @transform_0, window_bounds = array<i64: 256, 2048>}, {pipeline_mode = #tpu.pipeline_mode<synchronous>, transform_indices = @transform_1, window_bounds = array<i64: 256, 2048>}, {transform_indices = @transform_2, window_bounds = array<i64: 2048, 512>}, {transform_indices = @transform_3, window_bounds = array<i64: 2048, 512>}, {transform_indices = @transform_4, window_bounds = array<i64: 512>}, {transform_indices = @transform_5, window_bounds = array<i64: 512>}, {transform_indices = @transform_6, window_bounds = array<i64: 512, 512>}, {transform_indices = @transform_7, window_bounds = array<i64: 512, 512>}, {pipeline_mode = #tpu.pipeline_mode<synchronous>, transform_indices = @transform_8, window_bounds = array<i64: 512>}, {pipeline_mode = #tpu.pipeline_mode<synchronous>, transform_indices = @transform_9, window_bounds = array<i64: 512>}, {pipeline_mode = #tpu.pipeline_mode<synchronous>, transform_indices = @transform_10, window_bounds = array<i64: 256, 512>}, {pipeline_mode = #tpu.pipeline_mode<synchronous>, transform_indices = @transform_11, window_bounds = array<i64: 256, 512>}]} {
    %get3A = arith.constant 0 : index
    %get3A_0 = arith.constant 0 : index
    %get3A_1 = vector.load %arg3[%get3A, %get3A_0] : memref<2048x512xf32, #tpu.memory_space<vmem>>, vector<2048x512xf32>
    %get3A_2 = arith.constant 0 : index
    %get3A_3 = arith.constant 0 : index
    %get3A_4 = vector.load %arg4[%get3A_2, %get3A_3] : memref<2048x512xf32, #tpu.memory_space<vmem>>, vector<2048x512xf32>
    %mul3A = arith.constant 9.900000e-01 : f32
    %mul3A_5 = vector.broadcast %mul3A : f32 to vector<2048x512xf32>
    %mul3A_6 = arith.mulf %mul3A_5, %get3A_4 : vector<2048x512xf32>
    %mul3A_7 = arith.constant 0.00999999977 : f32
    %mul3A_8 = vector.broadcast %mul3A_7 : f32 to vector<2048x512xf32>
    %mul3A_9 = arith.mulf %mul3A_8, %get3A_1 : vector<2048x512xf32>
    %add3A = arith.addf %mul3A_6, %mul3A_9 : vector<2048x512xf32>
    %get3A_10 = arith.constant 0 : index
    %get3A_11 = vector.load %arg5[%get3A_10] : memref<512xf32, #tpu.memory_space<vmem>>, vector<512xf32>
    %reshape3A = vector.shape_cast %get3A_11 : vector<512xf32> to vector<1x512xf32>
    %get3A_12 = arith.constant 0 : index
    %get3A_13 = vector.load %arg6[%get3A_12] : memref<512xf32, #tpu.memory_space<vmem>>, vector<512xf32>
    %reshape3A_14 = vector.shape_cast %get3A_13 : vector<512xf32> to vector<1x512xf32>
    %mul3A_15 = arith.constant 9.900000e-01 : f32
    %mul3A_16 = vector.broadcast %mul3A_15 : f32 to vector<1x512xf32>
    %mul3A_17 = arith.mulf %mul3A_16, %reshape3A_14 : vector<1x512xf32>
    %mul3A_18 = arith.constant 0.00999999977 : f32
    %mul3A_19 = vector.broadcast %mul3A_18 : f32 to vector<1x512xf32>
    %mul3A_20 = arith.mulf %mul3A_19, %reshape3A : vector<1x512xf32>
    %add3A_21 = arith.addf %mul3A_17, %mul3A_20 : vector<1x512xf32>
    %get3A_22 = arith.constant 0 : index
    %get3A_23 = arith.constant 0 : index
    %get3A_24 = vector.load %arg1[%get3A_22, %get3A_23] : memref<256x2048xf32, #tpu.memory_space<vmem>>, vector<256x2048xf32>
    %dot_general3A = arith.constant dense<0.000000e+00> : vector<256x512xf32>
    %dot_general3A_25 = tpu.matmul %get3A_24, %get3A_1, %dot_general3A {dimension_numbers = #tpu.dot_dimension_numbers<[1], [0], [0], [1], [0, 0, 1, 1], [], []>, transpose_lhs_hint = false} : vector<256x2048xf32>, vector<2048x512xf32>, vector<256x512xf32> -> vector<256x512xf32>
    %add3A_26 = vector.broadcast %reshape3A : vector<1x512xf32> to vector<256x512xf32>
    %add3A_27 = arith.addf %dot_general3A_25, %add3A_26 : vector<256x512xf32>
    %max3A = arith.constant 0.000000e+00 : f32
    %max3A_28 = vector.broadcast %max3A : f32 to vector<256x512xf32>
    %max3A_29 = arith.maximumf %add3A_27, %max3A_28 : vector<256x512xf32>
    %get3A_30 = arith.constant 0 : index
    %get3A_31 = arith.constant 0 : index
    %get3A_32 = vector.load %arg2[%get3A_30, %get3A_31] : memref<256x2048xf32, #tpu.memory_space<vmem>>, vector<256x2048xf32>
    %dot_general3A_33 = arith.constant dense<0.000000e+00> : vector<256x512xf32>
    %dot_general3A_34 = tpu.matmul %get3A_32, %add3A, %dot_general3A_33 {dimension_numbers = #tpu.dot_dimension_numbers<[1], [0], [0], [1], [0, 0, 1, 1], [], []>, transpose_lhs_hint = false} : vector<256x2048xf32>, vector<2048x512xf32>, vector<256x512xf32> -> vector<256x512xf32>
    %add3A_35 = vector.broadcast %add3A_21 : vector<1x512xf32> to vector<256x512xf32>
    %add3A_36 = arith.addf %dot_general3A_34, %add3A_35 : vector<256x512xf32>
    %max3A_37 = arith.constant 0.000000e+00 : f32
    %max3A_38 = vector.broadcast %max3A_37 : f32 to vector<256x512xf32>
    %max3A_39 = arith.maximumf %add3A_36, %max3A_38 : vector<256x512xf32>
    %get3A_40 = arith.constant 0 : index
    %get3A_41 = arith.constant 0 : index
    %get3A_42 = vector.load %arg7[%get3A_40, %get3A_41] : memref<512x512xf32, #tpu.memory_space<vmem>>, vector<512x512xf32>
    %get3A_43 = arith.constant 0 : index
    %get3A_44 = arith.constant 0 : index
    %get3A_45 = vector.load %arg8[%get3A_43, %get3A_44] : memref<512x512xf32, #tpu.memory_space<vmem>>, vector<512x512xf32>
    %mul3A_46 = arith.constant 9.900000e-01 : f32
    %mul3A_47 = vector.broadcast %mul3A_46 : f32 to vector<512x512xf32>
    %mul3A_48 = arith.mulf %mul3A_47, %get3A_45 : vector<512x512xf32>
    %mul3A_49 = arith.constant 0.00999999977 : f32
    %mul3A_50 = vector.broadcast %mul3A_49 : f32 to vector<512x512xf32>
    %mul3A_51 = arith.mulf %mul3A_50, %get3A_42 : vector<512x512xf32>
    %add3A_52 = arith.addf %mul3A_48, %mul3A_51 : vector<512x512xf32>
    %dot_general3A_53 = arith.constant dense<0.000000e+00> : vector<256x512xf32>
    %dot_general3A_54 = tpu.matmul %max3A_29, %get3A_42, %dot_general3A_53 {dimension_numbers = #tpu.dot_dimension_numbers<[1], [0], [0], [1], [0, 0, 1, 1], [], []>, transpose_lhs_hint = false} : vector<256x512xf32>, vector<512x512xf32>, vector<256x512xf32> -> vector<256x512xf32>
    %dot_general3A_55 = arith.constant dense<0.000000e+00> : vector<256x512xf32>
    %dot_general3A_56 = tpu.matmul %max3A_39, %add3A_52, %dot_general3A_55 {dimension_numbers = #tpu.dot_dimension_numbers<[1], [0], [0], [1], [0, 0, 1, 1], [], []>, transpose_lhs_hint = false} : vector<256x512xf32>, vector<512x512xf32>, vector<256x512xf32> -> vector<256x512xf32>
    %eq3A = arith.constant 0 : i32
    %eq3A_57 = arith.cmpi eq, %arg0, %eq3A : i32
    %convert_element_type3A = arith.extui %eq3A_57 : i1 to i32
    %cond3A = arith.constant 0 : i32
    %cond3A_58 = arith.cmpi ne, %convert_element_type3A, %cond3A : i32
    scf.if %cond3A_58 {
      %broadcast_in_dim3A = arith.constant 0.000000e+00 : f32
      %broadcast_in_dim3A_77 = vector.broadcast %broadcast_in_dim3A : f32 to vector<256x512xf32>
      %swap3A_78 = arith.constant 0 : index
      %swap3A_79 = arith.constant 0 : index
      %swap3A_80 = vector.load %arg13[%swap3A_78, %swap3A_79] : memref<256x512xf32, #tpu.memory_space<vmem>>, vector<256x512xf32>
      tpu.vector_store %arg13[%swap3A_78, %swap3A_79], %broadcast_in_dim3A_77 {strides = array<i32>} : memref<256x512xf32, #tpu.memory_space<vmem>>, vector<256x512xf32>,
      %broadcast_in_dim3A_81 = arith.constant 0.000000e+00 : f32
      %broadcast_in_dim3A_82 = vector.broadcast %broadcast_in_dim3A_81 : f32 to vector<256x512xf32>
      %swap3A_83 = arith.constant 0 : index
      %swap3A_84 = arith.constant 0 : index
      %swap3A_85 = vector.load %arg14[%swap3A_83, %swap3A_84] : memref<256x512xf32, #tpu.memory_space<vmem>>, vector<256x512xf32>
      tpu.vector_store %arg14[%swap3A_83, %swap3A_84], %broadcast_in_dim3A_82 {strides = array<i32>} : memref<256x512xf32, #tpu.memory_space<vmem>>, vector<256x512xf32>,
    } else {
    }
    %get3A_59 = arith.constant 0 : index
    %get3A_60 = arith.constant 0 : index
    %get3A_61 = vector.load %arg13[%get3A_59, %get3A_60] : memref<256x512xf32, #tpu.memory_space<vmem>>, vector<256x512xf32>
    %add3A_62 = arith.addf %get3A_61, %dot_general3A_54 : vector<256x512xf32>
    %swap3A = arith.constant 0 : index
    %swap3A_63 = arith.constant 0 : index
    %swap3A_64 = vector.load %arg13[%swap3A, %swap3A_63] : memref<256x512xf32, #tpu.memory_space<vmem>>, vector<256x512xf32>
    tpu.vector_store %arg13[%swap3A, %swap3A_63], %add3A_62 {strides = array<i32>} : memref<256x512xf32, #tpu.memory_space<vmem>>, vector<256x512xf32>,
    %get3A_65 = arith.constant 0 : index
    %get3A_66 = arith.constant 0 : index
    %get3A_67 = vector.load %arg14[%get3A_65, %get3A_66] : memref<256x512xf32, #tpu.memory_space<vmem>>, vector<256x512xf32>
    %add3A_68 = arith.addf %get3A_67, %dot_general3A_56 : vector<256x512xf32>
    %swap3A_69 = arith.constant 0 : index
    %swap3A_70 = arith.constant 0 : index
    %swap3A_71 = vector.load %arg14[%swap3A_69, %swap3A_70] : memref<256x512xf32, #tpu.memory_space<vmem>>, vector<256x512xf32>
    tpu.vector_store %arg14[%swap3A_69, %swap3A_70], %add3A_68 {strides = array<i32>} : memref<256x512xf32, #tpu.memory_space<vmem>>, vector<256x512xf32>,
    %eq3A_72 = arith.constant 7 : i32
    %eq3A_73 = arith.cmpi eq, %arg0, %eq3A_72 : i32
    %convert_element_type3A_74 = arith.extui %eq3A_73 : i1 to i32
    %cond3A_75 = arith.constant 0 : i32
    %cond3A_76 = arith.cmpi ne, %convert_element_type3A_74, %cond3A_75 : i32
    scf.if %cond3A_76 {
      %get3A_77 = arith.constant 0 : index
      %get3A_78 = vector.load %arg9[%get3A_77] : memref<512xf32, #tpu.memory_space<vmem>>, vector<512xf32>
      %reshape3A_79 = vector.shape_cast %get3A_78 : vector<512xf32> to vector<1x512xf32>
      %get3A_80 = arith.constant 0 : index
      %get3A_81 = arith.constant 0 : index
      %get3A_82 = vector.load %arg13[%get3A_80, %get3A_81] : memref<256x512xf32, #tpu.memory_space<vmem>>, vector<256x512xf32>
      %add3A_83 = vector.broadcast %reshape3A_79 : vector<1x512xf32> to vector<256x512xf32>
      %add3A_84 = arith.addf %get3A_82, %add3A_83 : vector<256x512xf32>
      %swap3A_85 = arith.constant 0 : index
      %swap3A_86 = arith.constant 0 : index
      %swap3A_87 = vector.load %arg11[%swap3A_85, %swap3A_86] : memref<256x512xf32, #tpu.memory_space<vmem>>, vector<256x512xf32>
      tpu.vector_store %arg11[%swap3A_85, %swap3A_86], %add3A_84 {strides = array<i32>} : memref<256x512xf32, #tpu.memory_space<vmem>>, vector<256x512xf32>,
      %get3A_88 = arith.constant 0 : index
      %get3A_89 = vector.load %arg10[%get3A_88] : memref<512xf32, #tpu.memory_space<vmem>>, vector<512xf32>
      %reshape3A_90 = vector.shape_cast %get3A_89 : vector<512xf32> to vector<1x512xf32>
      %mul3A_91 = arith.constant 9.900000e-01 : f32
      %mul3A_92 = vector.broadcast %mul3A_91 : f32 to vector<1x512xf32>
      %mul3A_93 = arith.mulf %mul3A_92, %reshape3A_90 : vector<1x512xf32>
      %mul3A_94 = arith.constant 0.00999999977 : f32
      %mul3A_95 = vector.broadcast %mul3A_94 : f32 to vector<1x512xf32>
      %mul3A_96 = arith.mulf %mul3A_95, %reshape3A_79 : vector<1x512xf32>
      %add3A_97 = arith.addf %mul3A_93, %mul3A_96 : vector<1x512xf32>
      %get3A_98 = arith.constant 0 : index
      %get3A_99 = arith.constant 0 : index
      %get3A_100 = vector.load %arg14[%get3A_98, %get3A_99] : memref<256x512xf32, #tpu.memory_space<vmem>>, vector<256x512xf32>
      %add3A_101 = vector.broadcast %add3A_97 : vector<1x512xf32> to vector<256x512xf32>
      %add3A_102 = arith.addf %get3A_100, %add3A_101 : vector<256x512xf32>
      %mul3A_103 = arith.mulf %add3A_102, %add3A_102 : vector<256x512xf32>
      %reduce_sum3A = arith.constant dense<0.000000e+00> : vector<256xf32>
      %reduce_sum3A_104 = vector.multi_reduction <add>, %mul3A_103, %reduce_sum3A [1] : vector<256x512xf32> to vector<256xf32>
      %broadcast_in_dim3A = vector.shape_cast %reduce_sum3A_104 : vector<256xf32> to vector<256x1xf32>
      %sqrt3A = math.sqrt %broadcast_in_dim3A : vector<256x1xf32>
      %max3A_105 = arith.constant 9.99999996E-13 : f32
      %max3A_106 = vector.broadcast %max3A_105 : f32 to vector<256x1xf32>
      %max3A_107 = arith.maximumf %sqrt3A, %max3A_106 : vector<256x1xf32>
      %div3A = vector.broadcast %max3A_107 : vector<256x1xf32> to vector<256x512xf32>
      %div3A_108 = arith.divf %add3A_102, %div3A : vector<256x512xf32>
      %swap3A_109 = arith.constant 0 : index
      %swap3A_110 = arith.constant 0 : index
      %swap3A_111 = vector.load %arg12[%swap3A_109, %swap3A_110] : memref<256x512xf32, #tpu.memory_space<vmem>>, vector<256x512xf32>
      tpu.vector_store %arg12[%swap3A_109, %swap3A_110], %div3A_108 {strides = array<i32>} : memref<256x512xf32, #tpu.memory_space<vmem>>, vector<256x512xf32>,
    } else {
    }
    return
  }
  func.func @transform_0(%arg0: i32) -> (i32, i32) {
    %c0_i32 = arith.constant 0 : i32
    %c0_i32_0 = arith.constant 0 : i32
    %c0_i32_1 = arith.constant 0 : i32
    return %c0_i32, %c0_i32_0 : i32, i32
  }
  func.func @transform_1(%arg0: i32) -> (i32, i32) {
    %c0_i32 = arith.constant 0 : i32
    %c0_i32_0 = arith.constant 0 : i32
    %c0_i32_1 = arith.constant 0 : i32
    return %c0_i32, %c0_i32_0 : i32, i32
  }
  func.func @transform_2(%arg0: i32) -> (i32, i32) {
    %c0_i32 = arith.constant 0 : i32
    %c0_i32_0 = arith.constant 0 : i32
    return %c0_i32, %arg0 : i32, i32
  }
  func.func @transform_3(%arg0: i32) -> (i32, i32) {
    %c0_i32 = arith.constant 0 : i32
    %c0_i32_0 = arith.constant 0 : i32
    return %c0_i32, %arg0 : i32, i32
  }
  func.func @transform_4(%arg0: i32) -> i32 {
    %c0_i32 = arith.constant 0 : i32
    return %arg0 : i32
  }
  func.func @transform_5(%arg0: i32) -> i32 {
    %c0_i32 = arith.constant 0 : i32
    return %arg0 : i32
  }
  func.func @transform_6(%arg0: i32) -> (i32, i32) {
    %c0_i32 = arith.constant 0 : i32
    %c0_i32_0 = arith.constant 0 : i32
    return %arg0, %c0_i32 : i32, i32
  }
  func.func @transform_7(%arg0: i32) -> (i32, i32) {
    %c0_i32 = arith.constant 0 : i32
    %c0_i32_0 = arith.constant 0 : i32
    return %arg0, %c0_i32 : i32, i32
  }
  func.func @transform_8(%arg0: i32) -> i32 {
    %c0_i32 = arith.constant 0 : i32
    %c0_i32_0 = arith.constant 0 : i32
    return %c0_i32 : i32
  }
  func.func @transform_9(%arg0: i32) -> i32 {
    %c0_i32 = arith.constant 0 : i32
    %c0_i32_0 = arith.constant 0 : i32
    return %c0_i32 : i32
  }
  func.func @transform_10(%arg0: i32) -> (i32, i32) {
    %c0_i32 = arith.constant 0 : i32
    %c0_i32_0 = arith.constant 0 : i32
    %c0_i32_1 = arith.constant 0 : i32
    return %c0_i32, %c0_i32_0 : i32, i32
  }
  func.func @transform_11(%arg0: i32) -> (i32, i32) {
    %c0_i32 = arith.constant 0 : i32
    %c0_i32_0 = arith.constant 0 : i32
    %c0_i32_1 = arith.constant 0 : i32
    return %c0_i32, %c0_i32_0 : i32, i32
  }
}

module attributes {stable_mosaic.version = 14 : i64} {
  func.func @_stream_body(%arg0: i32, %arg1: memref<256x512xf32, #tpu.memory_space<vmem>>, %arg2: memref<256x512xf32, #tpu.memory_space<vmem>>, %arg3: memref<512x512xf32, #tpu.memory_space<vmem>>, %arg4: memref<512x512xf32, #tpu.memory_space<vmem>>, %arg5: memref<512x512xf32, #tpu.memory_space<vmem>>, %arg6: memref<512x512xf32, #tpu.memory_space<vmem>>, %arg7: memref<512x512xf32, #tpu.memory_space<vmem>>, %arg8: memref<512x512xf32, #tpu.memory_space<vmem>>, %arg9: memref<512x512xf32, #tpu.memory_space<vmem>>, %arg10: memref<512x512xf32, #tpu.memory_space<vmem>>, %arg11: memref<256x24xf32, #tpu.memory_space<vmem>>, %arg12: memref<256x8xf32, #tpu.memory_space<vmem>>, %arg13: memref<256x8xf32, #tpu.memory_space<vmem>>, %arg14: memref<256x8xf32, #tpu.memory_space<vmem>>) attributes {dimension_semantics = [#tpu.dimension_semantics<arbitrary>], iteration_bounds = array<i64: 16>, scalar_prefetch = 0 : i64, scratch_operands = 3 : i64, tpu.core_type = #tpu.core_type<tc>, window_params = [{pipeline_mode = #tpu.pipeline_mode<synchronous>, transform_indices = @transform_0, window_bounds = array<i64: 256, 512>}, {pipeline_mode = #tpu.pipeline_mode<synchronous>, transform_indices = @transform_1, window_bounds = array<i64: 256, 512>}, {transform_indices = @transform_2, window_bounds = array<i64: 512, 512>}, {transform_indices = @transform_3, window_bounds = array<i64: 512, 512>}, {transform_indices = @transform_4, window_bounds = array<i64: 512, 512>}, {transform_indices = @transform_5, window_bounds = array<i64: 512, 512>}, {transform_indices = @transform_6, window_bounds = array<i64: 512, 512>}, {transform_indices = @transform_7, window_bounds = array<i64: 512, 512>}, {transform_indices = @transform_8, window_bounds = array<i64: 512, 512>}, {transform_indices = @transform_9, window_bounds = array<i64: 512, 512>}, {pipeline_mode = #tpu.pipeline_mode<synchronous>, transform_indices = @transform_10, window_bounds = array<i64: 256, 24>}]} {
    %eq3A = arith.constant 0 : i32
    %eq3A_0 = arith.cmpi eq, %arg0, %eq3A : i32
    %convert_element_type3A = arith.extui %eq3A_0 : i1 to i32
    %cond3A = arith.constant 0 : i32
    %cond3A_1 = arith.cmpi ne, %convert_element_type3A, %cond3A : i32
    scf.if %cond3A_1 {
      %broadcast_in_dim3A_1155 = arith.constant 0x7F800000 : f32
      %broadcast_in_dim3A_1156 = vector.broadcast %broadcast_in_dim3A_1155 : f32 to vector<256x8xf32>
      %swap3A_1157 = arith.constant 0 : index
      %swap3A_1158 = arith.constant 0 : index
      %swap3A_1159 = vector.load %arg12[%swap3A_1157, %swap3A_1158] : memref<256x8xf32, #tpu.memory_space<vmem>>, vector<256x8xf32>
      tpu.vector_store %arg12[%swap3A_1157, %swap3A_1158], %broadcast_in_dim3A_1156 {strides = array<i32>} : memref<256x8xf32, #tpu.memory_space<vmem>>, vector<256x8xf32>,
      %broadcast_in_dim3A_1160 = arith.constant 1.000000e+09 : f32
      %broadcast_in_dim3A_1161 = vector.broadcast %broadcast_in_dim3A_1160 : f32 to vector<256x8xf32>
      %swap3A_1162 = arith.constant 0 : index
      %swap3A_1163 = arith.constant 0 : index
      %swap3A_1164 = vector.load %arg13[%swap3A_1162, %swap3A_1163] : memref<256x8xf32, #tpu.memory_space<vmem>>, vector<256x8xf32>
      tpu.vector_store %arg13[%swap3A_1162, %swap3A_1163], %broadcast_in_dim3A_1161 {strides = array<i32>} : memref<256x8xf32, #tpu.memory_space<vmem>>, vector<256x8xf32>,
      %broadcast_in_dim3A_1165 = arith.constant 0.000000e+00 : f32
      %broadcast_in_dim3A_1166 = vector.broadcast %broadcast_in_dim3A_1165 : f32 to vector<256x8xf32>
      %swap3A_1167 = arith.constant 0 : index
      %swap3A_1168 = arith.constant 0 : index
      %swap3A_1169 = vector.load %arg14[%swap3A_1167, %swap3A_1168] : memref<256x8xf32, #tpu.memory_space<vmem>>, vector<256x8xf32>
      tpu.vector_store %arg14[%swap3A_1167, %swap3A_1168], %broadcast_in_dim3A_1166 {strides = array<i32>} : memref<256x8xf32, #tpu.memory_space<vmem>>, vector<256x8xf32>,
    } else {
    }
    %get3A = arith.constant 0 : index
    %get3A_2 = arith.constant 0 : index
    %get3A_3 = vector.load %arg1[%get3A, %get3A_2] : memref<256x512xf32, #tpu.memory_space<vmem>>, vector<256x512xf32>
    %get3A_4 = arith.constant 0 : index
    %get3A_5 = arith.constant 0 : index
    %get3A_6 = vector.load %arg2[%get3A_4, %get3A_5] : memref<256x512xf32, #tpu.memory_space<vmem>>, vector<256x512xf32>
    %mul3A = arith.constant 4096 : i32
    %mul3A_7 = arith.muli %arg0, %mul3A : i32
    %add3A = arith.constant 512 : i32
    %add3A_8 = arith.addi %add3A, %mul3A_7 : i32
    %iota3A = tpu.iota {dimensions = array<i32: 1>} : vector<256x4096xi32>
    %get3A_9 = arith.constant 0 : index
    %get3A_10 = arith.constant 0 : index
    %get3A_11 = vector.load %arg3[%get3A_9, %get3A_10] : memref<512x512xf32, #tpu.memory_space<vmem>>, vector<512x512xf32>
    %get3A_12 = arith.constant 0 : index
    %get3A_13 = arith.constant 0 : index
    %get3A_14 = vector.load %arg4[%get3A_12, %get3A_13] : memref<512x512xf32, #tpu.memory_space<vmem>>, vector<512x512xf32>
    %get3A_15 = arith.constant 0 : index
    %get3A_16 = arith.constant 0 : index
    %get3A_17 = vector.load %arg5[%get3A_15, %get3A_16] : memref<512x512xf32, #tpu.memory_space<vmem>>, vector<512x512xf32>
    %get3A_18 = arith.constant 0 : index
    %get3A_19 = arith.constant 0 : index
    %get3A_20 = vector.load %arg6[%get3A_18, %get3A_19] : memref<512x512xf32, #tpu.memory_space<vmem>>, vector<512x512xf32>
    %get3A_21 = arith.constant 0 : index
    %get3A_22 = arith.constant 0 : index
    %get3A_23 = vector.load %arg7[%get3A_21, %get3A_22] : memref<512x512xf32, #tpu.memory_space<vmem>>, vector<512x512xf32>
    %get3A_24 = arith.constant 0 : index
    %get3A_25 = arith.constant 0 : index
    %get3A_26 = vector.load %arg8[%get3A_24, %get3A_25] : memref<512x512xf32, #tpu.memory_space<vmem>>, vector<512x512xf32>
    %get3A_27 = arith.constant 0 : index
    %get3A_28 = arith.constant 0 : index
    %get3A_29 = vector.load %arg9[%get3A_27, %get3A_28] : memref<512x512xf32, #tpu.memory_space<vmem>>, vector<512x512xf32>
    %get3A_30 = arith.constant 0 : index
    %get3A_31 = arith.constant 0 : index
    %get3A_32 = vector.load %arg10[%get3A_30, %get3A_31] : memref<512x512xf32, #tpu.memory_space<vmem>>, vector<512x512xf32>
    %concatenate3A = tpu.concatenate %get3A_11, %get3A_14, %get3A_17, %get3A_20, %get3A_23, %get3A_26, %get3A_29, %get3A_32 in 0 : vector<512x512xf32>, vector<512x512xf32>, vector<512x512xf32>, vector<512x512xf32>, vector<512x512xf32>, vector<512x512xf32>, vector<512x512xf32>, vector<512x512xf32> -> vector<4096x512xf32>
    %add3A_33 = arith.constant 0 : i32
    %add3A_34 = arith.addi %add3A_8, %add3A_33 : i32
    %iota3A_35 = tpu.iota {dimensions = array<i32: 1>} : vector<1x4096xi32>
    %add3A_36 = vector.broadcast %add3A_34 : i32 to vector<1x4096xi32>
    %add3A_37 = arith.addi %add3A_36, %iota3A_35 : vector<1x4096xi32>
    %gt3A = arith.constant 63999 : i32
    %gt3A_38 = vector.broadcast %gt3A : i32 to vector<1x4096xi32>
    %gt3A_39 = arith.cmpi sgt, %add3A_37, %gt3A_38 : vector<1x4096xi32>
    %jit3A = arith.constant 1.000000e+09 : f32
    %jit3A_40 = arith.constant 2.000000e+00 : f32
    %broadcast_in_dim3A = vector.broadcast %jit3A : f32 to vector<1x4096xf32>
    %broadcast_in_dim3A_41 = vector.broadcast %jit3A_40 : f32 to vector<1x4096xf32>
    %select_n3A = arith.select %gt3A_39, %broadcast_in_dim3A, %broadcast_in_dim3A_41 : vector<1x4096xi1>, vector<1x4096xf32>
    %dot_general3A = arith.constant dense<0.000000e+00> : vector<256x4096xf32>
    %dot_general3A_42 = tpu.matmul %get3A_3, %concatenate3A, %dot_general3A {dimension_numbers = #tpu.dot_dimension_numbers<[1], [1], [0], [0], [0, 0, 1, 0], [], []>, transpose_lhs_hint = false} : vector<256x512xf32>, vector<4096x512xf32>, vector<256x4096xf32> -> vector<256x4096xf32>
    %mul3A_43 = arith.constant 2.000000e+00 : f32
    %mul3A_44 = vector.broadcast %mul3A_43 : f32 to vector<256x4096xf32>
    %mul3A_45 = arith.mulf %mul3A_44, %dot_general3A_42 : vector<256x4096xf32>
    %sub3A = vector.broadcast %select_n3A : vector<1x4096xf32> to vector<256x4096xf32>
    %sub3A_46 = arith.subf %sub3A, %mul3A_45 : vector<256x4096xf32>
    %dot_general3A_47 = arith.constant dense<0.000000e+00> : vector<256x4096xf32>
    %dot_general3A_48 = tpu.matmul %get3A_6, %concatenate3A, %dot_general3A_47 {dimension_numbers = #tpu.dot_dimension_numbers<[1], [1], [0], [0], [0, 0, 1, 0], [], []>, transpose_lhs_hint = false} : vector<256x512xf32>, vector<4096x512xf32>, vector<256x4096xf32> -> vector<256x4096xf32>
    %mul3A_49 = arith.constant 2.000000e+00 : f32
    %mul3A_50 = vector.broadcast %mul3A_49 : f32 to vector<256x4096xf32>
    %mul3A_51 = arith.mulf %mul3A_50, %dot_general3A_48 : vector<256x4096xf32>
    %sub3A_52 = arith.constant 2.000000e+00 : f32
    %sub3A_53 = vector.broadcast %sub3A_52 : f32 to vector<256x4096xf32>
    %sub3A_54 = arith.subf %sub3A_53, %mul3A_51 : vector<256x4096xf32>
    %argmin3A = tpu.reduce_index %sub3A_46 {axis = 1 : i32, kind = #tpu.reduction_kind<arg_min>} : vector<256x4096xf32> -> vector<256xi32>
    %broadcast_in_dim3A_55 = vector.shape_cast %argmin3A : vector<256xi32> to vector<256x1xi32>
    %eq3A_56 = vector.broadcast %broadcast_in_dim3A_55 : vector<256x1xi32> to vector<256x4096xi32>
    %eq3A_57 = arith.cmpi eq, %iota3A, %eq3A_56 : vector<256x4096xi32>
    %jit3A_58 = arith.constant 0x7F800000 : f32
    %broadcast_in_dim3A_59 = vector.broadcast %jit3A_58 : f32 to vector<256x4096xf32>
    %select_n3A_60 = arith.select %eq3A_57, %broadcast_in_dim3A_59, %sub3A_46 : vector<256x4096xi1>, vector<256x4096xf32>
    %argmin3A_61 = tpu.reduce_index %select_n3A_60 {axis = 1 : i32, kind = #tpu.reduction_kind<arg_min>} : vector<256x4096xf32> -> vector<256xi32>
    %broadcast_in_dim3A_62 = vector.shape_cast %argmin3A_61 : vector<256xi32> to vector<256x1xi32>
    %eq3A_63 = vector.broadcast %broadcast_in_dim3A_62 : vector<256x1xi32> to vector<256x4096xi32>
    %eq3A_64 = arith.cmpi eq, %iota3A, %eq3A_63 : vector<256x4096xi32>
    %jit3A_65 = arith.constant 0x7F800000 : f32
    %broadcast_in_dim3A_66 = vector.broadcast %jit3A_65 : f32 to vector<256x4096xf32>
    %select_n3A_67 = arith.select %eq3A_64, %broadcast_in_dim3A_66, %select_n3A_60 : vector<256x4096xi1>, vector<256x4096xf32>
    %argmin3A_68 = tpu.reduce_index %select_n3A_67 {axis = 1 : i32, kind = #tpu.reduction_kind<arg_min>} : vector<256x4096xf32> -> vector<256xi32>
    %broadcast_in_dim3A_69 = vector.shape_cast %argmin3A_68 : vector<256xi32> to vector<256x1xi32>
    %eq3A_70 = vector.broadcast %broadcast_in_dim3A_69 : vector<256x1xi32> to vector<256x4096xi32>
    %eq3A_71 = arith.cmpi eq, %iota3A, %eq3A_70 : vector<256x4096xi32>
    %jit3A_72 = arith.constant 0x7F800000 : f32
    %broadcast_in_dim3A_73 = vector.broadcast %jit3A_72 : f32 to vector<256x4096xf32>
    %select_n3A_74 = arith.select %eq3A_71, %broadcast_in_dim3A_73, %select_n3A_67 : vector<256x4096xi1>, vector<256x4096xf32>
    %argmin3A_75 = tpu.reduce_index %select_n3A_74 {axis = 1 : i32, kind = #tpu.reduction_kind<arg_min>} : vector<256x4096xf32> -> vector<256xi32>
    %broadcast_in_dim3A_76 = vector.shape_cast %argmin3A_75 : vector<256xi32> to vector<256x1xi32>
    %eq3A_77 = vector.broadcast %broadcast_in_dim3A_76 : vector<256x1xi32> to vector<256x4096xi32>
    %eq3A_78 = arith.cmpi eq, %iota3A, %eq3A_77 : vector<256x4096xi32>
    %jit3A_79 = arith.constant 0x7F800000 : f32
    %broadcast_in_dim3A_80 = vector.broadcast %jit3A_79 : f32 to vector<256x4096xf32>
    %select_n3A_81 = arith.select %eq3A_78, %broadcast_in_dim3A_80, %select_n3A_74 : vector<256x4096xi1>, vector<256x4096xf32>
    %argmin3A_82 = tpu.reduce_index %select_n3A_81 {axis = 1 : i32, kind = #tpu.reduction_kind<arg_min>} : vector<256x4096xf32> -> vector<256xi32>
    %stack3A = vector.shape_cast %argmin3A : vector<256xi32> to vector<256x1xi32>
    %stack3A_83 = vector.shape_cast %argmin3A_61 : vector<256xi32> to vector<256x1xi32>
    %stack3A_84 = vector.shape_cast %argmin3A_68 : vector<256xi32> to vector<256x1xi32>
    %stack3A_85 = vector.shape_cast %argmin3A_75 : vector<256xi32> to vector<256x1xi32>
    %stack3A_86 = vector.shape_cast %argmin3A_82 : vector<256xi32> to vector<256x1xi32>
    %stack3A_87 = tpu.concatenate %stack3A, %stack3A_83, %stack3A_84, %stack3A_85, %stack3A_86 in 1 : vector<256x1xi32>, vector<256x1xi32>, vector<256x1xi32>, vector<256x1xi32>, vector<256x1xi32> -> vector<256x5xi32>
    %and3A = arith.constant 127 : i32
    %and3A_88 = vector.broadcast %and3A : i32 to vector<256x5xi32>
    %and3A_89 = arith.andi %stack3A_87, %and3A_88 : vector<256x5xi32>
    %shift_right_arithmetic3A = arith.constant 7 : i32
    %shift_right_arithmetic3A_90 = vector.broadcast %shift_right_arithmetic3A : i32 to vector<256x5xi32>
    %shift_right_arithmetic3A_91 = arith.shrsi %stack3A_87, %shift_right_arithmetic3A_90 : vector<256x5xi32>
    %broadcast_in_dim3A_92 = arith.constant 0.000000e+00 : f32
    %broadcast_in_dim3A_93 = vector.broadcast %broadcast_in_dim3A_92 : f32 to vector<256x5xf32>
    %slice3A = vector.extract_strided_slice %sub3A_46 {offsets = [0, 0], sizes = [256, 128], strides = [1, 1]} : vector<256x4096xf32> to vector<256x128xf32>
    %lt3A = arith.constant 0 : i32
    %lt3A_94 = vector.broadcast %lt3A : i32 to vector<256x5xi32>
    %lt3A_95 = arith.cmpi slt, %and3A_89, %lt3A_94 : vector<256x5xi32>
    %add3A_96 = arith.constant 128 : i32
    %add3A_97 = vector.broadcast %add3A_96 : i32 to vector<256x5xi32>
    %add3A_98 = arith.addi %and3A_89, %add3A_97 : vector<256x5xi32>
    %select_n3A_99 = arith.select %lt3A_95, %add3A_98, %and3A_89 : vector<256x5xi1>, vector<256x5xi32>
    %reshape3A = vector.shape_cast %select_n3A_99 : vector<256x5xi32> to vector<256x5x1xi32>
    %gather3A = vector.shape_cast %reshape3A : vector<256x5x1xi32> to vector<256x5xi32>
    %gather3A_100 = tpu.dynamic_gather %slice3A[%gather3A] in [1] : vector<256x128xf32>, vector<256x5xi32> -> vector<256x5xf32>
    %eq3A_101 = arith.constant 0 : i32
    %eq3A_102 = vector.broadcast %eq3A_101 : i32 to vector<256x5xi32>
    %eq3A_103 = arith.cmpi eq, %shift_right_arithmetic3A_91, %eq3A_102 : vector<256x5xi32>
    %select_n3A_104 = arith.select %eq3A_103, %gather3A_100, %broadcast_in_dim3A_93 : vector<256x5xi1>, vector<256x5xf32>
    %slice3A_105 = vector.extract_strided_slice %sub3A_46 {offsets = [0, 128], sizes = [256, 128], strides = [1, 1]} : vector<256x4096xf32> to vector<256x128xf32>
    %lt3A_106 = arith.constant 0 : i32
    %lt3A_107 = vector.broadcast %lt3A_106 : i32 to vector<256x5xi32>
    %lt3A_108 = arith.cmpi slt, %and3A_89, %lt3A_107 : vector<256x5xi32>
    %add3A_109 = arith.constant 128 : i32
    %add3A_110 = vector.broadcast %add3A_109 : i32 to vector<256x5xi32>
    %add3A_111 = arith.addi %and3A_89, %add3A_110 : vector<256x5xi32>
    %select_n3A_112 = arith.select %lt3A_108, %add3A_111, %and3A_89 : vector<256x5xi1>, vector<256x5xi32>
    %reshape3A_113 = vector.shape_cast %select_n3A_112 : vector<256x5xi32> to vector<256x5x1xi32>
    %gather3A_114 = vector.shape_cast %reshape3A_113 : vector<256x5x1xi32> to vector<256x5xi32>
    %gather3A_115 = tpu.dynamic_gather %slice3A_105[%gather3A_114] in [1] : vector<256x128xf32>, vector<256x5xi32> -> vector<256x5xf32>
    %eq3A_116 = arith.constant 1 : i32
    %eq3A_117 = vector.broadcast %eq3A_116 : i32 to vector<256x5xi32>
    %eq3A_118 = arith.cmpi eq, %shift_right_arithmetic3A_91, %eq3A_117 : vector<256x5xi32>
    %select_n3A_119 = arith.select %eq3A_118, %gather3A_115, %select_n3A_104 : vector<256x5xi1>, vector<256x5xf32>
    %slice3A_120 = vector.extract_strided_slice %sub3A_46 {offsets = [0, 256], sizes = [256, 128], strides = [1, 1]} : vector<256x4096xf32> to vector<256x128xf32>
    %lt3A_121 = arith.constant 0 : i32
    %lt3A_122 = vector.broadcast %lt3A_121 : i32 to vector<256x5xi32>
    %lt3A_123 = arith.cmpi slt, %and3A_89, %lt3A_122 : vector<256x5xi32>
    %add3A_124 = arith.constant 128 : i32
    %add3A_125 = vector.broadcast %add3A_124 : i32 to vector<256x5xi32>
    %add3A_126 = arith.addi %and3A_89, %add3A_125 : vector<256x5xi32>
    %select_n3A_127 = arith.select %lt3A_123, %add3A_126, %and3A_89 : vector<256x5xi1>, vector<256x5xi32>
    %reshape3A_128 = vector.shape_cast %select_n3A_127 : vector<256x5xi32> to vector<256x5x1xi32>
    %gather3A_129 = vector.shape_cast %reshape3A_128 : vector<256x5x1xi32> to vector<256x5xi32>
    %gather3A_130 = tpu.dynamic_gather %slice3A_120[%gather3A_129] in [1] : vector<256x128xf32>, vector<256x5xi32> -> vector<256x5xf32>
    %eq3A_131 = arith.constant 2 : i32
    %eq3A_132 = vector.broadcast %eq3A_131 : i32 to vector<256x5xi32>
    %eq3A_133 = arith.cmpi eq, %shift_right_arithmetic3A_91, %eq3A_132 : vector<256x5xi32>
    %select_n3A_134 = arith.select %eq3A_133, %gather3A_130, %select_n3A_119 : vector<256x5xi1>, vector<256x5xf32>
    %slice3A_135 = vector.extract_strided_slice %sub3A_46 {offsets = [0, 384], sizes = [256, 128], strides = [1, 1]} : vector<256x4096xf32> to vector<256x128xf32>
    %lt3A_136 = arith.constant 0 : i32
    %lt3A_137 = vector.broadcast %lt3A_136 : i32 to vector<256x5xi32>
    %lt3A_138 = arith.cmpi slt, %and3A_89, %lt3A_137 : vector<256x5xi32>
    %add3A_139 = arith.constant 128 : i32
    %add3A_140 = vector.broadcast %add3A_139 : i32 to vector<256x5xi32>
    %add3A_141 = arith.addi %and3A_89, %add3A_140 : vector<256x5xi32>
    %select_n3A_142 = arith.select %lt3A_138, %add3A_141, %and3A_89 : vector<256x5xi1>, vector<256x5xi32>
    %reshape3A_143 = vector.shape_cast %select_n3A_142 : vector<256x5xi32> to vector<256x5x1xi32>
    %gather3A_144 = vector.shape_cast %reshape3A_143 : vector<256x5x1xi32> to vector<256x5xi32>
    %gather3A_145 = tpu.dynamic_gather %slice3A_135[%gather3A_144] in [1] : vector<256x128xf32>, vector<256x5xi32> -> vector<256x5xf32>
    %eq3A_146 = arith.constant 3 : i32
    %eq3A_147 = vector.broadcast %eq3A_146 : i32 to vector<256x5xi32>
    %eq3A_148 = arith.cmpi eq, %shift_right_arithmetic3A_91, %eq3A_147 : vector<256x5xi32>
    %select_n3A_149 = arith.select %eq3A_148, %gather3A_145, %select_n3A_134 : vector<256x5xi1>, vector<256x5xf32>
    %slice3A_150 = vector.extract_strided_slice %sub3A_46 {offsets = [0, 512], sizes = [256, 128], strides = [1, 1]} : vector<256x4096xf32> to vector<256x128xf32>
    %lt3A_151 = arith.constant 0 : i32
    %lt3A_152 = vector.broadcast %lt3A_151 : i32 to vector<256x5xi32>
    %lt3A_153 = arith.cmpi slt, %and3A_89, %lt3A_152 : vector<256x5xi32>
    %add3A_154 = arith.constant 128 : i32
    %add3A_155 = vector.broadcast %add3A_154 : i32 to vector<256x5xi32>
    %add3A_156 = arith.addi %and3A_89, %add3A_155 : vector<256x5xi32>
    %select_n3A_157 = arith.select %lt3A_153, %add3A_156, %and3A_89 : vector<256x5xi1>, vector<256x5xi32>
    %reshape3A_158 = vector.shape_cast %select_n3A_157 : vector<256x5xi32> to vector<256x5x1xi32>
    %gather3A_159 = vector.shape_cast %reshape3A_158 : vector<256x5x1xi32> to vector<256x5xi32>
    %gather3A_160 = tpu.dynamic_gather %slice3A_150[%gather3A_159] in [1] : vector<256x128xf32>, vector<256x5xi32> -> vector<256x5xf32>
    %eq3A_161 = arith.constant 4 : i32
    %eq3A_162 = vector.broadcast %eq3A_161 : i32 to vector<256x5xi32>
    %eq3A_163 = arith.cmpi eq, %shift_right_arithmetic3A_91, %eq3A_162 : vector<256x5xi32>
    %select_n3A_164 = arith.select %eq3A_163, %gather3A_160, %select_n3A_149 : vector<256x5xi1>, vector<256x5xf32>
    %slice3A_165 = vector.extract_strided_slice %sub3A_46 {offsets = [0, 640], sizes = [256, 128], strides = [1, 1]} : vector<256x4096xf32> to vector<256x128xf32>
    %lt3A_166 = arith.constant 0 : i32
    %lt3A_167 = vector.broadcast %lt3A_166 : i32 to vector<256x5xi32>
    %lt3A_168 = arith.cmpi slt, %and3A_89, %lt3A_167 : vector<256x5xi32>
    %add3A_169 = arith.constant 128 : i32
    %add3A_170 = vector.broadcast %add3A_169 : i32 to vector<256x5xi32>
    %add3A_171 = arith.addi %and3A_89, %add3A_170 : vector<256x5xi32>
    %select_n3A_172 = arith.select %lt3A_168, %add3A_171, %and3A_89 : vector<256x5xi1>, vector<256x5xi32>
    %reshape3A_173 = vector.shape_cast %select_n3A_172 : vector<256x5xi32> to vector<256x5x1xi32>
    %gather3A_174 = vector.shape_cast %reshape3A_173 : vector<256x5x1xi32> to vector<256x5xi32>
    %gather3A_175 = tpu.dynamic_gather %slice3A_165[%gather3A_174] in [1] : vector<256x128xf32>, vector<256x5xi32> -> vector<256x5xf32>
    %eq3A_176 = arith.constant 5 : i32
    %eq3A_177 = vector.broadcast %eq3A_176 : i32 to vector<256x5xi32>
    %eq3A_178 = arith.cmpi eq, %shift_right_arithmetic3A_91, %eq3A_177 : vector<256x5xi32>
    %select_n3A_179 = arith.select %eq3A_178, %gather3A_175, %select_n3A_164 : vector<256x5xi1>, vector<256x5xf32>
    %slice3A_180 = vector.extract_strided_slice %sub3A_46 {offsets = [0, 768], sizes = [256, 128], strides = [1, 1]} : vector<256x4096xf32> to vector<256x128xf32>
    %lt3A_181 = arith.constant 0 : i32
    %lt3A_182 = vector.broadcast %lt3A_181 : i32 to vector<256x5xi32>
    %lt3A_183 = arith.cmpi slt, %and3A_89, %lt3A_182 : vector<256x5xi32>
    %add3A_184 = arith.constant 128 : i32
    %add3A_185 = vector.broadcast %add3A_184 : i32 to vector<256x5xi32>
    %add3A_186 = arith.addi %and3A_89, %add3A_185 : vector<256x5xi32>
    %select_n3A_187 = arith.select %lt3A_183, %add3A_186, %and3A_89 : vector<256x5xi1>, vector<256x5xi32>
    %reshape3A_188 = vector.shape_cast %select_n3A_187 : vector<256x5xi32> to vector<256x5x1xi32>
    %gather3A_189 = vector.shape_cast %reshape3A_188 : vector<256x5x1xi32> to vector<256x5xi32>
    %gather3A_190 = tpu.dynamic_gather %slice3A_180[%gather3A_189] in [1] : vector<256x128xf32>, vector<256x5xi32> -> vector<256x5xf32>
    %eq3A_191 = arith.constant 6 : i32
    %eq3A_192 = vector.broadcast %eq3A_191 : i32 to vector<256x5xi32>
    %eq3A_193 = arith.cmpi eq, %shift_right_arithmetic3A_91, %eq3A_192 : vector<256x5xi32>
    %select_n3A_194 = arith.select %eq3A_193, %gather3A_190, %select_n3A_179 : vector<256x5xi1>, vector<256x5xf32>
    %slice3A_195 = vector.extract_strided_slice %sub3A_46 {offsets = [0, 896], sizes = [256, 128], strides = [1, 1]} : vector<256x4096xf32> to vector<256x128xf32>
    %lt3A_196 = arith.constant 0 : i32
    %lt3A_197 = vector.broadcast %lt3A_196 : i32 to vector<256x5xi32>
    %lt3A_198 = arith.cmpi slt, %and3A_89, %lt3A_197 : vector<256x5xi32>
    %add3A_199 = arith.constant 128 : i32
    %add3A_200 = vector.broadcast %add3A_199 : i32 to vector<256x5xi32>
    %add3A_201 = arith.addi %and3A_89, %add3A_200 : vector<256x5xi32>
    %select_n3A_202 = arith.select %lt3A_198, %add3A_201, %and3A_89 : vector<256x5xi1>, vector<256x5xi32>
    %reshape3A_203 = vector.shape_cast %select_n3A_202 : vector<256x5xi32> to vector<256x5x1xi32>
    %gather3A_204 = vector.shape_cast %reshape3A_203 : vector<256x5x1xi32> to vector<256x5xi32>
    %gather3A_205 = tpu.dynamic_gather %slice3A_195[%gather3A_204] in [1] : vector<256x128xf32>, vector<256x5xi32> -> vector<256x5xf32>
    %eq3A_206 = arith.constant 7 : i32
    %eq3A_207 = vector.broadcast %eq3A_206 : i32 to vector<256x5xi32>
    %eq3A_208 = arith.cmpi eq, %shift_right_arithmetic3A_91, %eq3A_207 : vector<256x5xi32>
    %select_n3A_209 = arith.select %eq3A_208, %gather3A_205, %select_n3A_194 : vector<256x5xi1>, vector<256x5xf32>
    %slice3A_210 = vector.extract_strided_slice %sub3A_46 {offsets = [0, 1024], sizes = [256, 128], strides = [1, 1]} : vector<256x4096xf32> to vector<256x128xf32>
    %lt3A_211 = arith.constant 0 : i32
    %lt3A_212 = vector.broadcast %lt3A_211 : i32 to vector<256x5xi32>
    %lt3A_213 = arith.cmpi slt, %and3A_89, %lt3A_212 : vector<256x5xi32>
    %add3A_214 = arith.constant 128 : i32
    %add3A_215 = vector.broadcast %add3A_214 : i32 to vector<256x5xi32>
    %add3A_216 = arith.addi %and3A_89, %add3A_215 : vector<256x5xi32>
    %select_n3A_217 = arith.select %lt3A_213, %add3A_216, %and3A_89 : vector<256x5xi1>, vector<256x5xi32>
    %reshape3A_218 = vector.shape_cast %select_n3A_217 : vector<256x5xi32> to vector<256x5x1xi32>
    %gather3A_219 = vector.shape_cast %reshape3A_218 : vector<256x5x1xi32> to vector<256x5xi32>
    %gather3A_220 = tpu.dynamic_gather %slice3A_210[%gather3A_219] in [1] : vector<256x128xf32>, vector<256x5xi32> -> vector<256x5xf32>
    %eq3A_221 = arith.constant 8 : i32
    %eq3A_222 = vector.broadcast %eq3A_221 : i32 to vector<256x5xi32>
    %eq3A_223 = arith.cmpi eq, %shift_right_arithmetic3A_91, %eq3A_222 : vector<256x5xi32>
    %select_n3A_224 = arith.select %eq3A_223, %gather3A_220, %select_n3A_209 : vector<256x5xi1>, vector<256x5xf32>
    %slice3A_225 = vector.extract_strided_slice %sub3A_46 {offsets = [0, 1152], sizes = [256, 128], strides = [1, 1]} : vector<256x4096xf32> to vector<256x128xf32>
    %lt3A_226 = arith.constant 0 : i32
    %lt3A_227 = vector.broadcast %lt3A_226 : i32 to vector<256x5xi32>
    %lt3A_228 = arith.cmpi slt, %and3A_89, %lt3A_227 : vector<256x5xi32>
    %add3A_229 = arith.constant 128 : i32
    %add3A_230 = vector.broadcast %add3A_229 : i32 to vector<256x5xi32>
    %add3A_231 = arith.addi %and3A_89, %add3A_230 : vector<256x5xi32>
    %select_n3A_232 = arith.select %lt3A_228, %add3A_231, %and3A_89 : vector<256x5xi1>, vector<256x5xi32>
    %reshape3A_233 = vector.shape_cast %select_n3A_232 : vector<256x5xi32> to vector<256x5x1xi32>
    %gather3A_234 = vector.shape_cast %reshape3A_233 : vector<256x5x1xi32> to vector<256x5xi32>
    %gather3A_235 = tpu.dynamic_gather %slice3A_225[%gather3A_234] in [1] : vector<256x128xf32>, vector<256x5xi32> -> vector<256x5xf32>
    %eq3A_236 = arith.constant 9 : i32
    %eq3A_237 = vector.broadcast %eq3A_236 : i32 to vector<256x5xi32>
    %eq3A_238 = arith.cmpi eq, %shift_right_arithmetic3A_91, %eq3A_237 : vector<256x5xi32>
    %select_n3A_239 = arith.select %eq3A_238, %gather3A_235, %select_n3A_224 : vector<256x5xi1>, vector<256x5xf32>
    %slice3A_240 = vector.extract_strided_slice %sub3A_46 {offsets = [0, 1280], sizes = [256, 128], strides = [1, 1]} : vector<256x4096xf32> to vector<256x128xf32>
    %lt3A_241 = arith.constant 0 : i32
    %lt3A_242 = vector.broadcast %lt3A_241 : i32 to vector<256x5xi32>
    %lt3A_243 = arith.cmpi slt, %and3A_89, %lt3A_242 : vector<256x5xi32>
    %add3A_244 = arith.constant 128 : i32
    %add3A_245 = vector.broadcast %add3A_244 : i32 to vector<256x5xi32>
    %add3A_246 = arith.addi %and3A_89, %add3A_245 : vector<256x5xi32>
    %select_n3A_247 = arith.select %lt3A_243, %add3A_246, %and3A_89 : vector<256x5xi1>, vector<256x5xi32>
    %reshape3A_248 = vector.shape_cast %select_n3A_247 : vector<256x5xi32> to vector<256x5x1xi32>
    %gather3A_249 = vector.shape_cast %reshape3A_248 : vector<256x5x1xi32> to vector<256x5xi32>
    %gather3A_250 = tpu.dynamic_gather %slice3A_240[%gather3A_249] in [1] : vector<256x128xf32>, vector<256x5xi32> -> vector<256x5xf32>
    %eq3A_251 = arith.constant 10 : i32
    %eq3A_252 = vector.broadcast %eq3A_251 : i32 to vector<256x5xi32>
    %eq3A_253 = arith.cmpi eq, %shift_right_arithmetic3A_91, %eq3A_252 : vector<256x5xi32>
    %select_n3A_254 = arith.select %eq3A_253, %gather3A_250, %select_n3A_239 : vector<256x5xi1>, vector<256x5xf32>
    %slice3A_255 = vector.extract_strided_slice %sub3A_46 {offsets = [0, 1408], sizes = [256, 128], strides = [1, 1]} : vector<256x4096xf32> to vector<256x128xf32>
    %lt3A_256 = arith.constant 0 : i32
    %lt3A_257 = vector.broadcast %lt3A_256 : i32 to vector<256x5xi32>
    %lt3A_258 = arith.cmpi slt, %and3A_89, %lt3A_257 : vector<256x5xi32>
    %add3A_259 = arith.constant 128 : i32
    %add3A_260 = vector.broadcast %add3A_259 : i32 to vector<256x5xi32>
    %add3A_261 = arith.addi %and3A_89, %add3A_260 : vector<256x5xi32>
    %select_n3A_262 = arith.select %lt3A_258, %add3A_261, %and3A_89 : vector<256x5xi1>, vector<256x5xi32>
    %reshape3A_263 = vector.shape_cast %select_n3A_262 : vector<256x5xi32> to vector<256x5x1xi32>
    %gather3A_264 = vector.shape_cast %reshape3A_263 : vector<256x5x1xi32> to vector<256x5xi32>
    %gather3A_265 = tpu.dynamic_gather %slice3A_255[%gather3A_264] in [1] : vector<256x128xf32>, vector<256x5xi32> -> vector<256x5xf32>
    %eq3A_266 = arith.constant 11 : i32
    %eq3A_267 = vector.broadcast %eq3A_266 : i32 to vector<256x5xi32>
    %eq3A_268 = arith.cmpi eq, %shift_right_arithmetic3A_91, %eq3A_267 : vector<256x5xi32>
    %select_n3A_269 = arith.select %eq3A_268, %gather3A_265, %select_n3A_254 : vector<256x5xi1>, vector<256x5xf32>
    %slice3A_270 = vector.extract_strided_slice %sub3A_46 {offsets = [0, 1536], sizes = [256, 128], strides = [1, 1]} : vector<256x4096xf32> to vector<256x128xf32>
    %lt3A_271 = arith.constant 0 : i32
    %lt3A_272 = vector.broadcast %lt3A_271 : i32 to vector<256x5xi32>
    %lt3A_273 = arith.cmpi slt, %and3A_89, %lt3A_272 : vector<256x5xi32>
    %add3A_274 = arith.constant 128 : i32
    %add3A_275 = vector.broadcast %add3A_274 : i32 to vector<256x5xi32>
    %add3A_276 = arith.addi %and3A_89, %add3A_275 : vector<256x5xi32>
    %select_n3A_277 = arith.select %lt3A_273, %add3A_276, %and3A_89 : vector<256x5xi1>, vector<256x5xi32>
    %reshape3A_278 = vector.shape_cast %select_n3A_277 : vector<256x5xi32> to vector<256x5x1xi32>
    %gather3A_279 = vector.shape_cast %reshape3A_278 : vector<256x5x1xi32> to vector<256x5xi32>
    %gather3A_280 = tpu.dynamic_gather %slice3A_270[%gather3A_279] in [1] : vector<256x128xf32>, vector<256x5xi32> -> vector<256x5xf32>
    %eq3A_281 = arith.constant 12 : i32
    %eq3A_282 = vector.broadcast %eq3A_281 : i32 to vector<256x5xi32>
    %eq3A_283 = arith.cmpi eq, %shift_right_arithmetic3A_91, %eq3A_282 : vector<256x5xi32>
    %select_n3A_284 = arith.select %eq3A_283, %gather3A_280, %select_n3A_269 : vector<256x5xi1>, vector<256x5xf32>
    %slice3A_285 = vector.extract_strided_slice %sub3A_46 {offsets = [0, 1664], sizes = [256, 128], strides = [1, 1]} : vector<256x4096xf32> to vector<256x128xf32>
    %lt3A_286 = arith.constant 0 : i32
    %lt3A_287 = vector.broadcast %lt3A_286 : i32 to vector<256x5xi32>
    %lt3A_288 = arith.cmpi slt, %and3A_89, %lt3A_287 : vector<256x5xi32>
    %add3A_289 = arith.constant 128 : i32
    %add3A_290 = vector.broadcast %add3A_289 : i32 to vector<256x5xi32>
    %add3A_291 = arith.addi %and3A_89, %add3A_290 : vector<256x5xi32>
    %select_n3A_292 = arith.select %lt3A_288, %add3A_291, %and3A_89 : vector<256x5xi1>, vector<256x5xi32>
    %reshape3A_293 = vector.shape_cast %select_n3A_292 : vector<256x5xi32> to vector<256x5x1xi32>
    %gather3A_294 = vector.shape_cast %reshape3A_293 : vector<256x5x1xi32> to vector<256x5xi32>
    %gather3A_295 = tpu.dynamic_gather %slice3A_285[%gather3A_294] in [1] : vector<256x128xf32>, vector<256x5xi32> -> vector<256x5xf32>
    %eq3A_296 = arith.constant 13 : i32
    %eq3A_297 = vector.broadcast %eq3A_296 : i32 to vector<256x5xi32>
    %eq3A_298 = arith.cmpi eq, %shift_right_arithmetic3A_91, %eq3A_297 : vector<256x5xi32>
    %select_n3A_299 = arith.select %eq3A_298, %gather3A_295, %select_n3A_284 : vector<256x5xi1>, vector<256x5xf32>
    %slice3A_300 = vector.extract_strided_slice %sub3A_46 {offsets = [0, 1792], sizes = [256, 128], strides = [1, 1]} : vector<256x4096xf32> to vector<256x128xf32>
    %lt3A_301 = arith.constant 0 : i32
    %lt3A_302 = vector.broadcast %lt3A_301 : i32 to vector<256x5xi32>
    %lt3A_303 = arith.cmpi slt, %and3A_89, %lt3A_302 : vector<256x5xi32>
    %add3A_304 = arith.constant 128 : i32
    %add3A_305 = vector.broadcast %add3A_304 : i32 to vector<256x5xi32>
    %add3A_306 = arith.addi %and3A_89, %add3A_305 : vector<256x5xi32>
    %select_n3A_307 = arith.select %lt3A_303, %add3A_306, %and3A_89 : vector<256x5xi1>, vector<256x5xi32>
    %reshape3A_308 = vector.shape_cast %select_n3A_307 : vector<256x5xi32> to vector<256x5x1xi32>
    %gather3A_309 = vector.shape_cast %reshape3A_308 : vector<256x5x1xi32> to vector<256x5xi32>
    %gather3A_310 = tpu.dynamic_gather %slice3A_300[%gather3A_309] in [1] : vector<256x128xf32>, vector<256x5xi32> -> vector<256x5xf32>
    %eq3A_311 = arith.constant 14 : i32
    %eq3A_312 = vector.broadcast %eq3A_311 : i32 to vector<256x5xi32>
    %eq3A_313 = arith.cmpi eq, %shift_right_arithmetic3A_91, %eq3A_312 : vector<256x5xi32>
    %select_n3A_314 = arith.select %eq3A_313, %gather3A_310, %select_n3A_299 : vector<256x5xi1>, vector<256x5xf32>
    %slice3A_315 = vector.extract_strided_slice %sub3A_46 {offsets = [0, 1920], sizes = [256, 128], strides = [1, 1]} : vector<256x4096xf32> to vector<256x128xf32>
    %lt3A_316 = arith.constant 0 : i32
    %lt3A_317 = vector.broadcast %lt3A_316 : i32 to vector<256x5xi32>
    %lt3A_318 = arith.cmpi slt, %and3A_89, %lt3A_317 : vector<256x5xi32>
    %add3A_319 = arith.constant 128 : i32
    %add3A_320 = vector.broadcast %add3A_319 : i32 to vector<256x5xi32>
    %add3A_321 = arith.addi %and3A_89, %add3A_320 : vector<256x5xi32>
    %select_n3A_322 = arith.select %lt3A_318, %add3A_321, %and3A_89 : vector<256x5xi1>, vector<256x5xi32>
    %reshape3A_323 = vector.shape_cast %select_n3A_322 : vector<256x5xi32> to vector<256x5x1xi32>
    %gather3A_324 = vector.shape_cast %reshape3A_323 : vector<256x5x1xi32> to vector<256x5xi32>
    %gather3A_325 = tpu.dynamic_gather %slice3A_315[%gather3A_324] in [1] : vector<256x128xf32>, vector<256x5xi32> -> vector<256x5xf32>
    %eq3A_326 = arith.constant 15 : i32
    %eq3A_327 = vector.broadcast %eq3A_326 : i32 to vector<256x5xi32>
    %eq3A_328 = arith.cmpi eq, %shift_right_arithmetic3A_91, %eq3A_327 : vector<256x5xi32>
    %select_n3A_329 = arith.select %eq3A_328, %gather3A_325, %select_n3A_314 : vector<256x5xi1>, vector<256x5xf32>
    %slice3A_330 = vector.extract_strided_slice %sub3A_46 {offsets = [0, 2048], sizes = [256, 128], strides = [1, 1]} : vector<256x4096xf32> to vector<256x128xf32>
    %lt3A_331 = arith.constant 0 : i32
    %lt3A_332 = vector.broadcast %lt3A_331 : i32 to vector<256x5xi32>
    %lt3A_333 = arith.cmpi slt, %and3A_89, %lt3A_332 : vector<256x5xi32>
    %add3A_334 = arith.constant 128 : i32
    %add3A_335 = vector.broadcast %add3A_334 : i32 to vector<256x5xi32>
    %add3A_336 = arith.addi %and3A_89, %add3A_335 : vector<256x5xi32>
    %select_n3A_337 = arith.select %lt3A_333, %add3A_336, %and3A_89 : vector<256x5xi1>, vector<256x5xi32>
    %reshape3A_338 = vector.shape_cast %select_n3A_337 : vector<256x5xi32> to vector<256x5x1xi32>
    %gather3A_339 = vector.shape_cast %reshape3A_338 : vector<256x5x1xi32> to vector<256x5xi32>
    %gather3A_340 = tpu.dynamic_gather %slice3A_330[%gather3A_339] in [1] : vector<256x128xf32>, vector<256x5xi32> -> vector<256x5xf32>
    %eq3A_341 = arith.constant 16 : i32
    %eq3A_342 = vector.broadcast %eq3A_341 : i32 to vector<256x5xi32>
    %eq3A_343 = arith.cmpi eq, %shift_right_arithmetic3A_91, %eq3A_342 : vector<256x5xi32>
    %select_n3A_344 = arith.select %eq3A_343, %gather3A_340, %select_n3A_329 : vector<256x5xi1>, vector<256x5xf32>
    %slice3A_345 = vector.extract_strided_slice %sub3A_46 {offsets = [0, 2176], sizes = [256, 128], strides = [1, 1]} : vector<256x4096xf32> to vector<256x128xf32>
    %lt3A_346 = arith.constant 0 : i32
    %lt3A_347 = vector.broadcast %lt3A_346 : i32 to vector<256x5xi32>
    %lt3A_348 = arith.cmpi slt, %and3A_89, %lt3A_347 : vector<256x5xi32>
    %add3A_349 = arith.constant 128 : i32
    %add3A_350 = vector.broadcast %add3A_349 : i32 to vector<256x5xi32>
    %add3A_351 = arith.addi %and3A_89, %add3A_350 : vector<256x5xi32>
    %select_n3A_352 = arith.select %lt3A_348, %add3A_351, %and3A_89 : vector<256x5xi1>, vector<256x5xi32>
    %reshape3A_353 = vector.shape_cast %select_n3A_352 : vector<256x5xi32> to vector<256x5x1xi32>
    %gather3A_354 = vector.shape_cast %reshape3A_353 : vector<256x5x1xi32> to vector<256x5xi32>
    %gather3A_355 = tpu.dynamic_gather %slice3A_345[%gather3A_354] in [1] : vector<256x128xf32>, vector<256x5xi32> -> vector<256x5xf32>
    %eq3A_356 = arith.constant 17 : i32
    %eq3A_357 = vector.broadcast %eq3A_356 : i32 to vector<256x5xi32>
    %eq3A_358 = arith.cmpi eq, %shift_right_arithmetic3A_91, %eq3A_357 : vector<256x5xi32>
    %select_n3A_359 = arith.select %eq3A_358, %gather3A_355, %select_n3A_344 : vector<256x5xi1>, vector<256x5xf32>
    %slice3A_360 = vector.extract_strided_slice %sub3A_46 {offsets = [0, 2304], sizes = [256, 128], strides = [1, 1]} : vector<256x4096xf32> to vector<256x128xf32>
    %lt3A_361 = arith.constant 0 : i32
    %lt3A_362 = vector.broadcast %lt3A_361 : i32 to vector<256x5xi32>
    %lt3A_363 = arith.cmpi slt, %and3A_89, %lt3A_362 : vector<256x5xi32>
    %add3A_364 = arith.constant 128 : i32
    %add3A_365 = vector.broadcast %add3A_364 : i32 to vector<256x5xi32>
    %add3A_366 = arith.addi %and3A_89, %add3A_365 : vector<256x5xi32>
    %select_n3A_367 = arith.select %lt3A_363, %add3A_366, %and3A_89 : vector<256x5xi1>, vector<256x5xi32>
    %reshape3A_368 = vector.shape_cast %select_n3A_367 : vector<256x5xi32> to vector<256x5x1xi32>
    %gather3A_369 = vector.shape_cast %reshape3A_368 : vector<256x5x1xi32> to vector<256x5xi32>
    %gather3A_370 = tpu.dynamic_gather %slice3A_360[%gather3A_369] in [1] : vector<256x128xf32>, vector<256x5xi32> -> vector<256x5xf32>
    %eq3A_371 = arith.constant 18 : i32
    %eq3A_372 = vector.broadcast %eq3A_371 : i32 to vector<256x5xi32>
    %eq3A_373 = arith.cmpi eq, %shift_right_arithmetic3A_91, %eq3A_372 : vector<256x5xi32>
    %select_n3A_374 = arith.select %eq3A_373, %gather3A_370, %select_n3A_359 : vector<256x5xi1>, vector<256x5xf32>
    %slice3A_375 = vector.extract_strided_slice %sub3A_46 {offsets = [0, 2432], sizes = [256, 128], strides = [1, 1]} : vector<256x4096xf32> to vector<256x128xf32>
    %lt3A_376 = arith.constant 0 : i32
    %lt3A_377 = vector.broadcast %lt3A_376 : i32 to vector<256x5xi32>
    %lt3A_378 = arith.cmpi slt, %and3A_89, %lt3A_377 : vector<256x5xi32>
    %add3A_379 = arith.constant 128 : i32
    %add3A_380 = vector.broadcast %add3A_379 : i32 to vector<256x5xi32>
    %add3A_381 = arith.addi %and3A_89, %add3A_380 : vector<256x5xi32>
    %select_n3A_382 = arith.select %lt3A_378, %add3A_381, %and3A_89 : vector<256x5xi1>, vector<256x5xi32>
    %reshape3A_383 = vector.shape_cast %select_n3A_382 : vector<256x5xi32> to vector<256x5x1xi32>
    %gather3A_384 = vector.shape_cast %reshape3A_383 : vector<256x5x1xi32> to vector<256x5xi32>
    %gather3A_385 = tpu.dynamic_gather %slice3A_375[%gather3A_384] in [1] : vector<256x128xf32>, vector<256x5xi32> -> vector<256x5xf32>
    %eq3A_386 = arith.constant 19 : i32
    %eq3A_387 = vector.broadcast %eq3A_386 : i32 to vector<256x5xi32>
    %eq3A_388 = arith.cmpi eq, %shift_right_arithmetic3A_91, %eq3A_387 : vector<256x5xi32>
    %select_n3A_389 = arith.select %eq3A_388, %gather3A_385, %select_n3A_374 : vector<256x5xi1>, vector<256x5xf32>
    %slice3A_390 = vector.extract_strided_slice %sub3A_46 {offsets = [0, 2560], sizes = [256, 128], strides = [1, 1]} : vector<256x4096xf32> to vector<256x128xf32>
    %lt3A_391 = arith.constant 0 : i32
    %lt3A_392 = vector.broadcast %lt3A_391 : i32 to vector<256x5xi32>
    %lt3A_393 = arith.cmpi slt, %and3A_89, %lt3A_392 : vector<256x5xi32>
    %add3A_394 = arith.constant 128 : i32
    %add3A_395 = vector.broadcast %add3A_394 : i32 to vector<256x5xi32>
    %add3A_396 = arith.addi %and3A_89, %add3A_395 : vector<256x5xi32>
    %select_n3A_397 = arith.select %lt3A_393, %add3A_396, %and3A_89 : vector<256x5xi1>, vector<256x5xi32>
    %reshape3A_398 = vector.shape_cast %select_n3A_397 : vector<256x5xi32> to vector<256x5x1xi32>
    %gather3A_399 = vector.shape_cast %reshape3A_398 : vector<256x5x1xi32> to vector<256x5xi32>
    %gather3A_400 = tpu.dynamic_gather %slice3A_390[%gather3A_399] in [1] : vector<256x128xf32>, vector<256x5xi32> -> vector<256x5xf32>
    %eq3A_401 = arith.constant 20 : i32
    %eq3A_402 = vector.broadcast %eq3A_401 : i32 to vector<256x5xi32>
    %eq3A_403 = arith.cmpi eq, %shift_right_arithmetic3A_91, %eq3A_402 : vector<256x5xi32>
    %select_n3A_404 = arith.select %eq3A_403, %gather3A_400, %select_n3A_389 : vector<256x5xi1>, vector<256x5xf32>
    %slice3A_405 = vector.extract_strided_slice %sub3A_46 {offsets = [0, 2688], sizes = [256, 128], strides = [1, 1]} : vector<256x4096xf32> to vector<256x128xf32>
    %lt3A_406 = arith.constant 0 : i32
    %lt3A_407 = vector.broadcast %lt3A_406 : i32 to vector<256x5xi32>
    %lt3A_408 = arith.cmpi slt, %and3A_89, %lt3A_407 : vector<256x5xi32>
    %add3A_409 = arith.constant 128 : i32
    %add3A_410 = vector.broadcast %add3A_409 : i32 to vector<256x5xi32>
    %add3A_411 = arith.addi %and3A_89, %add3A_410 : vector<256x5xi32>
    %select_n3A_412 = arith.select %lt3A_408, %add3A_411, %and3A_89 : vector<256x5xi1>, vector<256x5xi32>
    %reshape3A_413 = vector.shape_cast %select_n3A_412 : vector<256x5xi32> to vector<256x5x1xi32>
    %gather3A_414 = vector.shape_cast %reshape3A_413 : vector<256x5x1xi32> to vector<256x5xi32>
    %gather3A_415 = tpu.dynamic_gather %slice3A_405[%gather3A_414] in [1] : vector<256x128xf32>, vector<256x5xi32> -> vector<256x5xf32>
    %eq3A_416 = arith.constant 21 : i32
    %eq3A_417 = vector.broadcast %eq3A_416 : i32 to vector<256x5xi32>
    %eq3A_418 = arith.cmpi eq, %shift_right_arithmetic3A_91, %eq3A_417 : vector<256x5xi32>
    %select_n3A_419 = arith.select %eq3A_418, %gather3A_415, %select_n3A_404 : vector<256x5xi1>, vector<256x5xf32>
    %slice3A_420 = vector.extract_strided_slice %sub3A_46 {offsets = [0, 2816], sizes = [256, 128], strides = [1, 1]} : vector<256x4096xf32> to vector<256x128xf32>
    %lt3A_421 = arith.constant 0 : i32
    %lt3A_422 = vector.broadcast %lt3A_421 : i32 to vector<256x5xi32>
    %lt3A_423 = arith.cmpi slt, %and3A_89, %lt3A_422 : vector<256x5xi32>
    %add3A_424 = arith.constant 128 : i32
    %add3A_425 = vector.broadcast %add3A_424 : i32 to vector<256x5xi32>
    %add3A_426 = arith.addi %and3A_89, %add3A_425 : vector<256x5xi32>
    %select_n3A_427 = arith.select %lt3A_423, %add3A_426, %and3A_89 : vector<256x5xi1>, vector<256x5xi32>
    %reshape3A_428 = vector.shape_cast %select_n3A_427 : vector<256x5xi32> to vector<256x5x1xi32>
    %gather3A_429 = vector.shape_cast %reshape3A_428 : vector<256x5x1xi32> to vector<256x5xi32>
    %gather3A_430 = tpu.dynamic_gather %slice3A_420[%gather3A_429] in [1] : vector<256x128xf32>, vector<256x5xi32> -> vector<256x5xf32>
    %eq3A_431 = arith.constant 22 : i32
    %eq3A_432 = vector.broadcast %eq3A_431 : i32 to vector<256x5xi32>
    %eq3A_433 = arith.cmpi eq, %shift_right_arithmetic3A_91, %eq3A_432 : vector<256x5xi32>
    %select_n3A_434 = arith.select %eq3A_433, %gather3A_430, %select_n3A_419 : vector<256x5xi1>, vector<256x5xf32>
    %slice3A_435 = vector.extract_strided_slice %sub3A_46 {offsets = [0, 2944], sizes = [256, 128], strides = [1, 1]} : vector<256x4096xf32> to vector<256x128xf32>
    %lt3A_436 = arith.constant 0 : i32
    %lt3A_437 = vector.broadcast %lt3A_436 : i32 to vector<256x5xi32>
    %lt3A_438 = arith.cmpi slt, %and3A_89, %lt3A_437 : vector<256x5xi32>
    %add3A_439 = arith.constant 128 : i32
    %add3A_440 = vector.broadcast %add3A_439 : i32 to vector<256x5xi32>
    %add3A_441 = arith.addi %and3A_89, %add3A_440 : vector<256x5xi32>
    %select_n3A_442 = arith.select %lt3A_438, %add3A_441, %and3A_89 : vector<256x5xi1>, vector<256x5xi32>
    %reshape3A_443 = vector.shape_cast %select_n3A_442 : vector<256x5xi32> to vector<256x5x1xi32>
    %gather3A_444 = vector.shape_cast %reshape3A_443 : vector<256x5x1xi32> to vector<256x5xi32>
    %gather3A_445 = tpu.dynamic_gather %slice3A_435[%gather3A_444] in [1] : vector<256x128xf32>, vector<256x5xi32> -> vector<256x5xf32>
    %eq3A_446 = arith.constant 23 : i32
    %eq3A_447 = vector.broadcast %eq3A_446 : i32 to vector<256x5xi32>
    %eq3A_448 = arith.cmpi eq, %shift_right_arithmetic3A_91, %eq3A_447 : vector<256x5xi32>
    %select_n3A_449 = arith.select %eq3A_448, %gather3A_445, %select_n3A_434 : vector<256x5xi1>, vector<256x5xf32>
    %slice3A_450 = vector.extract_strided_slice %sub3A_46 {offsets = [0, 3072], sizes = [256, 128], strides = [1, 1]} : vector<256x4096xf32> to vector<256x128xf32>
    %lt3A_451 = arith.constant 0 : i32
    %lt3A_452 = vector.broadcast %lt3A_451 : i32 to vector<256x5xi32>
    %lt3A_453 = arith.cmpi slt, %and3A_89, %lt3A_452 : vector<256x5xi32>
    %add3A_454 = arith.constant 128 : i32
    %add3A_455 = vector.broadcast %add3A_454 : i32 to vector<256x5xi32>
    %add3A_456 = arith.addi %and3A_89, %add3A_455 : vector<256x5xi32>
    %select_n3A_457 = arith.select %lt3A_453, %add3A_456, %and3A_89 : vector<256x5xi1>, vector<256x5xi32>
    %reshape3A_458 = vector.shape_cast %select_n3A_457 : vector<256x5xi32> to vector<256x5x1xi32>
    %gather3A_459 = vector.shape_cast %reshape3A_458 : vector<256x5x1xi32> to vector<256x5xi32>
    %gather3A_460 = tpu.dynamic_gather %slice3A_450[%gather3A_459] in [1] : vector<256x128xf32>, vector<256x5xi32> -> vector<256x5xf32>
    %eq3A_461 = arith.constant 24 : i32
    %eq3A_462 = vector.broadcast %eq3A_461 : i32 to vector<256x5xi32>
    %eq3A_463 = arith.cmpi eq, %shift_right_arithmetic3A_91, %eq3A_462 : vector<256x5xi32>
    %select_n3A_464 = arith.select %eq3A_463, %gather3A_460, %select_n3A_449 : vector<256x5xi1>, vector<256x5xf32>
    %slice3A_465 = vector.extract_strided_slice %sub3A_46 {offsets = [0, 3200], sizes = [256, 128], strides = [1, 1]} : vector<256x4096xf32> to vector<256x128xf32>
    %lt3A_466 = arith.constant 0 : i32
    %lt3A_467 = vector.broadcast %lt3A_466 : i32 to vector<256x5xi32>
    %lt3A_468 = arith.cmpi slt, %and3A_89, %lt3A_467 : vector<256x5xi32>
    %add3A_469 = arith.constant 128 : i32
    %add3A_470 = vector.broadcast %add3A_469 : i32 to vector<256x5xi32>
    %add3A_471 = arith.addi %and3A_89, %add3A_470 : vector<256x5xi32>
    %select_n3A_472 = arith.select %lt3A_468, %add3A_471, %and3A_89 : vector<256x5xi1>, vector<256x5xi32>
    %reshape3A_473 = vector.shape_cast %select_n3A_472 : vector<256x5xi32> to vector<256x5x1xi32>
    %gather3A_474 = vector.shape_cast %reshape3A_473 : vector<256x5x1xi32> to vector<256x5xi32>
    %gather3A_475 = tpu.dynamic_gather %slice3A_465[%gather3A_474] in [1] : vector<256x128xf32>, vector<256x5xi32> -> vector<256x5xf32>
    %eq3A_476 = arith.constant 25 : i32
    %eq3A_477 = vector.broadcast %eq3A_476 : i32 to vector<256x5xi32>
    %eq3A_478 = arith.cmpi eq, %shift_right_arithmetic3A_91, %eq3A_477 : vector<256x5xi32>
    %select_n3A_479 = arith.select %eq3A_478, %gather3A_475, %select_n3A_464 : vector<256x5xi1>, vector<256x5xf32>
    %slice3A_480 = vector.extract_strided_slice %sub3A_46 {offsets = [0, 3328], sizes = [256, 128], strides = [1, 1]} : vector<256x4096xf32> to vector<256x128xf32>
    %lt3A_481 = arith.constant 0 : i32
    %lt3A_482 = vector.broadcast %lt3A_481 : i32 to vector<256x5xi32>
    %lt3A_483 = arith.cmpi slt, %and3A_89, %lt3A_482 : vector<256x5xi32>
    %add3A_484 = arith.constant 128 : i32
    %add3A_485 = vector.broadcast %add3A_484 : i32 to vector<256x5xi32>
    %add3A_486 = arith.addi %and3A_89, %add3A_485 : vector<256x5xi32>
    %select_n3A_487 = arith.select %lt3A_483, %add3A_486, %and3A_89 : vector<256x5xi1>, vector<256x5xi32>
    %reshape3A_488 = vector.shape_cast %select_n3A_487 : vector<256x5xi32> to vector<256x5x1xi32>
    %gather3A_489 = vector.shape_cast %reshape3A_488 : vector<256x5x1xi32> to vector<256x5xi32>
    %gather3A_490 = tpu.dynamic_gather %slice3A_480[%gather3A_489] in [1] : vector<256x128xf32>, vector<256x5xi32> -> vector<256x5xf32>
    %eq3A_491 = arith.constant 26 : i32
    %eq3A_492 = vector.broadcast %eq3A_491 : i32 to vector<256x5xi32>
    %eq3A_493 = arith.cmpi eq, %shift_right_arithmetic3A_91, %eq3A_492 : vector<256x5xi32>
    %select_n3A_494 = arith.select %eq3A_493, %gather3A_490, %select_n3A_479 : vector<256x5xi1>, vector<256x5xf32>
    %slice3A_495 = vector.extract_strided_slice %sub3A_46 {offsets = [0, 3456], sizes = [256, 128], strides = [1, 1]} : vector<256x4096xf32> to vector<256x128xf32>
    %lt3A_496 = arith.constant 0 : i32
    %lt3A_497 = vector.broadcast %lt3A_496 : i32 to vector<256x5xi32>
    %lt3A_498 = arith.cmpi slt, %and3A_89, %lt3A_497 : vector<256x5xi32>
    %add3A_499 = arith.constant 128 : i32
    %add3A_500 = vector.broadcast %add3A_499 : i32 to vector<256x5xi32>
    %add3A_501 = arith.addi %and3A_89, %add3A_500 : vector<256x5xi32>
    %select_n3A_502 = arith.select %lt3A_498, %add3A_501, %and3A_89 : vector<256x5xi1>, vector<256x5xi32>
    %reshape3A_503 = vector.shape_cast %select_n3A_502 : vector<256x5xi32> to vector<256x5x1xi32>
    %gather3A_504 = vector.shape_cast %reshape3A_503 : vector<256x5x1xi32> to vector<256x5xi32>
    %gather3A_505 = tpu.dynamic_gather %slice3A_495[%gather3A_504] in [1] : vector<256x128xf32>, vector<256x5xi32> -> vector<256x5xf32>
    %eq3A_506 = arith.constant 27 : i32
    %eq3A_507 = vector.broadcast %eq3A_506 : i32 to vector<256x5xi32>
    %eq3A_508 = arith.cmpi eq, %shift_right_arithmetic3A_91, %eq3A_507 : vector<256x5xi32>
    %select_n3A_509 = arith.select %eq3A_508, %gather3A_505, %select_n3A_494 : vector<256x5xi1>, vector<256x5xf32>
    %slice3A_510 = vector.extract_strided_slice %sub3A_46 {offsets = [0, 3584], sizes = [256, 128], strides = [1, 1]} : vector<256x4096xf32> to vector<256x128xf32>
    %lt3A_511 = arith.constant 0 : i32
    %lt3A_512 = vector.broadcast %lt3A_511 : i32 to vector<256x5xi32>
    %lt3A_513 = arith.cmpi slt, %and3A_89, %lt3A_512 : vector<256x5xi32>
    %add3A_514 = arith.constant 128 : i32
    %add3A_515 = vector.broadcast %add3A_514 : i32 to vector<256x5xi32>
    %add3A_516 = arith.addi %and3A_89, %add3A_515 : vector<256x5xi32>
    %select_n3A_517 = arith.select %lt3A_513, %add3A_516, %and3A_89 : vector<256x5xi1>, vector<256x5xi32>
    %reshape3A_518 = vector.shape_cast %select_n3A_517 : vector<256x5xi32> to vector<256x5x1xi32>
    %gather3A_519 = vector.shape_cast %reshape3A_518 : vector<256x5x1xi32> to vector<256x5xi32>
    %gather3A_520 = tpu.dynamic_gather %slice3A_510[%gather3A_519] in [1] : vector<256x128xf32>, vector<256x5xi32> -> vector<256x5xf32>
    %eq3A_521 = arith.constant 28 : i32
    %eq3A_522 = vector.broadcast %eq3A_521 : i32 to vector<256x5xi32>
    %eq3A_523 = arith.cmpi eq, %shift_right_arithmetic3A_91, %eq3A_522 : vector<256x5xi32>
    %select_n3A_524 = arith.select %eq3A_523, %gather3A_520, %select_n3A_509 : vector<256x5xi1>, vector<256x5xf32>
    %slice3A_525 = vector.extract_strided_slice %sub3A_46 {offsets = [0, 3712], sizes = [256, 128], strides = [1, 1]} : vector<256x4096xf32> to vector<256x128xf32>
    %lt3A_526 = arith.constant 0 : i32
    %lt3A_527 = vector.broadcast %lt3A_526 : i32 to vector<256x5xi32>
    %lt3A_528 = arith.cmpi slt, %and3A_89, %lt3A_527 : vector<256x5xi32>
    %add3A_529 = arith.constant 128 : i32
    %add3A_530 = vector.broadcast %add3A_529 : i32 to vector<256x5xi32>
    %add3A_531 = arith.addi %and3A_89, %add3A_530 : vector<256x5xi32>
    %select_n3A_532 = arith.select %lt3A_528, %add3A_531, %and3A_89 : vector<256x5xi1>, vector<256x5xi32>
    %reshape3A_533 = vector.shape_cast %select_n3A_532 : vector<256x5xi32> to vector<256x5x1xi32>
    %gather3A_534 = vector.shape_cast %reshape3A_533 : vector<256x5x1xi32> to vector<256x5xi32>
    %gather3A_535 = tpu.dynamic_gather %slice3A_525[%gather3A_534] in [1] : vector<256x128xf32>, vector<256x5xi32> -> vector<256x5xf32>
    %eq3A_536 = arith.constant 29 : i32
    %eq3A_537 = vector.broadcast %eq3A_536 : i32 to vector<256x5xi32>
    %eq3A_538 = arith.cmpi eq, %shift_right_arithmetic3A_91, %eq3A_537 : vector<256x5xi32>
    %select_n3A_539 = arith.select %eq3A_538, %gather3A_535, %select_n3A_524 : vector<256x5xi1>, vector<256x5xf32>
    %slice3A_540 = vector.extract_strided_slice %sub3A_46 {offsets = [0, 3840], sizes = [256, 128], strides = [1, 1]} : vector<256x4096xf32> to vector<256x128xf32>
    %lt3A_541 = arith.constant 0 : i32
    %lt3A_542 = vector.broadcast %lt3A_541 : i32 to vector<256x5xi32>
    %lt3A_543 = arith.cmpi slt, %and3A_89, %lt3A_542 : vector<256x5xi32>
    %add3A_544 = arith.constant 128 : i32
    %add3A_545 = vector.broadcast %add3A_544 : i32 to vector<256x5xi32>
    %add3A_546 = arith.addi %and3A_89, %add3A_545 : vector<256x5xi32>
    %select_n3A_547 = arith.select %lt3A_543, %add3A_546, %and3A_89 : vector<256x5xi1>, vector<256x5xi32>
    %reshape3A_548 = vector.shape_cast %select_n3A_547 : vector<256x5xi32> to vector<256x5x1xi32>
    %gather3A_549 = vector.shape_cast %reshape3A_548 : vector<256x5x1xi32> to vector<256x5xi32>
    %gather3A_550 = tpu.dynamic_gather %slice3A_540[%gather3A_549] in [1] : vector<256x128xf32>, vector<256x5xi32> -> vector<256x5xf32>
    %eq3A_551 = arith.constant 30 : i32
    %eq3A_552 = vector.broadcast %eq3A_551 : i32 to vector<256x5xi32>
    %eq3A_553 = arith.cmpi eq, %shift_right_arithmetic3A_91, %eq3A_552 : vector<256x5xi32>
    %select_n3A_554 = arith.select %eq3A_553, %gather3A_550, %select_n3A_539 : vector<256x5xi1>, vector<256x5xf32>
    %slice3A_555 = vector.extract_strided_slice %sub3A_46 {offsets = [0, 3968], sizes = [256, 128], strides = [1, 1]} : vector<256x4096xf32> to vector<256x128xf32>
    %lt3A_556 = arith.constant 0 : i32
    %lt3A_557 = vector.broadcast %lt3A_556 : i32 to vector<256x5xi32>
    %lt3A_558 = arith.cmpi slt, %and3A_89, %lt3A_557 : vector<256x5xi32>
    %add3A_559 = arith.constant 128 : i32
    %add3A_560 = vector.broadcast %add3A_559 : i32 to vector<256x5xi32>
    %add3A_561 = arith.addi %and3A_89, %add3A_560 : vector<256x5xi32>
    %select_n3A_562 = arith.select %lt3A_558, %add3A_561, %and3A_89 : vector<256x5xi1>, vector<256x5xi32>
    %reshape3A_563 = vector.shape_cast %select_n3A_562 : vector<256x5xi32> to vector<256x5x1xi32>
    %gather3A_564 = vector.shape_cast %reshape3A_563 : vector<256x5x1xi32> to vector<256x5xi32>
    %gather3A_565 = tpu.dynamic_gather %slice3A_555[%gather3A_564] in [1] : vector<256x128xf32>, vector<256x5xi32> -> vector<256x5xf32>
    %eq3A_566 = arith.constant 31 : i32
    %eq3A_567 = vector.broadcast %eq3A_566 : i32 to vector<256x5xi32>
    %eq3A_568 = arith.cmpi eq, %shift_right_arithmetic3A_91, %eq3A_567 : vector<256x5xi32>
    %select_n3A_569 = arith.select %eq3A_568, %gather3A_565, %select_n3A_554 : vector<256x5xi1>, vector<256x5xf32>
    %broadcast_in_dim3A_570 = arith.constant 0.000000e+00 : f32
    %broadcast_in_dim3A_571 = vector.broadcast %broadcast_in_dim3A_570 : f32 to vector<256x5xf32>
    %slice3A_572 = vector.extract_strided_slice %sub3A_54 {offsets = [0, 0], sizes = [256, 128], strides = [1, 1]} : vector<256x4096xf32> to vector<256x128xf32>
    %lt3A_573 = arith.constant 0 : i32
    %lt3A_574 = vector.broadcast %lt3A_573 : i32 to vector<256x5xi32>
    %lt3A_575 = arith.cmpi slt, %and3A_89, %lt3A_574 : vector<256x5xi32>
    %add3A_576 = arith.constant 128 : i32
    %add3A_577 = vector.broadcast %add3A_576 : i32 to vector<256x5xi32>
    %add3A_578 = arith.addi %and3A_89, %add3A_577 : vector<256x5xi32>
    %select_n3A_579 = arith.select %lt3A_575, %add3A_578, %and3A_89 : vector<256x5xi1>, vector<256x5xi32>
    %reshape3A_580 = vector.shape_cast %select_n3A_579 : vector<256x5xi32> to vector<256x5x1xi32>
    %gather3A_581 = vector.shape_cast %reshape3A_580 : vector<256x5x1xi32> to vector<256x5xi32>
    %gather3A_582 = tpu.dynamic_gather %slice3A_572[%gather3A_581] in [1] : vector<256x128xf32>, vector<256x5xi32> -> vector<256x5xf32>
    %eq3A_583 = arith.constant 0 : i32
    %eq3A_584 = vector.broadcast %eq3A_583 : i32 to vector<256x5xi32>
    %eq3A_585 = arith.cmpi eq, %shift_right_arithmetic3A_91, %eq3A_584 : vector<256x5xi32>
    %select_n3A_586 = arith.select %eq3A_585, %gather3A_582, %broadcast_in_dim3A_571 : vector<256x5xi1>, vector<256x5xf32>
    %slice3A_587 = vector.extract_strided_slice %sub3A_54 {offsets = [0, 128], sizes = [256, 128], strides = [1, 1]} : vector<256x4096xf32> to vector<256x128xf32>
    %lt3A_588 = arith.constant 0 : i32
    %lt3A_589 = vector.broadcast %lt3A_588 : i32 to vector<256x5xi32>
    %lt3A_590 = arith.cmpi slt, %and3A_89, %lt3A_589 : vector<256x5xi32>
    %add3A_591 = arith.constant 128 : i32
    %add3A_592 = vector.broadcast %add3A_591 : i32 to vector<256x5xi32>
    %add3A_593 = arith.addi %and3A_89, %add3A_592 : vector<256x5xi32>
    %select_n3A_594 = arith.select %lt3A_590, %add3A_593, %and3A_89 : vector<256x5xi1>, vector<256x5xi32>
    %reshape3A_595 = vector.shape_cast %select_n3A_594 : vector<256x5xi32> to vector<256x5x1xi32>
    %gather3A_596 = vector.shape_cast %reshape3A_595 : vector<256x5x1xi32> to vector<256x5xi32>
    %gather3A_597 = tpu.dynamic_gather %slice3A_587[%gather3A_596] in [1] : vector<256x128xf32>, vector<256x5xi32> -> vector<256x5xf32>
    %eq3A_598 = arith.constant 1 : i32
    %eq3A_599 = vector.broadcast %eq3A_598 : i32 to vector<256x5xi32>
    %eq3A_600 = arith.cmpi eq, %shift_right_arithmetic3A_91, %eq3A_599 : vector<256x5xi32>
    %select_n3A_601 = arith.select %eq3A_600, %gather3A_597, %select_n3A_586 : vector<256x5xi1>, vector<256x5xf32>
    %slice3A_602 = vector.extract_strided_slice %sub3A_54 {offsets = [0, 256], sizes = [256, 128], strides = [1, 1]} : vector<256x4096xf32> to vector<256x128xf32>
    %lt3A_603 = arith.constant 0 : i32
    %lt3A_604 = vector.broadcast %lt3A_603 : i32 to vector<256x5xi32>
    %lt3A_605 = arith.cmpi slt, %and3A_89, %lt3A_604 : vector<256x5xi32>
    %add3A_606 = arith.constant 128 : i32
    %add3A_607 = vector.broadcast %add3A_606 : i32 to vector<256x5xi32>
    %add3A_608 = arith.addi %and3A_89, %add3A_607 : vector<256x5xi32>
    %select_n3A_609 = arith.select %lt3A_605, %add3A_608, %and3A_89 : vector<256x5xi1>, vector<256x5xi32>
    %reshape3A_610 = vector.shape_cast %select_n3A_609 : vector<256x5xi32> to vector<256x5x1xi32>
    %gather3A_611 = vector.shape_cast %reshape3A_610 : vector<256x5x1xi32> to vector<256x5xi32>
    %gather3A_612 = tpu.dynamic_gather %slice3A_602[%gather3A_611] in [1] : vector<256x128xf32>, vector<256x5xi32> -> vector<256x5xf32>
    %eq3A_613 = arith.constant 2 : i32
    %eq3A_614 = vector.broadcast %eq3A_613 : i32 to vector<256x5xi32>
    %eq3A_615 = arith.cmpi eq, %shift_right_arithmetic3A_91, %eq3A_614 : vector<256x5xi32>
    %select_n3A_616 = arith.select %eq3A_615, %gather3A_612, %select_n3A_601 : vector<256x5xi1>, vector<256x5xf32>
    %slice3A_617 = vector.extract_strided_slice %sub3A_54 {offsets = [0, 384], sizes = [256, 128], strides = [1, 1]} : vector<256x4096xf32> to vector<256x128xf32>
    %lt3A_618 = arith.constant 0 : i32
    %lt3A_619 = vector.broadcast %lt3A_618 : i32 to vector<256x5xi32>
    %lt3A_620 = arith.cmpi slt, %and3A_89, %lt3A_619 : vector<256x5xi32>
    %add3A_621 = arith.constant 128 : i32
    %add3A_622 = vector.broadcast %add3A_621 : i32 to vector<256x5xi32>
    %add3A_623 = arith.addi %and3A_89, %add3A_622 : vector<256x5xi32>
    %select_n3A_624 = arith.select %lt3A_620, %add3A_623, %and3A_89 : vector<256x5xi1>, vector<256x5xi32>
    %reshape3A_625 = vector.shape_cast %select_n3A_624 : vector<256x5xi32> to vector<256x5x1xi32>
    %gather3A_626 = vector.shape_cast %reshape3A_625 : vector<256x5x1xi32> to vector<256x5xi32>
    %gather3A_627 = tpu.dynamic_gather %slice3A_617[%gather3A_626] in [1] : vector<256x128xf32>, vector<256x5xi32> -> vector<256x5xf32>
    %eq3A_628 = arith.constant 3 : i32
    %eq3A_629 = vector.broadcast %eq3A_628 : i32 to vector<256x5xi32>
    %eq3A_630 = arith.cmpi eq, %shift_right_arithmetic3A_91, %eq3A_629 : vector<256x5xi32>
    %select_n3A_631 = arith.select %eq3A_630, %gather3A_627, %select_n3A_616 : vector<256x5xi1>, vector<256x5xf32>
    %slice3A_632 = vector.extract_strided_slice %sub3A_54 {offsets = [0, 512], sizes = [256, 128], strides = [1, 1]} : vector<256x4096xf32> to vector<256x128xf32>
    %lt3A_633 = arith.constant 0 : i32
    %lt3A_634 = vector.broadcast %lt3A_633 : i32 to vector<256x5xi32>
    %lt3A_635 = arith.cmpi slt, %and3A_89, %lt3A_634 : vector<256x5xi32>
    %add3A_636 = arith.constant 128 : i32
    %add3A_637 = vector.broadcast %add3A_636 : i32 to vector<256x5xi32>
    %add3A_638 = arith.addi %and3A_89, %add3A_637 : vector<256x5xi32>
    %select_n3A_639 = arith.select %lt3A_635, %add3A_638, %and3A_89 : vector<256x5xi1>, vector<256x5xi32>
    %reshape3A_640 = vector.shape_cast %select_n3A_639 : vector<256x5xi32> to vector<256x5x1xi32>
    %gather3A_641 = vector.shape_cast %reshape3A_640 : vector<256x5x1xi32> to vector<256x5xi32>
    %gather3A_642 = tpu.dynamic_gather %slice3A_632[%gather3A_641] in [1] : vector<256x128xf32>, vector<256x5xi32> -> vector<256x5xf32>
    %eq3A_643 = arith.constant 4 : i32
    %eq3A_644 = vector.broadcast %eq3A_643 : i32 to vector<256x5xi32>
    %eq3A_645 = arith.cmpi eq, %shift_right_arithmetic3A_91, %eq3A_644 : vector<256x5xi32>
    %select_n3A_646 = arith.select %eq3A_645, %gather3A_642, %select_n3A_631 : vector<256x5xi1>, vector<256x5xf32>
    %slice3A_647 = vector.extract_strided_slice %sub3A_54 {offsets = [0, 640], sizes = [256, 128], strides = [1, 1]} : vector<256x4096xf32> to vector<256x128xf32>
    %lt3A_648 = arith.constant 0 : i32
    %lt3A_649 = vector.broadcast %lt3A_648 : i32 to vector<256x5xi32>
    %lt3A_650 = arith.cmpi slt, %and3A_89, %lt3A_649 : vector<256x5xi32>
    %add3A_651 = arith.constant 128 : i32
    %add3A_652 = vector.broadcast %add3A_651 : i32 to vector<256x5xi32>
    %add3A_653 = arith.addi %and3A_89, %add3A_652 : vector<256x5xi32>
    %select_n3A_654 = arith.select %lt3A_650, %add3A_653, %and3A_89 : vector<256x5xi1>, vector<256x5xi32>
    %reshape3A_655 = vector.shape_cast %select_n3A_654 : vector<256x5xi32> to vector<256x5x1xi32>
    %gather3A_656 = vector.shape_cast %reshape3A_655 : vector<256x5x1xi32> to vector<256x5xi32>
    %gather3A_657 = tpu.dynamic_gather %slice3A_647[%gather3A_656] in [1] : vector<256x128xf32>, vector<256x5xi32> -> vector<256x5xf32>
    %eq3A_658 = arith.constant 5 : i32
    %eq3A_659 = vector.broadcast %eq3A_658 : i32 to vector<256x5xi32>
    %eq3A_660 = arith.cmpi eq, %shift_right_arithmetic3A_91, %eq3A_659 : vector<256x5xi32>
    %select_n3A_661 = arith.select %eq3A_660, %gather3A_657, %select_n3A_646 : vector<256x5xi1>, vector<256x5xf32>
    %slice3A_662 = vector.extract_strided_slice %sub3A_54 {offsets = [0, 768], sizes = [256, 128], strides = [1, 1]} : vector<256x4096xf32> to vector<256x128xf32>
    %lt3A_663 = arith.constant 0 : i32
    %lt3A_664 = vector.broadcast %lt3A_663 : i32 to vector<256x5xi32>
    %lt3A_665 = arith.cmpi slt, %and3A_89, %lt3A_664 : vector<256x5xi32>
    %add3A_666 = arith.constant 128 : i32
    %add3A_667 = vector.broadcast %add3A_666 : i32 to vector<256x5xi32>
    %add3A_668 = arith.addi %and3A_89, %add3A_667 : vector<256x5xi32>
    %select_n3A_669 = arith.select %lt3A_665, %add3A_668, %and3A_89 : vector<256x5xi1>, vector<256x5xi32>
    %reshape3A_670 = vector.shape_cast %select_n3A_669 : vector<256x5xi32> to vector<256x5x1xi32>
    %gather3A_671 = vector.shape_cast %reshape3A_670 : vector<256x5x1xi32> to vector<256x5xi32>
    %gather3A_672 = tpu.dynamic_gather %slice3A_662[%gather3A_671] in [1] : vector<256x128xf32>, vector<256x5xi32> -> vector<256x5xf32>
    %eq3A_673 = arith.constant 6 : i32
    %eq3A_674 = vector.broadcast %eq3A_673 : i32 to vector<256x5xi32>
    %eq3A_675 = arith.cmpi eq, %shift_right_arithmetic3A_91, %eq3A_674 : vector<256x5xi32>
    %select_n3A_676 = arith.select %eq3A_675, %gather3A_672, %select_n3A_661 : vector<256x5xi1>, vector<256x5xf32>
    %slice3A_677 = vector.extract_strided_slice %sub3A_54 {offsets = [0, 896], sizes = [256, 128], strides = [1, 1]} : vector<256x4096xf32> to vector<256x128xf32>
    %lt3A_678 = arith.constant 0 : i32
    %lt3A_679 = vector.broadcast %lt3A_678 : i32 to vector<256x5xi32>
    %lt3A_680 = arith.cmpi slt, %and3A_89, %lt3A_679 : vector<256x5xi32>
    %add3A_681 = arith.constant 128 : i32
    %add3A_682 = vector.broadcast %add3A_681 : i32 to vector<256x5xi32>
    %add3A_683 = arith.addi %and3A_89, %add3A_682 : vector<256x5xi32>
    %select_n3A_684 = arith.select %lt3A_680, %add3A_683, %and3A_89 : vector<256x5xi1>, vector<256x5xi32>
    %reshape3A_685 = vector.shape_cast %select_n3A_684 : vector<256x5xi32> to vector<256x5x1xi32>
    %gather3A_686 = vector.shape_cast %reshape3A_685 : vector<256x5x1xi32> to vector<256x5xi32>
    %gather3A_687 = tpu.dynamic_gather %slice3A_677[%gather3A_686] in [1] : vector<256x128xf32>, vector<256x5xi32> -> vector<256x5xf32>
    %eq3A_688 = arith.constant 7 : i32
    %eq3A_689 = vector.broadcast %eq3A_688 : i32 to vector<256x5xi32>
    %eq3A_690 = arith.cmpi eq, %shift_right_arithmetic3A_91, %eq3A_689 : vector<256x5xi32>
    %select_n3A_691 = arith.select %eq3A_690, %gather3A_687, %select_n3A_676 : vector<256x5xi1>, vector<256x5xf32>
    %slice3A_692 = vector.extract_strided_slice %sub3A_54 {offsets = [0, 1024], sizes = [256, 128], strides = [1, 1]} : vector<256x4096xf32> to vector<256x128xf32>
    %lt3A_693 = arith.constant 0 : i32
    %lt3A_694 = vector.broadcast %lt3A_693 : i32 to vector<256x5xi32>
    %lt3A_695 = arith.cmpi slt, %and3A_89, %lt3A_694 : vector<256x5xi32>
    %add3A_696 = arith.constant 128 : i32
    %add3A_697 = vector.broadcast %add3A_696 : i32 to vector<256x5xi32>
    %add3A_698 = arith.addi %and3A_89, %add3A_697 : vector<256x5xi32>
    %select_n3A_699 = arith.select %lt3A_695, %add3A_698, %and3A_89 : vector<256x5xi1>, vector<256x5xi32>
    %reshape3A_700 = vector.shape_cast %select_n3A_699 : vector<256x5xi32> to vector<256x5x1xi32>
    %gather3A_701 = vector.shape_cast %reshape3A_700 : vector<256x5x1xi32> to vector<256x5xi32>
    %gather3A_702 = tpu.dynamic_gather %slice3A_692[%gather3A_701] in [1] : vector<256x128xf32>, vector<256x5xi32> -> vector<256x5xf32>
    %eq3A_703 = arith.constant 8 : i32
    %eq3A_704 = vector.broadcast %eq3A_703 : i32 to vector<256x5xi32>
    %eq3A_705 = arith.cmpi eq, %shift_right_arithmetic3A_91, %eq3A_704 : vector<256x5xi32>
    %select_n3A_706 = arith.select %eq3A_705, %gather3A_702, %select_n3A_691 : vector<256x5xi1>, vector<256x5xf32>
    %slice3A_707 = vector.extract_strided_slice %sub3A_54 {offsets = [0, 1152], sizes = [256, 128], strides = [1, 1]} : vector<256x4096xf32> to vector<256x128xf32>
    %lt3A_708 = arith.constant 0 : i32
    %lt3A_709 = vector.broadcast %lt3A_708 : i32 to vector<256x5xi32>
    %lt3A_710 = arith.cmpi slt, %and3A_89, %lt3A_709 : vector<256x5xi32>
    %add3A_711 = arith.constant 128 : i32
    %add3A_712 = vector.broadcast %add3A_711 : i32 to vector<256x5xi32>
    %add3A_713 = arith.addi %and3A_89, %add3A_712 : vector<256x5xi32>
    %select_n3A_714 = arith.select %lt3A_710, %add3A_713, %and3A_89 : vector<256x5xi1>, vector<256x5xi32>
    %reshape3A_715 = vector.shape_cast %select_n3A_714 : vector<256x5xi32> to vector<256x5x1xi32>
    %gather3A_716 = vector.shape_cast %reshape3A_715 : vector<256x5x1xi32> to vector<256x5xi32>
    %gather3A_717 = tpu.dynamic_gather %slice3A_707[%gather3A_716] in [1] : vector<256x128xf32>, vector<256x5xi32> -> vector<256x5xf32>
    %eq3A_718 = arith.constant 9 : i32
    %eq3A_719 = vector.broadcast %eq3A_718 : i32 to vector<256x5xi32>
    %eq3A_720 = arith.cmpi eq, %shift_right_arithmetic3A_91, %eq3A_719 : vector<256x5xi32>
    %select_n3A_721 = arith.select %eq3A_720, %gather3A_717, %select_n3A_706 : vector<256x5xi1>, vector<256x5xf32>
    %slice3A_722 = vector.extract_strided_slice %sub3A_54 {offsets = [0, 1280], sizes = [256, 128], strides = [1, 1]} : vector<256x4096xf32> to vector<256x128xf32>
    %lt3A_723 = arith.constant 0 : i32
    %lt3A_724 = vector.broadcast %lt3A_723 : i32 to vector<256x5xi32>
    %lt3A_725 = arith.cmpi slt, %and3A_89, %lt3A_724 : vector<256x5xi32>
    %add3A_726 = arith.constant 128 : i32
    %add3A_727 = vector.broadcast %add3A_726 : i32 to vector<256x5xi32>
    %add3A_728 = arith.addi %and3A_89, %add3A_727 : vector<256x5xi32>
    %select_n3A_729 = arith.select %lt3A_725, %add3A_728, %and3A_89 : vector<256x5xi1>, vector<256x5xi32>
    %reshape3A_730 = vector.shape_cast %select_n3A_729 : vector<256x5xi32> to vector<256x5x1xi32>
    %gather3A_731 = vector.shape_cast %reshape3A_730 : vector<256x5x1xi32> to vector<256x5xi32>
    %gather3A_732 = tpu.dynamic_gather %slice3A_722[%gather3A_731] in [1] : vector<256x128xf32>, vector<256x5xi32> -> vector<256x5xf32>
    %eq3A_733 = arith.constant 10 : i32
    %eq3A_734 = vector.broadcast %eq3A_733 : i32 to vector<256x5xi32>
    %eq3A_735 = arith.cmpi eq, %shift_right_arithmetic3A_91, %eq3A_734 : vector<256x5xi32>
    %select_n3A_736 = arith.select %eq3A_735, %gather3A_732, %select_n3A_721 : vector<256x5xi1>, vector<256x5xf32>
    %slice3A_737 = vector.extract_strided_slice %sub3A_54 {offsets = [0, 1408], sizes = [256, 128], strides = [1, 1]} : vector<256x4096xf32> to vector<256x128xf32>
    %lt3A_738 = arith.constant 0 : i32
    %lt3A_739 = vector.broadcast %lt3A_738 : i32 to vector<256x5xi32>
    %lt3A_740 = arith.cmpi slt, %and3A_89, %lt3A_739 : vector<256x5xi32>
    %add3A_741 = arith.constant 128 : i32
    %add3A_742 = vector.broadcast %add3A_741 : i32 to vector<256x5xi32>
    %add3A_743 = arith.addi %and3A_89, %add3A_742 : vector<256x5xi32>
    %select_n3A_744 = arith.select %lt3A_740, %add3A_743, %and3A_89 : vector<256x5xi1>, vector<256x5xi32>
    %reshape3A_745 = vector.shape_cast %select_n3A_744 : vector<256x5xi32> to vector<256x5x1xi32>
    %gather3A_746 = vector.shape_cast %reshape3A_745 : vector<256x5x1xi32> to vector<256x5xi32>
    %gather3A_747 = tpu.dynamic_gather %slice3A_737[%gather3A_746] in [1] : vector<256x128xf32>, vector<256x5xi32> -> vector<256x5xf32>
    %eq3A_748 = arith.constant 11 : i32
    %eq3A_749 = vector.broadcast %eq3A_748 : i32 to vector<256x5xi32>
    %eq3A_750 = arith.cmpi eq, %shift_right_arithmetic3A_91, %eq3A_749 : vector<256x5xi32>
    %select_n3A_751 = arith.select %eq3A_750, %gather3A_747, %select_n3A_736 : vector<256x5xi1>, vector<256x5xf32>
    %slice3A_752 = vector.extract_strided_slice %sub3A_54 {offsets = [0, 1536], sizes = [256, 128], strides = [1, 1]} : vector<256x4096xf32> to vector<256x128xf32>
    %lt3A_753 = arith.constant 0 : i32
    %lt3A_754 = vector.broadcast %lt3A_753 : i32 to vector<256x5xi32>
    %lt3A_755 = arith.cmpi slt, %and3A_89, %lt3A_754 : vector<256x5xi32>
    %add3A_756 = arith.constant 128 : i32
    %add3A_757 = vector.broadcast %add3A_756 : i32 to vector<256x5xi32>
    %add3A_758 = arith.addi %and3A_89, %add3A_757 : vector<256x5xi32>
    %select_n3A_759 = arith.select %lt3A_755, %add3A_758, %and3A_89 : vector<256x5xi1>, vector<256x5xi32>
    %reshape3A_760 = vector.shape_cast %select_n3A_759 : vector<256x5xi32> to vector<256x5x1xi32>
    %gather3A_761 = vector.shape_cast %reshape3A_760 : vector<256x5x1xi32> to vector<256x5xi32>
    %gather3A_762 = tpu.dynamic_gather %slice3A_752[%gather3A_761] in [1] : vector<256x128xf32>, vector<256x5xi32> -> vector<256x5xf32>
    %eq3A_763 = arith.constant 12 : i32
    %eq3A_764 = vector.broadcast %eq3A_763 : i32 to vector<256x5xi32>
    %eq3A_765 = arith.cmpi eq, %shift_right_arithmetic3A_91, %eq3A_764 : vector<256x5xi32>
    %select_n3A_766 = arith.select %eq3A_765, %gather3A_762, %select_n3A_751 : vector<256x5xi1>, vector<256x5xf32>
    %slice3A_767 = vector.extract_strided_slice %sub3A_54 {offsets = [0, 1664], sizes = [256, 128], strides = [1, 1]} : vector<256x4096xf32> to vector<256x128xf32>
    %lt3A_768 = arith.constant 0 : i32
    %lt3A_769 = vector.broadcast %lt3A_768 : i32 to vector<256x5xi32>
    %lt3A_770 = arith.cmpi slt, %and3A_89, %lt3A_769 : vector<256x5xi32>
    %add3A_771 = arith.constant 128 : i32
    %add3A_772 = vector.broadcast %add3A_771 : i32 to vector<256x5xi32>
    %add3A_773 = arith.addi %and3A_89, %add3A_772 : vector<256x5xi32>
    %select_n3A_774 = arith.select %lt3A_770, %add3A_773, %and3A_89 : vector<256x5xi1>, vector<256x5xi32>
    %reshape3A_775 = vector.shape_cast %select_n3A_774 : vector<256x5xi32> to vector<256x5x1xi32>
    %gather3A_776 = vector.shape_cast %reshape3A_775 : vector<256x5x1xi32> to vector<256x5xi32>
    %gather3A_777 = tpu.dynamic_gather %slice3A_767[%gather3A_776] in [1] : vector<256x128xf32>, vector<256x5xi32> -> vector<256x5xf32>
    %eq3A_778 = arith.constant 13 : i32
    %eq3A_779 = vector.broadcast %eq3A_778 : i32 to vector<256x5xi32>
    %eq3A_780 = arith.cmpi eq, %shift_right_arithmetic3A_91, %eq3A_779 : vector<256x5xi32>
    %select_n3A_781 = arith.select %eq3A_780, %gather3A_777, %select_n3A_766 : vector<256x5xi1>, vector<256x5xf32>
    %slice3A_782 = vector.extract_strided_slice %sub3A_54 {offsets = [0, 1792], sizes = [256, 128], strides = [1, 1]} : vector<256x4096xf32> to vector<256x128xf32>
    %lt3A_783 = arith.constant 0 : i32
    %lt3A_784 = vector.broadcast %lt3A_783 : i32 to vector<256x5xi32>
    %lt3A_785 = arith.cmpi slt, %and3A_89, %lt3A_784 : vector<256x5xi32>
    %add3A_786 = arith.constant 128 : i32
    %add3A_787 = vector.broadcast %add3A_786 : i32 to vector<256x5xi32>
    %add3A_788 = arith.addi %and3A_89, %add3A_787 : vector<256x5xi32>
    %select_n3A_789 = arith.select %lt3A_785, %add3A_788, %and3A_89 : vector<256x5xi1>, vector<256x5xi32>
    %reshape3A_790 = vector.shape_cast %select_n3A_789 : vector<256x5xi32> to vector<256x5x1xi32>
    %gather3A_791 = vector.shape_cast %reshape3A_790 : vector<256x5x1xi32> to vector<256x5xi32>
    %gather3A_792 = tpu.dynamic_gather %slice3A_782[%gather3A_791] in [1] : vector<256x128xf32>, vector<256x5xi32> -> vector<256x5xf32>
    %eq3A_793 = arith.constant 14 : i32
    %eq3A_794 = vector.broadcast %eq3A_793 : i32 to vector<256x5xi32>
    %eq3A_795 = arith.cmpi eq, %shift_right_arithmetic3A_91, %eq3A_794 : vector<256x5xi32>
    %select_n3A_796 = arith.select %eq3A_795, %gather3A_792, %select_n3A_781 : vector<256x5xi1>, vector<256x5xf32>
    %slice3A_797 = vector.extract_strided_slice %sub3A_54 {offsets = [0, 1920], sizes = [256, 128], strides = [1, 1]} : vector<256x4096xf32> to vector<256x128xf32>
    %lt3A_798 = arith.constant 0 : i32
    %lt3A_799 = vector.broadcast %lt3A_798 : i32 to vector<256x5xi32>
    %lt3A_800 = arith.cmpi slt, %and3A_89, %lt3A_799 : vector<256x5xi32>
    %add3A_801 = arith.constant 128 : i32
    %add3A_802 = vector.broadcast %add3A_801 : i32 to vector<256x5xi32>
    %add3A_803 = arith.addi %and3A_89, %add3A_802 : vector<256x5xi32>
    %select_n3A_804 = arith.select %lt3A_800, %add3A_803, %and3A_89 : vector<256x5xi1>, vector<256x5xi32>
    %reshape3A_805 = vector.shape_cast %select_n3A_804 : vector<256x5xi32> to vector<256x5x1xi32>
    %gather3A_806 = vector.shape_cast %reshape3A_805 : vector<256x5x1xi32> to vector<256x5xi32>
    %gather3A_807 = tpu.dynamic_gather %slice3A_797[%gather3A_806] in [1] : vector<256x128xf32>, vector<256x5xi32> -> vector<256x5xf32>
    %eq3A_808 = arith.constant 15 : i32
    %eq3A_809 = vector.broadcast %eq3A_808 : i32 to vector<256x5xi32>
    %eq3A_810 = arith.cmpi eq, %shift_right_arithmetic3A_91, %eq3A_809 : vector<256x5xi32>
    %select_n3A_811 = arith.select %eq3A_810, %gather3A_807, %select_n3A_796 : vector<256x5xi1>, vector<256x5xf32>
    %slice3A_812 = vector.extract_strided_slice %sub3A_54 {offsets = [0, 2048], sizes = [256, 128], strides = [1, 1]} : vector<256x4096xf32> to vector<256x128xf32>
    %lt3A_813 = arith.constant 0 : i32
    %lt3A_814 = vector.broadcast %lt3A_813 : i32 to vector<256x5xi32>
    %lt3A_815 = arith.cmpi slt, %and3A_89, %lt3A_814 : vector<256x5xi32>
    %add3A_816 = arith.constant 128 : i32
    %add3A_817 = vector.broadcast %add3A_816 : i32 to vector<256x5xi32>
    %add3A_818 = arith.addi %and3A_89, %add3A_817 : vector<256x5xi32>
    %select_n3A_819 = arith.select %lt3A_815, %add3A_818, %and3A_89 : vector<256x5xi1>, vector<256x5xi32>
    %reshape3A_820 = vector.shape_cast %select_n3A_819 : vector<256x5xi32> to vector<256x5x1xi32>
    %gather3A_821 = vector.shape_cast %reshape3A_820 : vector<256x5x1xi32> to vector<256x5xi32>
    %gather3A_822 = tpu.dynamic_gather %slice3A_812[%gather3A_821] in [1] : vector<256x128xf32>, vector<256x5xi32> -> vector<256x5xf32>
    %eq3A_823 = arith.constant 16 : i32
    %eq3A_824 = vector.broadcast %eq3A_823 : i32 to vector<256x5xi32>
    %eq3A_825 = arith.cmpi eq, %shift_right_arithmetic3A_91, %eq3A_824 : vector<256x5xi32>
    %select_n3A_826 = arith.select %eq3A_825, %gather3A_822, %select_n3A_811 : vector<256x5xi1>, vector<256x5xf32>
    %slice3A_827 = vector.extract_strided_slice %sub3A_54 {offsets = [0, 2176], sizes = [256, 128], strides = [1, 1]} : vector<256x4096xf32> to vector<256x128xf32>
    %lt3A_828 = arith.constant 0 : i32
    %lt3A_829 = vector.broadcast %lt3A_828 : i32 to vector<256x5xi32>
    %lt3A_830 = arith.cmpi slt, %and3A_89, %lt3A_829 : vector<256x5xi32>
    %add3A_831 = arith.constant 128 : i32
    %add3A_832 = vector.broadcast %add3A_831 : i32 to vector<256x5xi32>
    %add3A_833 = arith.addi %and3A_89, %add3A_832 : vector<256x5xi32>
    %select_n3A_834 = arith.select %lt3A_830, %add3A_833, %and3A_89 : vector<256x5xi1>, vector<256x5xi32>
    %reshape3A_835 = vector.shape_cast %select_n3A_834 : vector<256x5xi32> to vector<256x5x1xi32>
    %gather3A_836 = vector.shape_cast %reshape3A_835 : vector<256x5x1xi32> to vector<256x5xi32>
    %gather3A_837 = tpu.dynamic_gather %slice3A_827[%gather3A_836] in [1] : vector<256x128xf32>, vector<256x5xi32> -> vector<256x5xf32>
    %eq3A_838 = arith.constant 17 : i32
    %eq3A_839 = vector.broadcast %eq3A_838 : i32 to vector<256x5xi32>
    %eq3A_840 = arith.cmpi eq, %shift_right_arithmetic3A_91, %eq3A_839 : vector<256x5xi32>
    %select_n3A_841 = arith.select %eq3A_840, %gather3A_837, %select_n3A_826 : vector<256x5xi1>, vector<256x5xf32>
    %slice3A_842 = vector.extract_strided_slice %sub3A_54 {offsets = [0, 2304], sizes = [256, 128], strides = [1, 1]} : vector<256x4096xf32> to vector<256x128xf32>
    %lt3A_843 = arith.constant 0 : i32
    %lt3A_844 = vector.broadcast %lt3A_843 : i32 to vector<256x5xi32>
    %lt3A_845 = arith.cmpi slt, %and3A_89, %lt3A_844 : vector<256x5xi32>
    %add3A_846 = arith.constant 128 : i32
    %add3A_847 = vector.broadcast %add3A_846 : i32 to vector<256x5xi32>
    %add3A_848 = arith.addi %and3A_89, %add3A_847 : vector<256x5xi32>
    %select_n3A_849 = arith.select %lt3A_845, %add3A_848, %and3A_89 : vector<256x5xi1>, vector<256x5xi32>
    %reshape3A_850 = vector.shape_cast %select_n3A_849 : vector<256x5xi32> to vector<256x5x1xi32>
    %gather3A_851 = vector.shape_cast %reshape3A_850 : vector<256x5x1xi32> to vector<256x5xi32>
    %gather3A_852 = tpu.dynamic_gather %slice3A_842[%gather3A_851] in [1] : vector<256x128xf32>, vector<256x5xi32> -> vector<256x5xf32>
    %eq3A_853 = arith.constant 18 : i32
    %eq3A_854 = vector.broadcast %eq3A_853 : i32 to vector<256x5xi32>
    %eq3A_855 = arith.cmpi eq, %shift_right_arithmetic3A_91, %eq3A_854 : vector<256x5xi32>
    %select_n3A_856 = arith.select %eq3A_855, %gather3A_852, %select_n3A_841 : vector<256x5xi1>, vector<256x5xf32>
    %slice3A_857 = vector.extract_strided_slice %sub3A_54 {offsets = [0, 2432], sizes = [256, 128], strides = [1, 1]} : vector<256x4096xf32> to vector<256x128xf32>
    %lt3A_858 = arith.constant 0 : i32
    %lt3A_859 = vector.broadcast %lt3A_858 : i32 to vector<256x5xi32>
    %lt3A_860 = arith.cmpi slt, %and3A_89, %lt3A_859 : vector<256x5xi32>
    %add3A_861 = arith.constant 128 : i32
    %add3A_862 = vector.broadcast %add3A_861 : i32 to vector<256x5xi32>
    %add3A_863 = arith.addi %and3A_89, %add3A_862 : vector<256x5xi32>
    %select_n3A_864 = arith.select %lt3A_860, %add3A_863, %and3A_89 : vector<256x5xi1>, vector<256x5xi32>
    %reshape3A_865 = vector.shape_cast %select_n3A_864 : vector<256x5xi32> to vector<256x5x1xi32>
    %gather3A_866 = vector.shape_cast %reshape3A_865 : vector<256x5x1xi32> to vector<256x5xi32>
    %gather3A_867 = tpu.dynamic_gather %slice3A_857[%gather3A_866] in [1] : vector<256x128xf32>, vector<256x5xi32> -> vector<256x5xf32>
    %eq3A_868 = arith.constant 19 : i32
    %eq3A_869 = vector.broadcast %eq3A_868 : i32 to vector<256x5xi32>
    %eq3A_870 = arith.cmpi eq, %shift_right_arithmetic3A_91, %eq3A_869 : vector<256x5xi32>
    %select_n3A_871 = arith.select %eq3A_870, %gather3A_867, %select_n3A_856 : vector<256x5xi1>, vector<256x5xf32>
    %slice3A_872 = vector.extract_strided_slice %sub3A_54 {offsets = [0, 2560], sizes = [256, 128], strides = [1, 1]} : vector<256x4096xf32> to vector<256x128xf32>
    %lt3A_873 = arith.constant 0 : i32
    %lt3A_874 = vector.broadcast %lt3A_873 : i32 to vector<256x5xi32>
    %lt3A_875 = arith.cmpi slt, %and3A_89, %lt3A_874 : vector<256x5xi32>
    %add3A_876 = arith.constant 128 : i32
    %add3A_877 = vector.broadcast %add3A_876 : i32 to vector<256x5xi32>
    %add3A_878 = arith.addi %and3A_89, %add3A_877 : vector<256x5xi32>
    %select_n3A_879 = arith.select %lt3A_875, %add3A_878, %and3A_89 : vector<256x5xi1>, vector<256x5xi32>
    %reshape3A_880 = vector.shape_cast %select_n3A_879 : vector<256x5xi32> to vector<256x5x1xi32>
    %gather3A_881 = vector.shape_cast %reshape3A_880 : vector<256x5x1xi32> to vector<256x5xi32>
    %gather3A_882 = tpu.dynamic_gather %slice3A_872[%gather3A_881] in [1] : vector<256x128xf32>, vector<256x5xi32> -> vector<256x5xf32>
    %eq3A_883 = arith.constant 20 : i32
    %eq3A_884 = vector.broadcast %eq3A_883 : i32 to vector<256x5xi32>
    %eq3A_885 = arith.cmpi eq, %shift_right_arithmetic3A_91, %eq3A_884 : vector<256x5xi32>
    %select_n3A_886 = arith.select %eq3A_885, %gather3A_882, %select_n3A_871 : vector<256x5xi1>, vector<256x5xf32>
    %slice3A_887 = vector.extract_strided_slice %sub3A_54 {offsets = [0, 2688], sizes = [256, 128], strides = [1, 1]} : vector<256x4096xf32> to vector<256x128xf32>
    %lt3A_888 = arith.constant 0 : i32
    %lt3A_889 = vector.broadcast %lt3A_888 : i32 to vector<256x5xi32>
    %lt3A_890 = arith.cmpi slt, %and3A_89, %lt3A_889 : vector<256x5xi32>
    %add3A_891 = arith.constant 128 : i32
    %add3A_892 = vector.broadcast %add3A_891 : i32 to vector<256x5xi32>
    %add3A_893 = arith.addi %and3A_89, %add3A_892 : vector<256x5xi32>
    %select_n3A_894 = arith.select %lt3A_890, %add3A_893, %and3A_89 : vector<256x5xi1>, vector<256x5xi32>
    %reshape3A_895 = vector.shape_cast %select_n3A_894 : vector<256x5xi32> to vector<256x5x1xi32>
    %gather3A_896 = vector.shape_cast %reshape3A_895 : vector<256x5x1xi32> to vector<256x5xi32>
    %gather3A_897 = tpu.dynamic_gather %slice3A_887[%gather3A_896] in [1] : vector<256x128xf32>, vector<256x5xi32> -> vector<256x5xf32>
    %eq3A_898 = arith.constant 21 : i32
    %eq3A_899 = vector.broadcast %eq3A_898 : i32 to vector<256x5xi32>
    %eq3A_900 = arith.cmpi eq, %shift_right_arithmetic3A_91, %eq3A_899 : vector<256x5xi32>
    %select_n3A_901 = arith.select %eq3A_900, %gather3A_897, %select_n3A_886 : vector<256x5xi1>, vector<256x5xf32>
    %slice3A_902 = vector.extract_strided_slice %sub3A_54 {offsets = [0, 2816], sizes = [256, 128], strides = [1, 1]} : vector<256x4096xf32> to vector<256x128xf32>
    %lt3A_903 = arith.constant 0 : i32
    %lt3A_904 = vector.broadcast %lt3A_903 : i32 to vector<256x5xi32>
    %lt3A_905 = arith.cmpi slt, %and3A_89, %lt3A_904 : vector<256x5xi32>
    %add3A_906 = arith.constant 128 : i32
    %add3A_907 = vector.broadcast %add3A_906 : i32 to vector<256x5xi32>
    %add3A_908 = arith.addi %and3A_89, %add3A_907 : vector<256x5xi32>
    %select_n3A_909 = arith.select %lt3A_905, %add3A_908, %and3A_89 : vector<256x5xi1>, vector<256x5xi32>
    %reshape3A_910 = vector.shape_cast %select_n3A_909 : vector<256x5xi32> to vector<256x5x1xi32>
    %gather3A_911 = vector.shape_cast %reshape3A_910 : vector<256x5x1xi32> to vector<256x5xi32>
    %gather3A_912 = tpu.dynamic_gather %slice3A_902[%gather3A_911] in [1] : vector<256x128xf32>, vector<256x5xi32> -> vector<256x5xf32>
    %eq3A_913 = arith.constant 22 : i32
    %eq3A_914 = vector.broadcast %eq3A_913 : i32 to vector<256x5xi32>
    %eq3A_915 = arith.cmpi eq, %shift_right_arithmetic3A_91, %eq3A_914 : vector<256x5xi32>
    %select_n3A_916 = arith.select %eq3A_915, %gather3A_912, %select_n3A_901 : vector<256x5xi1>, vector<256x5xf32>
    %slice3A_917 = vector.extract_strided_slice %sub3A_54 {offsets = [0, 2944], sizes = [256, 128], strides = [1, 1]} : vector<256x4096xf32> to vector<256x128xf32>
    %lt3A_918 = arith.constant 0 : i32
    %lt3A_919 = vector.broadcast %lt3A_918 : i32 to vector<256x5xi32>
    %lt3A_920 = arith.cmpi slt, %and3A_89, %lt3A_919 : vector<256x5xi32>
    %add3A_921 = arith.constant 128 : i32
    %add3A_922 = vector.broadcast %add3A_921 : i32 to vector<256x5xi32>
    %add3A_923 = arith.addi %and3A_89, %add3A_922 : vector<256x5xi32>
    %select_n3A_924 = arith.select %lt3A_920, %add3A_923, %and3A_89 : vector<256x5xi1>, vector<256x5xi32>
    %reshape3A_925 = vector.shape_cast %select_n3A_924 : vector<256x5xi32> to vector<256x5x1xi32>
    %gather3A_926 = vector.shape_cast %reshape3A_925 : vector<256x5x1xi32> to vector<256x5xi32>
    %gather3A_927 = tpu.dynamic_gather %slice3A_917[%gather3A_926] in [1] : vector<256x128xf32>, vector<256x5xi32> -> vector<256x5xf32>
    %eq3A_928 = arith.constant 23 : i32
    %eq3A_929 = vector.broadcast %eq3A_928 : i32 to vector<256x5xi32>
    %eq3A_930 = arith.cmpi eq, %shift_right_arithmetic3A_91, %eq3A_929 : vector<256x5xi32>
    %select_n3A_931 = arith.select %eq3A_930, %gather3A_927, %select_n3A_916 : vector<256x5xi1>, vector<256x5xf32>
    %slice3A_932 = vector.extract_strided_slice %sub3A_54 {offsets = [0, 3072], sizes = [256, 128], strides = [1, 1]} : vector<256x4096xf32> to vector<256x128xf32>
    %lt3A_933 = arith.constant 0 : i32
    %lt3A_934 = vector.broadcast %lt3A_933 : i32 to vector<256x5xi32>
    %lt3A_935 = arith.cmpi slt, %and3A_89, %lt3A_934 : vector<256x5xi32>
    %add3A_936 = arith.constant 128 : i32
    %add3A_937 = vector.broadcast %add3A_936 : i32 to vector<256x5xi32>
    %add3A_938 = arith.addi %and3A_89, %add3A_937 : vector<256x5xi32>
    %select_n3A_939 = arith.select %lt3A_935, %add3A_938, %and3A_89 : vector<256x5xi1>, vector<256x5xi32>
    %reshape3A_940 = vector.shape_cast %select_n3A_939 : vector<256x5xi32> to vector<256x5x1xi32>
    %gather3A_941 = vector.shape_cast %reshape3A_940 : vector<256x5x1xi32> to vector<256x5xi32>
    %gather3A_942 = tpu.dynamic_gather %slice3A_932[%gather3A_941] in [1] : vector<256x128xf32>, vector<256x5xi32> -> vector<256x5xf32>
    %eq3A_943 = arith.constant 24 : i32
    %eq3A_944 = vector.broadcast %eq3A_943 : i32 to vector<256x5xi32>
    %eq3A_945 = arith.cmpi eq, %shift_right_arithmetic3A_91, %eq3A_944 : vector<256x5xi32>
    %select_n3A_946 = arith.select %eq3A_945, %gather3A_942, %select_n3A_931 : vector<256x5xi1>, vector<256x5xf32>
    %slice3A_947 = vector.extract_strided_slice %sub3A_54 {offsets = [0, 3200], sizes = [256, 128], strides = [1, 1]} : vector<256x4096xf32> to vector<256x128xf32>
    %lt3A_948 = arith.constant 0 : i32
    %lt3A_949 = vector.broadcast %lt3A_948 : i32 to vector<256x5xi32>
    %lt3A_950 = arith.cmpi slt, %and3A_89, %lt3A_949 : vector<256x5xi32>
    %add3A_951 = arith.constant 128 : i32
    %add3A_952 = vector.broadcast %add3A_951 : i32 to vector<256x5xi32>
    %add3A_953 = arith.addi %and3A_89, %add3A_952 : vector<256x5xi32>
    %select_n3A_954 = arith.select %lt3A_950, %add3A_953, %and3A_89 : vector<256x5xi1>, vector<256x5xi32>
    %reshape3A_955 = vector.shape_cast %select_n3A_954 : vector<256x5xi32> to vector<256x5x1xi32>
    %gather3A_956 = vector.shape_cast %reshape3A_955 : vector<256x5x1xi32> to vector<256x5xi32>
    %gather3A_957 = tpu.dynamic_gather %slice3A_947[%gather3A_956] in [1] : vector<256x128xf32>, vector<256x5xi32> -> vector<256x5xf32>
    %eq3A_958 = arith.constant 25 : i32
    %eq3A_959 = vector.broadcast %eq3A_958 : i32 to vector<256x5xi32>
    %eq3A_960 = arith.cmpi eq, %shift_right_arithmetic3A_91, %eq3A_959 : vector<256x5xi32>
    %select_n3A_961 = arith.select %eq3A_960, %gather3A_957, %select_n3A_946 : vector<256x5xi1>, vector<256x5xf32>
    %slice3A_962 = vector.extract_strided_slice %sub3A_54 {offsets = [0, 3328], sizes = [256, 128], strides = [1, 1]} : vector<256x4096xf32> to vector<256x128xf32>
    %lt3A_963 = arith.constant 0 : i32
    %lt3A_964 = vector.broadcast %lt3A_963 : i32 to vector<256x5xi32>
    %lt3A_965 = arith.cmpi slt, %and3A_89, %lt3A_964 : vector<256x5xi32>
    %add3A_966 = arith.constant 128 : i32
    %add3A_967 = vector.broadcast %add3A_966 : i32 to vector<256x5xi32>
    %add3A_968 = arith.addi %and3A_89, %add3A_967 : vector<256x5xi32>
    %select_n3A_969 = arith.select %lt3A_965, %add3A_968, %and3A_89 : vector<256x5xi1>, vector<256x5xi32>
    %reshape3A_970 = vector.shape_cast %select_n3A_969 : vector<256x5xi32> to vector<256x5x1xi32>
    %gather3A_971 = vector.shape_cast %reshape3A_970 : vector<256x5x1xi32> to vector<256x5xi32>
    %gather3A_972 = tpu.dynamic_gather %slice3A_962[%gather3A_971] in [1] : vector<256x128xf32>, vector<256x5xi32> -> vector<256x5xf32>
    %eq3A_973 = arith.constant 26 : i32
    %eq3A_974 = vector.broadcast %eq3A_973 : i32 to vector<256x5xi32>
    %eq3A_975 = arith.cmpi eq, %shift_right_arithmetic3A_91, %eq3A_974 : vector<256x5xi32>
    %select_n3A_976 = arith.select %eq3A_975, %gather3A_972, %select_n3A_961 : vector<256x5xi1>, vector<256x5xf32>
    %slice3A_977 = vector.extract_strided_slice %sub3A_54 {offsets = [0, 3456], sizes = [256, 128], strides = [1, 1]} : vector<256x4096xf32> to vector<256x128xf32>
    %lt3A_978 = arith.constant 0 : i32
    %lt3A_979 = vector.broadcast %lt3A_978 : i32 to vector<256x5xi32>
    %lt3A_980 = arith.cmpi slt, %and3A_89, %lt3A_979 : vector<256x5xi32>
    %add3A_981 = arith.constant 128 : i32
    %add3A_982 = vector.broadcast %add3A_981 : i32 to vector<256x5xi32>
    %add3A_983 = arith.addi %and3A_89, %add3A_982 : vector<256x5xi32>
    %select_n3A_984 = arith.select %lt3A_980, %add3A_983, %and3A_89 : vector<256x5xi1>, vector<256x5xi32>
    %reshape3A_985 = vector.shape_cast %select_n3A_984 : vector<256x5xi32> to vector<256x5x1xi32>
    %gather3A_986 = vector.shape_cast %reshape3A_985 : vector<256x5x1xi32> to vector<256x5xi32>
    %gather3A_987 = tpu.dynamic_gather %slice3A_977[%gather3A_986] in [1] : vector<256x128xf32>, vector<256x5xi32> -> vector<256x5xf32>
    %eq3A_988 = arith.constant 27 : i32
    %eq3A_989 = vector.broadcast %eq3A_988 : i32 to vector<256x5xi32>
    %eq3A_990 = arith.cmpi eq, %shift_right_arithmetic3A_91, %eq3A_989 : vector<256x5xi32>
    %select_n3A_991 = arith.select %eq3A_990, %gather3A_987, %select_n3A_976 : vector<256x5xi1>, vector<256x5xf32>
    %slice3A_992 = vector.extract_strided_slice %sub3A_54 {offsets = [0, 3584], sizes = [256, 128], strides = [1, 1]} : vector<256x4096xf32> to vector<256x128xf32>
    %lt3A_993 = arith.constant 0 : i32
    %lt3A_994 = vector.broadcast %lt3A_993 : i32 to vector<256x5xi32>
    %lt3A_995 = arith.cmpi slt, %and3A_89, %lt3A_994 : vector<256x5xi32>
    %add3A_996 = arith.constant 128 : i32
    %add3A_997 = vector.broadcast %add3A_996 : i32 to vector<256x5xi32>
    %add3A_998 = arith.addi %and3A_89, %add3A_997 : vector<256x5xi32>
    %select_n3A_999 = arith.select %lt3A_995, %add3A_998, %and3A_89 : vector<256x5xi1>, vector<256x5xi32>
    %reshape3A_1000 = vector.shape_cast %select_n3A_999 : vector<256x5xi32> to vector<256x5x1xi32>
    %gather3A_1001 = vector.shape_cast %reshape3A_1000 : vector<256x5x1xi32> to vector<256x5xi32>
    %gather3A_1002 = tpu.dynamic_gather %slice3A_992[%gather3A_1001] in [1] : vector<256x128xf32>, vector<256x5xi32> -> vector<256x5xf32>
    %eq3A_1003 = arith.constant 28 : i32
    %eq3A_1004 = vector.broadcast %eq3A_1003 : i32 to vector<256x5xi32>
    %eq3A_1005 = arith.cmpi eq, %shift_right_arithmetic3A_91, %eq3A_1004 : vector<256x5xi32>
    %select_n3A_1006 = arith.select %eq3A_1005, %gather3A_1002, %select_n3A_991 : vector<256x5xi1>, vector<256x5xf32>
    %slice3A_1007 = vector.extract_strided_slice %sub3A_54 {offsets = [0, 3712], sizes = [256, 128], strides = [1, 1]} : vector<256x4096xf32> to vector<256x128xf32>
    %lt3A_1008 = arith.constant 0 : i32
    %lt3A_1009 = vector.broadcast %lt3A_1008 : i32 to vector<256x5xi32>
    %lt3A_1010 = arith.cmpi slt, %and3A_89, %lt3A_1009 : vector<256x5xi32>
    %add3A_1011 = arith.constant 128 : i32
    %add3A_1012 = vector.broadcast %add3A_1011 : i32 to vector<256x5xi32>
    %add3A_1013 = arith.addi %and3A_89, %add3A_1012 : vector<256x5xi32>
    %select_n3A_1014 = arith.select %lt3A_1010, %add3A_1013, %and3A_89 : vector<256x5xi1>, vector<256x5xi32>
    %reshape3A_1015 = vector.shape_cast %select_n3A_1014 : vector<256x5xi32> to vector<256x5x1xi32>
    %gather3A_1016 = vector.shape_cast %reshape3A_1015 : vector<256x5x1xi32> to vector<256x5xi32>
    %gather3A_1017 = tpu.dynamic_gather %slice3A_1007[%gather3A_1016] in [1] : vector<256x128xf32>, vector<256x5xi32> -> vector<256x5xf32>
    %eq3A_1018 = arith.constant 29 : i32
    %eq3A_1019 = vector.broadcast %eq3A_1018 : i32 to vector<256x5xi32>
    %eq3A_1020 = arith.cmpi eq, %shift_right_arithmetic3A_91, %eq3A_1019 : vector<256x5xi32>
    %select_n3A_1021 = arith.select %eq3A_1020, %gather3A_1017, %select_n3A_1006 : vector<256x5xi1>, vector<256x5xf32>
    %slice3A_1022 = vector.extract_strided_slice %sub3A_54 {offsets = [0, 3840], sizes = [256, 128], strides = [1, 1]} : vector<256x4096xf32> to vector<256x128xf32>
    %lt3A_1023 = arith.constant 0 : i32
    %lt3A_1024 = vector.broadcast %lt3A_1023 : i32 to vector<256x5xi32>
    %lt3A_1025 = arith.cmpi slt, %and3A_89, %lt3A_1024 : vector<256x5xi32>
    %add3A_1026 = arith.constant 128 : i32
    %add3A_1027 = vector.broadcast %add3A_1026 : i32 to vector<256x5xi32>
    %add3A_1028 = arith.addi %and3A_89, %add3A_1027 : vector<256x5xi32>
    %select_n3A_1029 = arith.select %lt3A_1025, %add3A_1028, %and3A_89 : vector<256x5xi1>, vector<256x5xi32>
    %reshape3A_1030 = vector.shape_cast %select_n3A_1029 : vector<256x5xi32> to vector<256x5x1xi32>
    %gather3A_1031 = vector.shape_cast %reshape3A_1030 : vector<256x5x1xi32> to vector<256x5xi32>
    %gather3A_1032 = tpu.dynamic_gather %slice3A_1022[%gather3A_1031] in [1] : vector<256x128xf32>, vector<256x5xi32> -> vector<256x5xf32>
    %eq3A_1033 = arith.constant 30 : i32
    %eq3A_1034 = vector.broadcast %eq3A_1033 : i32 to vector<256x5xi32>
    %eq3A_1035 = arith.cmpi eq, %shift_right_arithmetic3A_91, %eq3A_1034 : vector<256x5xi32>
    %select_n3A_1036 = arith.select %eq3A_1035, %gather3A_1032, %select_n3A_1021 : vector<256x5xi1>, vector<256x5xf32>
    %slice3A_1037 = vector.extract_strided_slice %sub3A_54 {offsets = [0, 3968], sizes = [256, 128], strides = [1, 1]} : vector<256x4096xf32> to vector<256x128xf32>
    %lt3A_1038 = arith.constant 0 : i32
    %lt3A_1039 = vector.broadcast %lt3A_1038 : i32 to vector<256x5xi32>
    %lt3A_1040 = arith.cmpi slt, %and3A_89, %lt3A_1039 : vector<256x5xi32>
    %add3A_1041 = arith.constant 128 : i32
    %add3A_1042 = vector.broadcast %add3A_1041 : i32 to vector<256x5xi32>
    %add3A_1043 = arith.addi %and3A_89, %add3A_1042 : vector<256x5xi32>
    %select_n3A_1044 = arith.select %lt3A_1040, %add3A_1043, %and3A_89 : vector<256x5xi1>, vector<256x5xi32>
    %reshape3A_1045 = vector.shape_cast %select_n3A_1044 : vector<256x5xi32> to vector<256x5x1xi32>
    %gather3A_1046 = vector.shape_cast %reshape3A_1045 : vector<256x5x1xi32> to vector<256x5xi32>
    %gather3A_1047 = tpu.dynamic_gather %slice3A_1037[%gather3A_1046] in [1] : vector<256x128xf32>, vector<256x5xi32> -> vector<256x5xf32>
    %eq3A_1048 = arith.constant 31 : i32
    %eq3A_1049 = vector.broadcast %eq3A_1048 : i32 to vector<256x5xi32>
    %eq3A_1050 = arith.cmpi eq, %shift_right_arithmetic3A_91, %eq3A_1049 : vector<256x5xi32>
    %select_n3A_1051 = arith.select %eq3A_1050, %gather3A_1047, %select_n3A_1036 : vector<256x5xi1>, vector<256x5xf32>
    %add3A_1052 = vector.broadcast %add3A_34 : i32 to vector<256x5xi32>
    %add3A_1053 = arith.addi %stack3A_87, %add3A_1052 : vector<256x5xi32>
    %convert_element_type3A_1054 = arith.sitofp %add3A_1053 : vector<256x5xi32> to vector<256x5xf32>
    %get3A_1055 = arith.constant 0 : index
    %get3A_1056 = arith.constant 0 : index
    %get3A_1057 = vector.load %arg12[%get3A_1055, %get3A_1056] : memref<256x8xf32, #tpu.memory_space<vmem>>, vector<256x8xf32>
    %concatenate3A_1058 = tpu.concatenate %get3A_1057, %select_n3A_569 in 1 : vector<256x8xf32>, vector<256x5xf32> -> vector<256x13xf32>
    %get3A_1059 = arith.constant 0 : index
    %get3A_1060 = arith.constant 0 : index
    %get3A_1061 = vector.load %arg13[%get3A_1059, %get3A_1060] : memref<256x8xf32, #tpu.memory_space<vmem>>, vector<256x8xf32>
    %concatenate3A_1062 = tpu.concatenate %get3A_1061, %convert_element_type3A_1054 in 1 : vector<256x8xf32>, vector<256x5xf32> -> vector<256x13xf32>
    %get3A_1063 = arith.constant 0 : index
    %get3A_1064 = arith.constant 0 : index
    %get3A_1065 = vector.load %arg14[%get3A_1063, %get3A_1064] : memref<256x8xf32, #tpu.memory_space<vmem>>, vector<256x8xf32>
    %concatenate3A_1066 = tpu.concatenate %get3A_1065, %select_n3A_1051 in 1 : vector<256x8xf32>, vector<256x5xf32> -> vector<256x13xf32>
    %iota3A_1067 = tpu.iota {dimensions = array<i32: 1>} : vector<256x13xi32>
    %argmin3A_1068 = tpu.reduce_index %concatenate3A_1058 {axis = 1 : i32, kind = #tpu.reduction_kind<arg_min>} : vector<256x13xf32> -> vector<256xi32>
    %broadcast_in_dim3A_1069 = vector.shape_cast %argmin3A_1068 : vector<256xi32> to vector<256x1xi32>
    %eq3A_1070 = vector.broadcast %broadcast_in_dim3A_1069 : vector<256x1xi32> to vector<256x13xi32>
    %eq3A_1071 = arith.cmpi eq, %iota3A_1067, %eq3A_1070 : vector<256x13xi32>
    %jit3A_1072 = arith.constant 0x7F800000 : f32
    %broadcast_in_dim3A_1073 = vector.broadcast %jit3A_1072 : f32 to vector<256x13xf32>
    %select_n3A_1074 = arith.select %eq3A_1071, %broadcast_in_dim3A_1073, %concatenate3A_1058 : vector<256x13xi1>, vector<256x13xf32>
    %argmin3A_1075 = tpu.reduce_index %select_n3A_1074 {axis = 1 : i32, kind = #tpu.reduction_kind<arg_min>} : vector<256x13xf32> -> vector<256xi32>
    %broadcast_in_dim3A_1076 = vector.shape_cast %argmin3A_1075 : vector<256xi32> to vector<256x1xi32>
    %eq3A_1077 = vector.broadcast %broadcast_in_dim3A_1076 : vector<256x1xi32> to vector<256x13xi32>
    %eq3A_1078 = arith.cmpi eq, %iota3A_1067, %eq3A_1077 : vector<256x13xi32>
    %jit3A_1079 = arith.constant 0x7F800000 : f32
    %broadcast_in_dim3A_1080 = vector.broadcast %jit3A_1079 : f32 to vector<256x13xf32>
    %select_n3A_1081 = arith.select %eq3A_1078, %broadcast_in_dim3A_1080, %select_n3A_1074 : vector<256x13xi1>, vector<256x13xf32>
    %argmin3A_1082 = tpu.reduce_index %select_n3A_1081 {axis = 1 : i32, kind = #tpu.reduction_kind<arg_min>} : vector<256x13xf32> -> vector<256xi32>
    %broadcast_in_dim3A_1083 = vector.shape_cast %argmin3A_1082 : vector<256xi32> to vector<256x1xi32>
    %eq3A_1084 = vector.broadcast %broadcast_in_dim3A_1083 : vector<256x1xi32> to vector<256x13xi32>
    %eq3A_1085 = arith.cmpi eq, %iota3A_1067, %eq3A_1084 : vector<256x13xi32>
    %jit3A_1086 = arith.constant 0x7F800000 : f32
    %broadcast_in_dim3A_1087 = vector.broadcast %jit3A_1086 : f32 to vector<256x13xf32>
    %select_n3A_1088 = arith.select %eq3A_1085, %broadcast_in_dim3A_1087, %select_n3A_1081 : vector<256x13xi1>, vector<256x13xf32>
    %argmin3A_1089 = tpu.reduce_index %select_n3A_1088 {axis = 1 : i32, kind = #tpu.reduction_kind<arg_min>} : vector<256x13xf32> -> vector<256xi32>
    %broadcast_in_dim3A_1090 = vector.shape_cast %argmin3A_1089 : vector<256xi32> to vector<256x1xi32>
    %eq3A_1091 = vector.broadcast %broadcast_in_dim3A_1090 : vector<256x1xi32> to vector<256x13xi32>
    %eq3A_1092 = arith.cmpi eq, %iota3A_1067, %eq3A_1091 : vector<256x13xi32>
    %jit3A_1093 = arith.constant 0x7F800000 : f32
    %broadcast_in_dim3A_1094 = vector.broadcast %jit3A_1093 : f32 to vector<256x13xf32>
    %select_n3A_1095 = arith.select %eq3A_1092, %broadcast_in_dim3A_1094, %select_n3A_1088 : vector<256x13xi1>, vector<256x13xf32>
    %argmin3A_1096 = tpu.reduce_index %select_n3A_1095 {axis = 1 : i32, kind = #tpu.reduction_kind<arg_min>} : vector<256x13xf32> -> vector<256xi32>
    %stack3A_1097 = vector.shape_cast %argmin3A_1068 : vector<256xi32> to vector<256x1xi32>
    %stack3A_1098 = vector.shape_cast %argmin3A_1075 : vector<256xi32> to vector<256x1xi32>
    %stack3A_1099 = vector.shape_cast %argmin3A_1082 : vector<256xi32> to vector<256x1xi32>
    %stack3A_1100 = vector.shape_cast %argmin3A_1089 : vector<256xi32> to vector<256x1xi32>
    %stack3A_1101 = vector.shape_cast %argmin3A_1096 : vector<256xi32> to vector<256x1xi32>
    %stack3A_1102 = tpu.concatenate %stack3A_1097, %stack3A_1098, %stack3A_1099, %stack3A_1100, %stack3A_1101 in 1 : vector<256x1xi32>, vector<256x1xi32>, vector<256x1xi32>, vector<256x1xi32>, vector<256x1xi32> -> vector<256x5xi32>
    %broadcast_in_dim3A_1103 = arith.constant 0x7F800000 : f32
    %broadcast_in_dim3A_1104 = vector.broadcast %broadcast_in_dim3A_1103 : f32 to vector<256x3xf32>
    %lt3A_1105 = arith.constant 0 : i32
    %lt3A_1106 = vector.broadcast %lt3A_1105 : i32 to vector<256x5xi32>
    %lt3A_1107 = arith.cmpi slt, %stack3A_1102, %lt3A_1106 : vector<256x5xi32>
    %add3A_1108 = arith.constant 13 : i32
    %add3A_1109 = vector.broadcast %add3A_1108 : i32 to vector<256x5xi32>
    %add3A_1110 = arith.addi %stack3A_1102, %add3A_1109 : vector<256x5xi32>
    %select_n3A_1111 = arith.select %lt3A_1107, %add3A_1110, %stack3A_1102 : vector<256x5xi1>, vector<256x5xi32>
    %reshape3A_1112 = vector.shape_cast %select_n3A_1111 : vector<256x5xi32> to vector<256x5x1xi32>
    %gather3A_1113 = vector.shape_cast %reshape3A_1112 : vector<256x5x1xi32> to vector<256x5xi32>
    %gather3A_1114 = tpu.dynamic_gather %concatenate3A_1058[%gather3A_1113] in [1] : vector<256x13xf32>, vector<256x5xi32> -> vector<256x5xf32>
    %concatenate3A_1115 = tpu.concatenate %gather3A_1114, %broadcast_in_dim3A_1104 in 1 : vector<256x5xf32>, vector<256x3xf32> -> vector<256x8xf32>
    %swap3A = arith.constant 0 : index
    %swap3A_1116 = arith.constant 0 : index
    %swap3A_1117 = vector.load %arg12[%swap3A, %swap3A_1116] : memref<256x8xf32, #tpu.memory_space<vmem>>, vector<256x8xf32>
    tpu.vector_store %arg12[%swap3A, %swap3A_1116], %concatenate3A_1115 {strides = array<i32>} : memref<256x8xf32, #tpu.memory_space<vmem>>, vector<256x8xf32>,
    %lt3A_1118 = arith.constant 0 : i32
    %lt3A_1119 = vector.broadcast %lt3A_1118 : i32 to vector<256x5xi32>
    %lt3A_1120 = arith.cmpi slt, %stack3A_1102, %lt3A_1119 : vector<256x5xi32>
    %add3A_1121 = arith.constant 13 : i32
    %add3A_1122 = vector.broadcast %add3A_1121 : i32 to vector<256x5xi32>
    %add3A_1123 = arith.addi %stack3A_1102, %add3A_1122 : vector<256x5xi32>
    %select_n3A_1124 = arith.select %lt3A_1120, %add3A_1123, %stack3A_1102 : vector<256x5xi1>, vector<256x5xi32>
    %reshape3A_1125 = vector.shape_cast %select_n3A_1124 : vector<256x5xi32> to vector<256x5x1xi32>
    %gather3A_1126 = vector.shape_cast %reshape3A_1125 : vector<256x5x1xi32> to vector<256x5xi32>
    %gather3A_1127 = tpu.dynamic_gather %concatenate3A_1062[%gather3A_1126] in [1] : vector<256x13xf32>, vector<256x5xi32> -> vector<256x5xf32>
    %broadcast_in_dim3A_1128 = arith.constant 1.000000e+09 : f32
    %broadcast_in_dim3A_1129 = vector.broadcast %broadcast_in_dim3A_1128 : f32 to vector<256x3xf32>
    %concatenate3A_1130 = tpu.concatenate %gather3A_1127, %broadcast_in_dim3A_1129 in 1 : vector<256x5xf32>, vector<256x3xf32> -> vector<256x8xf32>
    %swap3A_1131 = arith.constant 0 : index
    %swap3A_1132 = arith.constant 0 : index
    %swap3A_1133 = vector.load %arg13[%swap3A_1131, %swap3A_1132] : memref<256x8xf32, #tpu.memory_space<vmem>>, vector<256x8xf32>
    tpu.vector_store %arg13[%swap3A_1131, %swap3A_1132], %concatenate3A_1130 {strides = array<i32>} : memref<256x8xf32, #tpu.memory_space<vmem>>, vector<256x8xf32>,
    %lt3A_1134 = arith.constant 0 : i32
    %lt3A_1135 = vector.broadcast %lt3A_1134 : i32 to vector<256x5xi32>
    %lt3A_1136 = arith.cmpi slt, %stack3A_1102, %lt3A_1135 : vector<256x5xi32>
    %add3A_1137 = arith.constant 13 : i32
    %add3A_1138 = vector.broadcast %add3A_1137 : i32 to vector<256x5xi32>
    %add3A_1139 = arith.addi %stack3A_1102, %add3A_1138 : vector<256x5xi32>
    %select_n3A_1140 = arith.select %lt3A_1136, %add3A_1139, %stack3A_1102 : vector<256x5xi1>, vector<256x5xi32>
    %reshape3A_1141 = vector.shape_cast %select_n3A_1140 : vector<256x5xi32> to vector<256x5x1xi32>
    %gather3A_1142 = vector.shape_cast %reshape3A_1141 : vector<256x5x1xi32> to vector<256x5xi32>
    %gather3A_1143 = tpu.dynamic_gather %concatenate3A_1066[%gather3A_1142] in [1] : vector<256x13xf32>, vector<256x5xi32> -> vector<256x5xf32>
    %broadcast_in_dim3A_1144 = arith.constant 0.000000e+00 : f32
    %broadcast_in_dim3A_1145 = vector.broadcast %broadcast_in_dim3A_1144 : f32 to vector<256x3xf32>
    %concatenate3A_1146 = tpu.concatenate %gather3A_1143, %broadcast_in_dim3A_1145 in 1 : vector<256x5xf32>, vector<256x3xf32> -> vector<256x8xf32>
    %swap3A_1147 = arith.constant 0 : index
    %swap3A_1148 = arith.constant 0 : index
    %swap3A_1149 = vector.load %arg14[%swap3A_1147, %swap3A_1148] : memref<256x8xf32, #tpu.memory_space<vmem>>, vector<256x8xf32>
    tpu.vector_store %arg14[%swap3A_1147, %swap3A_1148], %concatenate3A_1146 {strides = array<i32>} : memref<256x8xf32, #tpu.memory_space<vmem>>, vector<256x8xf32>,
    %eq3A_1150 = arith.constant 15 : i32
    %eq3A_1151 = arith.cmpi eq, %arg0, %eq3A_1150 : i32
    %convert_element_type3A_1152 = arith.extui %eq3A_1151 : i1 to i32
    %cond3A_1153 = arith.constant 0 : i32
    %cond3A_1154 = arith.cmpi ne, %convert_element_type3A_1152, %cond3A_1153 : i32
    scf.if %cond3A_1154 {
      %get3A_1155 = arith.constant 0 : index
      %get3A_1156 = arith.constant 0 : index
      %get3A_1157 = vector.load %arg12[%get3A_1155, %get3A_1156] : memref<256x8xf32, #tpu.memory_space<vmem>>, vector<256x8xf32>
      %get3A_1158 = arith.constant 0 : index
      %get3A_1159 = arith.constant 0 : index
      %get3A_1160 = vector.load %arg13[%get3A_1158, %get3A_1159] : memref<256x8xf32, #tpu.memory_space<vmem>>, vector<256x8xf32>
      %get3A_1161 = arith.constant 0 : index
      %get3A_1162 = arith.constant 0 : index
      %get3A_1163 = vector.load %arg14[%get3A_1161, %get3A_1162] : memref<256x8xf32, #tpu.memory_space<vmem>>, vector<256x8xf32>
      %concatenate3A_1164 = tpu.concatenate %get3A_1157, %get3A_1160, %get3A_1163 in 1 : vector<256x8xf32>, vector<256x8xf32>, vector<256x8xf32> -> vector<256x24xf32>
      %swap3A_1165 = arith.constant 0 : index
      %swap3A_1166 = arith.constant 0 : index
      %swap3A_1167 = vector.load %arg11[%swap3A_1165, %swap3A_1166] : memref<256x24xf32, #tpu.memory_space<vmem>>, vector<256x24xf32>
      tpu.vector_store %arg11[%swap3A_1165, %swap3A_1166], %concatenate3A_1164 {strides = array<i32>} : memref<256x24xf32, #tpu.memory_space<vmem>>, vector<256x24xf32>,
    } else {
    }
    return
  }
  func.func @transform_0(%arg0: i32) -> (i32, i32) {
    %c0_i32 = arith.constant 0 : i32
    %c0_i32_0 = arith.constant 0 : i32
    %c0_i32_1 = arith.constant 0 : i32
    return %c0_i32, %c0_i32_0 : i32, i32
  }
  func.func @transform_1(%arg0: i32) -> (i32, i32) {
    %c0_i32 = arith.constant 0 : i32
    %c0_i32_0 = arith.constant 0 : i32
    %c0_i32_1 = arith.constant 0 : i32
    return %c0_i32, %c0_i32_0 : i32, i32
  }
  func.func @transform_2(%arg0: i32) -> (i32, i32) {
    %mul3A = arith.constant 8 : i32
    %mul3A_0 = arith.muli %mul3A, %arg0 : i32
    %add3A = arith.constant 0 : i32
    %add3A_1 = arith.addi %mul3A_0, %add3A : i32
    %add3A_2 = arith.constant 1 : i32
    %add3A_3 = arith.addi %add3A_1, %add3A_2 : i32
    %min3A = arith.constant 124 : i32
    %min3A_4 = arith.minsi %add3A_3, %min3A : i32
    %c0_i32 = arith.constant 0 : i32
    %c0_i32_5 = arith.constant 0 : i32
    return %min3A_4, %c0_i32 : i32, i32
  }
  func.func @transform_3(%arg0: i32) -> (i32, i32) {
    %mul3A = arith.constant 8 : i32
    %mul3A_0 = arith.muli %mul3A, %arg0 : i32
    %add3A = arith.constant 1 : i32
    %add3A_1 = arith.addi %mul3A_0, %add3A : i32
    %add3A_2 = arith.constant 1 : i32
    %add3A_3 = arith.addi %add3A_1, %add3A_2 : i32
    %min3A = arith.constant 124 : i32
    %min3A_4 = arith.minsi %add3A_3, %min3A : i32
    %c0_i32 = arith.constant 0 : i32
    %c0_i32_5 = arith.constant 0 : i32
    return %min3A_4, %c0_i32 : i32, i32
  }
  func.func @transform_4(%arg0: i32) -> (i32, i32) {
    %mul3A = arith.constant 8 : i32
    %mul3A_0 = arith.muli %mul3A, %arg0 : i32
    %add3A = arith.constant 2 : i32
    %add3A_1 = arith.addi %mul3A_0, %add3A : i32
    %add3A_2 = arith.constant 1 : i32
    %add3A_3 = arith.addi %add3A_1, %add3A_2 : i32
    %min3A = arith.constant 124 : i32
    %min3A_4 = arith.minsi %add3A_3, %min3A : i32
    %c0_i32 = arith.constant 0 : i32
    %c0_i32_5 = arith.constant 0 : i32
    return %min3A_4, %c0_i32 : i32, i32
  }
  func.func @transform_5(%arg0: i32) -> (i32, i32) {
    %mul3A = arith.constant 8 : i32
    %mul3A_0 = arith.muli %mul3A, %arg0 : i32
    %add3A = arith.constant 3 : i32
    %add3A_1 = arith.addi %mul3A_0, %add3A : i32
    %add3A_2 = arith.constant 1 : i32
    %add3A_3 = arith.addi %add3A_1, %add3A_2 : i32
    %min3A = arith.constant 124 : i32
    %min3A_4 = arith.minsi %add3A_3, %min3A : i32
    %c0_i32 = arith.constant 0 : i32
    %c0_i32_5 = arith.constant 0 : i32
    return %min3A_4, %c0_i32 : i32, i32
  }
  func.func @transform_6(%arg0: i32) -> (i32, i32) {
    %mul3A = arith.constant 8 : i32
    %mul3A_0 = arith.muli %mul3A, %arg0 : i32
    %add3A = arith.constant 4 : i32
    %add3A_1 = arith.addi %mul3A_0, %add3A : i32
    %add3A_2 = arith.constant 1 : i32
    %add3A_3 = arith.addi %add3A_1, %add3A_2 : i32
    %min3A = arith.constant 124 : i32
    %min3A_4 = arith.minsi %add3A_3, %min3A : i32
    %c0_i32 = arith.constant 0 : i32
    %c0_i32_5 = arith.constant 0 : i32
    return %min3A_4, %c0_i32 : i32, i32
  }
  func.func @transform_7(%arg0: i32) -> (i32, i32) {
    %mul3A = arith.constant 8 : i32
    %mul3A_0 = arith.muli %mul3A, %arg0 : i32
    %add3A = arith.constant 5 : i32
    %add3A_1 = arith.addi %mul3A_0, %add3A : i32
    %add3A_2 = arith.constant 1 : i32
    %add3A_3 = arith.addi %add3A_1, %add3A_2 : i32
    %min3A = arith.constant 124 : i32
    %min3A_4 = arith.minsi %add3A_3, %min3A : i32
    %c0_i32 = arith.constant 0 : i32
    %c0_i32_5 = arith.constant 0 : i32
    return %min3A_4, %c0_i32 : i32, i32
  }
  func.func @transform_8(%arg0: i32) -> (i32, i32) {
    %mul3A = arith.constant 8 : i32
    %mul3A_0 = arith.muli %mul3A, %arg0 : i32
    %add3A = arith.constant 6 : i32
    %add3A_1 = arith.addi %mul3A_0, %add3A : i32
    %add3A_2 = arith.constant 1 : i32
    %add3A_3 = arith.addi %add3A_1, %add3A_2 : i32
    %min3A = arith.constant 124 : i32
    %min3A_4 = arith.minsi %add3A_3, %min3A : i32
    %c0_i32 = arith.constant 0 : i32
    %c0_i32_5 = arith.constant 0 : i32
    return %min3A_4, %c0_i32 : i32, i32
  }
  func.func @transform_9(%arg0: i32) -> (i32, i32) {
    %mul3A = arith.constant 8 : i32
    %mul3A_0 = arith.muli %mul3A, %arg0 : i32
    %add3A = arith.constant 7 : i32
    %add3A_1 = arith.addi %mul3A_0, %add3A : i32
    %add3A_2 = arith.constant 1 : i32
    %add3A_3 = arith.addi %add3A_1, %add3A_2 : i32
    %min3A = arith.constant 124 : i32
    %min3A_4 = arith.minsi %add3A_3, %min3A : i32
    %c0_i32 = arith.constant 0 : i32
    %c0_i32_5 = arith.constant 0 : i32
    return %min3A_4, %c0_i32 : i32, i32
  }
  func.func @transform_10(%arg0: i32) -> (i32, i32) {
    %c0_i32 = arith.constant 0 : i32
    %c0_i32_0 = arith.constant 0 : i32
    %c0_i32_1 = arith.constant 0 : i32
    return %c0_i32, %c0_i32_0 : i32, i32
  }
}

module attributes {stable_mosaic.version = 14 : i64} {
  func.func @_combine_body(%arg0: i32, %arg1: memref<256x512xf32, #tpu.memory_space<vmem>>, %arg2: memref<256x512xf32, #tpu.memory_space<vmem>>, %arg3: memref<512x512xf32, #tpu.memory_space<vmem>>, %arg4: memref<512x512xf32, #tpu.memory_space<vmem>>, %arg5: memref<256xi32, #tpu.memory_space<vmem>>, %arg6: memref<256xi32, #tpu.memory_space<vmem>>, %arg7: memref<256x24xf32, #tpu.memory_space<vmem>>, %arg8: memref<8x128xf32, #tpu.memory_space<vmem>>) attributes {dimension_semantics = [#tpu.dimension_semantics<arbitrary>], iteration_bounds = array<i64: 1>, scalar_prefetch = 0 : i64, scratch_operands = 0 : i64, tpu.core_type = #tpu.core_type<tc>, window_params = [{pipeline_mode = #tpu.pipeline_mode<synchronous>, transform_indices = @transform_0, window_bounds = array<i64: 256, 512>}, {pipeline_mode = #tpu.pipeline_mode<synchronous>, transform_indices = @transform_1, window_bounds = array<i64: 256, 512>}, {transform_indices = @transform_2, window_bounds = array<i64: 512, 512>}, {pipeline_mode = #tpu.pipeline_mode<synchronous>, transform_indices = @transform_3, window_bounds = array<i64: 512, 512>}, {pipeline_mode = #tpu.pipeline_mode<synchronous>, transform_indices = @transform_4, window_bounds = array<i64: 256>}, {pipeline_mode = #tpu.pipeline_mode<synchronous>, transform_indices = @transform_5, window_bounds = array<i64: 256>}, {pipeline_mode = #tpu.pipeline_mode<synchronous>, transform_indices = @transform_6, window_bounds = array<i64: 256, 24>}, {pipeline_mode = #tpu.pipeline_mode<synchronous>, transform_indices = @transform_7, window_bounds = array<i64: 8, 128>}]} {
    %get3A = arith.constant 0 : index
    %get3A_0 = arith.constant 0 : index
    %get3A_1 = vector.load %arg1[%get3A, %get3A_0] : memref<256x512xf32, #tpu.memory_space<vmem>>, vector<256x512xf32>
    %get3A_2 = arith.constant 0 : index
    %get3A_3 = arith.constant 0 : index
    %get3A_4 = vector.load %arg2[%get3A_2, %get3A_3] : memref<256x512xf32, #tpu.memory_space<vmem>>, vector<256x512xf32>
    %get3A_5 = arith.constant 256 : index
    %get3A_6 = arith.constant 0 : index
    %get3A_7 = vector.load %arg3[%get3A_5, %get3A_6] : memref<512x512xf32, #tpu.memory_space<vmem>>, vector<256x512xf32>
    %dot_general3A = arith.constant dense<0.000000e+00> : vector<256x256xf32>
    %dot_general3A_8 = tpu.matmul %get3A_1, %get3A_1, %dot_general3A {dimension_numbers = #tpu.dot_dimension_numbers<[1], [1], [0], [0], [0, 0, 1, 0], [], []>, transpose_lhs_hint = false} : vector<256x512xf32>, vector<256x512xf32>, vector<256x256xf32> -> vector<256x256xf32>
    %dot_general3A_9 = arith.constant dense<0.000000e+00> : vector<256x256xf32>
    %dot_general3A_10 = tpu.matmul %get3A_1, %get3A_7, %dot_general3A_9 {dimension_numbers = #tpu.dot_dimension_numbers<[1], [1], [0], [0], [0, 0, 1, 0], [], []>, transpose_lhs_hint = false} : vector<256x512xf32>, vector<256x512xf32>, vector<256x256xf32> -> vector<256x256xf32>
    %concatenate3A = tpu.concatenate %dot_general3A_8, %dot_general3A_10 in 1 : vector<256x256xf32>, vector<256x256xf32> -> vector<256x512xf32>
    %mul3A = arith.constant 2.000000e+00 : f32
    %mul3A_11 = vector.broadcast %mul3A : f32 to vector<256x512xf32>
    %mul3A_12 = arith.mulf %mul3A_11, %concatenate3A : vector<256x512xf32>
    %sub3A = arith.constant 2.000000e+00 : f32
    %sub3A_13 = vector.broadcast %sub3A : f32 to vector<256x512xf32>
    %sub3A_14 = arith.subf %sub3A_13, %mul3A_12 : vector<256x512xf32>
    %dot_general3A_15 = arith.constant dense<0.000000e+00> : vector<256x256xf32>
    %dot_general3A_16 = tpu.matmul %get3A_4, %get3A_1, %dot_general3A_15 {dimension_numbers = #tpu.dot_dimension_numbers<[1], [1], [0], [0], [0, 0, 1, 0], [], []>, transpose_lhs_hint = false} : vector<256x512xf32>, vector<256x512xf32>, vector<256x256xf32> -> vector<256x256xf32>
    %dot_general3A_17 = arith.constant dense<0.000000e+00> : vector<256x256xf32>
    %dot_general3A_18 = tpu.matmul %get3A_4, %get3A_7, %dot_general3A_17 {dimension_numbers = #tpu.dot_dimension_numbers<[1], [1], [0], [0], [0, 0, 1, 0], [], []>, transpose_lhs_hint = false} : vector<256x512xf32>, vector<256x512xf32>, vector<256x256xf32> -> vector<256x256xf32>
    %concatenate3A_19 = tpu.concatenate %dot_general3A_16, %dot_general3A_18 in 1 : vector<256x256xf32>, vector<256x256xf32> -> vector<256x512xf32>
    %mul3A_20 = arith.constant 2.000000e+00 : f32
    %mul3A_21 = vector.broadcast %mul3A_20 : f32 to vector<256x512xf32>
    %mul3A_22 = arith.mulf %mul3A_21, %concatenate3A_19 : vector<256x512xf32>
    %sub3A_23 = arith.constant 2.000000e+00 : f32
    %sub3A_24 = vector.broadcast %sub3A_23 : f32 to vector<256x512xf32>
    %sub3A_25 = arith.subf %sub3A_24, %mul3A_22 : vector<256x512xf32>
    %iota3A = tpu.iota {dimensions = array<i32: 1>} : vector<1x512xi32>
    %convert_element_type3A = arith.sitofp %iota3A : vector<1x512xi32> to vector<1x512xf32>
    %broadcast_in_dim3A = vector.shape_cast %convert_element_type3A : vector<1x512xf32> to vector<1x512xf32>
    %broadcast_in_dim3A_26 = vector.broadcast %broadcast_in_dim3A : vector<1x512xf32> to vector<256x512xf32>
    %reduce_min3A = arith.constant dense<0x7F800000> : vector<256xf32>
    %reduce_min3A_27 = vector.multi_reduction <minimumf>, %sub3A_14, %reduce_min3A [1] : vector<256x512xf32> to vector<256xf32>
    %broadcast_in_dim3A_28 = vector.shape_cast %reduce_min3A_27 : vector<256xf32> to vector<256x1xf32>
    %eq3A = vector.broadcast %broadcast_in_dim3A_28 : vector<256x1xf32> to vector<256x512xf32>
    %eq3A_29 = arith.cmpf oeq, %sub3A_14, %eq3A : vector<256x512xf32>
    %jit3A = arith.constant 1.000000e+09 : f32
    %broadcast_in_dim3A_30 = vector.broadcast %jit3A : f32 to vector<256x512xf32>
    %select_n3A = arith.select %eq3A_29, %broadcast_in_dim3A_26, %broadcast_in_dim3A_30 : vector<256x512xi1>, vector<256x512xf32>
    %reduce_min3A_31 = arith.constant dense<0x7F800000> : vector<256xf32>
    %reduce_min3A_32 = vector.multi_reduction <minimumf>, %select_n3A, %reduce_min3A_31 [1] : vector<256x512xf32> to vector<256xf32>
    %broadcast_in_dim3A_33 = vector.shape_cast %reduce_min3A_32 : vector<256xf32> to vector<256x1xf32>
    %eq3A_34 = vector.broadcast %broadcast_in_dim3A_33 : vector<256x1xf32> to vector<256x512xf32>
    %eq3A_35 = arith.cmpf oeq, %broadcast_in_dim3A_26, %eq3A_34 : vector<256x512xf32>
    %and3A = arith.andi %eq3A_29, %eq3A_35 : vector<256x512xi1>
    %jit3A_36 = arith.constant 0.000000e+00 : f32
    %broadcast_in_dim3A_37 = vector.broadcast %jit3A_36 : f32 to vector<256x512xf32>
    %select_n3A_38 = arith.select %and3A, %sub3A_25, %broadcast_in_dim3A_37 : vector<256x512xi1>, vector<256x512xf32>
    %reduce_sum3A = arith.constant dense<0.000000e+00> : vector<256xf32>
    %reduce_sum3A_39 = vector.multi_reduction <add>, %select_n3A_38, %reduce_sum3A [1] : vector<256x512xf32> to vector<256xf32>
    %broadcast_in_dim3A_40 = vector.shape_cast %reduce_sum3A_39 : vector<256xf32> to vector<256x1xf32>
    %jit3A_41 = arith.constant 0x7F800000 : f32
    %broadcast_in_dim3A_42 = vector.broadcast %jit3A_41 : f32 to vector<256x512xf32>
    %select_n3A_43 = arith.select %and3A, %broadcast_in_dim3A_42, %sub3A_14 : vector<256x512xi1>, vector<256x512xf32>
    %reduce_min3A_44 = arith.constant dense<0x7F800000> : vector<256xf32>
    %reduce_min3A_45 = vector.multi_reduction <minimumf>, %select_n3A_43, %reduce_min3A_44 [1] : vector<256x512xf32> to vector<256xf32>
    %broadcast_in_dim3A_46 = vector.shape_cast %reduce_min3A_45 : vector<256xf32> to vector<256x1xf32>
    %eq3A_47 = vector.broadcast %broadcast_in_dim3A_46 : vector<256x1xf32> to vector<256x512xf32>
    %eq3A_48 = arith.cmpf oeq, %select_n3A_43, %eq3A_47 : vector<256x512xf32>
    %jit3A_49 = arith.constant 1.000000e+09 : f32
    %broadcast_in_dim3A_50 = vector.broadcast %jit3A_49 : f32 to vector<256x512xf32>
    %select_n3A_51 = arith.select %eq3A_48, %broadcast_in_dim3A_26, %broadcast_in_dim3A_50 : vector<256x512xi1>, vector<256x512xf32>
    %reduce_min3A_52 = arith.constant dense<0x7F800000> : vector<256xf32>
    %reduce_min3A_53 = vector.multi_reduction <minimumf>, %select_n3A_51, %reduce_min3A_52 [1] : vector<256x512xf32> to vector<256xf32>
    %broadcast_in_dim3A_54 = vector.shape_cast %reduce_min3A_53 : vector<256xf32> to vector<256x1xf32>
    %eq3A_55 = vector.broadcast %broadcast_in_dim3A_54 : vector<256x1xf32> to vector<256x512xf32>
    %eq3A_56 = arith.cmpf oeq, %broadcast_in_dim3A_26, %eq3A_55 : vector<256x512xf32>
    %and3A_57 = arith.andi %eq3A_48, %eq3A_56 : vector<256x512xi1>
    %jit3A_58 = arith.constant 0.000000e+00 : f32
    %broadcast_in_dim3A_59 = vector.broadcast %jit3A_58 : f32 to vector<256x512xf32>
    %select_n3A_60 = arith.select %and3A_57, %sub3A_25, %broadcast_in_dim3A_59 : vector<256x512xi1>, vector<256x512xf32>
    %reduce_sum3A_61 = arith.constant dense<0.000000e+00> : vector<256xf32>
    %reduce_sum3A_62 = vector.multi_reduction <add>, %select_n3A_60, %reduce_sum3A_61 [1] : vector<256x512xf32> to vector<256xf32>
    %broadcast_in_dim3A_63 = vector.shape_cast %reduce_sum3A_62 : vector<256xf32> to vector<256x1xf32>
    %jit3A_64 = arith.constant 0x7F800000 : f32
    %broadcast_in_dim3A_65 = vector.broadcast %jit3A_64 : f32 to vector<256x512xf32>
    %select_n3A_66 = arith.select %and3A_57, %broadcast_in_dim3A_65, %select_n3A_43 : vector<256x512xi1>, vector<256x512xf32>
    %reduce_min3A_67 = arith.constant dense<0x7F800000> : vector<256xf32>
    %reduce_min3A_68 = vector.multi_reduction <minimumf>, %select_n3A_66, %reduce_min3A_67 [1] : vector<256x512xf32> to vector<256xf32>
    %broadcast_in_dim3A_69 = vector.shape_cast %reduce_min3A_68 : vector<256xf32> to vector<256x1xf32>
    %eq3A_70 = vector.broadcast %broadcast_in_dim3A_69 : vector<256x1xf32> to vector<256x512xf32>
    %eq3A_71 = arith.cmpf oeq, %select_n3A_66, %eq3A_70 : vector<256x512xf32>
    %jit3A_72 = arith.constant 1.000000e+09 : f32
    %broadcast_in_dim3A_73 = vector.broadcast %jit3A_72 : f32 to vector<256x512xf32>
    %select_n3A_74 = arith.select %eq3A_71, %broadcast_in_dim3A_26, %broadcast_in_dim3A_73 : vector<256x512xi1>, vector<256x512xf32>
    %reduce_min3A_75 = arith.constant dense<0x7F800000> : vector<256xf32>
    %reduce_min3A_76 = vector.multi_reduction <minimumf>, %select_n3A_74, %reduce_min3A_75 [1] : vector<256x512xf32> to vector<256xf32>
    %broadcast_in_dim3A_77 = vector.shape_cast %reduce_min3A_76 : vector<256xf32> to vector<256x1xf32>
    %eq3A_78 = vector.broadcast %broadcast_in_dim3A_77 : vector<256x1xf32> to vector<256x512xf32>
    %eq3A_79 = arith.cmpf oeq, %broadcast_in_dim3A_26, %eq3A_78 : vector<256x512xf32>
    %and3A_80 = arith.andi %eq3A_71, %eq3A_79 : vector<256x512xi1>
    %jit3A_81 = arith.constant 0.000000e+00 : f32
    %broadcast_in_dim3A_82 = vector.broadcast %jit3A_81 : f32 to vector<256x512xf32>
    %select_n3A_83 = arith.select %and3A_80, %sub3A_25, %broadcast_in_dim3A_82 : vector<256x512xi1>, vector<256x512xf32>
    %reduce_sum3A_84 = arith.constant dense<0.000000e+00> : vector<256xf32>
    %reduce_sum3A_85 = vector.multi_reduction <add>, %select_n3A_83, %reduce_sum3A_84 [1] : vector<256x512xf32> to vector<256xf32>
    %broadcast_in_dim3A_86 = vector.shape_cast %reduce_sum3A_85 : vector<256xf32> to vector<256x1xf32>
    %jit3A_87 = arith.constant 0x7F800000 : f32
    %broadcast_in_dim3A_88 = vector.broadcast %jit3A_87 : f32 to vector<256x512xf32>
    %select_n3A_89 = arith.select %and3A_80, %broadcast_in_dim3A_88, %select_n3A_66 : vector<256x512xi1>, vector<256x512xf32>
    %reduce_min3A_90 = arith.constant dense<0x7F800000> : vector<256xf32>
    %reduce_min3A_91 = vector.multi_reduction <minimumf>, %select_n3A_89, %reduce_min3A_90 [1] : vector<256x512xf32> to vector<256xf32>
    %broadcast_in_dim3A_92 = vector.shape_cast %reduce_min3A_91 : vector<256xf32> to vector<256x1xf32>
    %eq3A_93 = vector.broadcast %broadcast_in_dim3A_92 : vector<256x1xf32> to vector<256x512xf32>
    %eq3A_94 = arith.cmpf oeq, %select_n3A_89, %eq3A_93 : vector<256x512xf32>
    %jit3A_95 = arith.constant 1.000000e+09 : f32
    %broadcast_in_dim3A_96 = vector.broadcast %jit3A_95 : f32 to vector<256x512xf32>
    %select_n3A_97 = arith.select %eq3A_94, %broadcast_in_dim3A_26, %broadcast_in_dim3A_96 : vector<256x512xi1>, vector<256x512xf32>
    %reduce_min3A_98 = arith.constant dense<0x7F800000> : vector<256xf32>
    %reduce_min3A_99 = vector.multi_reduction <minimumf>, %select_n3A_97, %reduce_min3A_98 [1] : vector<256x512xf32> to vector<256xf32>
    %broadcast_in_dim3A_100 = vector.shape_cast %reduce_min3A_99 : vector<256xf32> to vector<256x1xf32>
    %eq3A_101 = vector.broadcast %broadcast_in_dim3A_100 : vector<256x1xf32> to vector<256x512xf32>
    %eq3A_102 = arith.cmpf oeq, %broadcast_in_dim3A_26, %eq3A_101 : vector<256x512xf32>
    %and3A_103 = arith.andi %eq3A_94, %eq3A_102 : vector<256x512xi1>
    %jit3A_104 = arith.constant 0.000000e+00 : f32
    %broadcast_in_dim3A_105 = vector.broadcast %jit3A_104 : f32 to vector<256x512xf32>
    %select_n3A_106 = arith.select %and3A_103, %sub3A_25, %broadcast_in_dim3A_105 : vector<256x512xi1>, vector<256x512xf32>
    %reduce_sum3A_107 = arith.constant dense<0.000000e+00> : vector<256xf32>
    %reduce_sum3A_108 = vector.multi_reduction <add>, %select_n3A_106, %reduce_sum3A_107 [1] : vector<256x512xf32> to vector<256xf32>
    %broadcast_in_dim3A_109 = vector.shape_cast %reduce_sum3A_108 : vector<256xf32> to vector<256x1xf32>
    %jit3A_110 = arith.constant 0x7F800000 : f32
    %broadcast_in_dim3A_111 = vector.broadcast %jit3A_110 : f32 to vector<256x512xf32>
    %select_n3A_112 = arith.select %and3A_103, %broadcast_in_dim3A_111, %select_n3A_89 : vector<256x512xi1>, vector<256x512xf32>
    %reduce_min3A_113 = arith.constant dense<0x7F800000> : vector<256xf32>
    %reduce_min3A_114 = vector.multi_reduction <minimumf>, %select_n3A_112, %reduce_min3A_113 [1] : vector<256x512xf32> to vector<256xf32>
    %broadcast_in_dim3A_115 = vector.shape_cast %reduce_min3A_114 : vector<256xf32> to vector<256x1xf32>
    %eq3A_116 = vector.broadcast %broadcast_in_dim3A_115 : vector<256x1xf32> to vector<256x512xf32>
    %eq3A_117 = arith.cmpf oeq, %select_n3A_112, %eq3A_116 : vector<256x512xf32>
    %jit3A_118 = arith.constant 1.000000e+09 : f32
    %broadcast_in_dim3A_119 = vector.broadcast %jit3A_118 : f32 to vector<256x512xf32>
    %select_n3A_120 = arith.select %eq3A_117, %broadcast_in_dim3A_26, %broadcast_in_dim3A_119 : vector<256x512xi1>, vector<256x512xf32>
    %reduce_min3A_121 = arith.constant dense<0x7F800000> : vector<256xf32>
    %reduce_min3A_122 = vector.multi_reduction <minimumf>, %select_n3A_120, %reduce_min3A_121 [1] : vector<256x512xf32> to vector<256xf32>
    %broadcast_in_dim3A_123 = vector.shape_cast %reduce_min3A_122 : vector<256xf32> to vector<256x1xf32>
    %eq3A_124 = vector.broadcast %broadcast_in_dim3A_123 : vector<256x1xf32> to vector<256x512xf32>
    %eq3A_125 = arith.cmpf oeq, %broadcast_in_dim3A_26, %eq3A_124 : vector<256x512xf32>
    %and3A_126 = arith.andi %eq3A_117, %eq3A_125 : vector<256x512xi1>
    %jit3A_127 = arith.constant 0.000000e+00 : f32
    %broadcast_in_dim3A_128 = vector.broadcast %jit3A_127 : f32 to vector<256x512xf32>
    %select_n3A_129 = arith.select %and3A_126, %sub3A_25, %broadcast_in_dim3A_128 : vector<256x512xi1>, vector<256x512xf32>
    %reduce_sum3A_130 = arith.constant dense<0.000000e+00> : vector<256xf32>
    %reduce_sum3A_131 = vector.multi_reduction <add>, %select_n3A_129, %reduce_sum3A_130 [1] : vector<256x512xf32> to vector<256xf32>
    %broadcast_in_dim3A_132 = vector.shape_cast %reduce_sum3A_131 : vector<256xf32> to vector<256x1xf32>
    %broadcast_in_dim3A_133 = arith.constant 0x7F800000 : f32
    %broadcast_in_dim3A_134 = vector.broadcast %broadcast_in_dim3A_133 : f32 to vector<256x1xf32>
    %concatenate3A_135 = tpu.concatenate %broadcast_in_dim3A_28, %broadcast_in_dim3A_46, %broadcast_in_dim3A_69, %broadcast_in_dim3A_92, %broadcast_in_dim3A_115, %broadcast_in_dim3A_134, %broadcast_in_dim3A_134, %broadcast_in_dim3A_134 in 1 : vector<256x1xf32>, vector<256x1xf32>, vector<256x1xf32>, vector<256x1xf32>, vector<256x1xf32>, vector<256x1xf32>, vector<256x1xf32>, vector<256x1xf32> -> vector<256x8xf32>
    %get3A_136 = arith.constant 0 : index
    %get3A_137 = arith.constant 0 : index
    %get3A_138 = vector.load %arg7[%get3A_136, %get3A_137] : memref<256x24xf32, #tpu.memory_space<vmem>>, vector<256x8xf32>
    %concatenate3A_139 = tpu.concatenate %concatenate3A_135, %get3A_138 in 1 : vector<256x8xf32>, vector<256x8xf32> -> vector<256x16xf32>
    %broadcast_in_dim3A_140 = arith.constant 1.000000e+09 : f32
    %broadcast_in_dim3A_141 = vector.broadcast %broadcast_in_dim3A_140 : f32 to vector<256x1xf32>
    %concatenate3A_142 = tpu.concatenate %broadcast_in_dim3A_33, %broadcast_in_dim3A_54, %broadcast_in_dim3A_77, %broadcast_in_dim3A_100, %broadcast_in_dim3A_123, %broadcast_in_dim3A_141, %broadcast_in_dim3A_141, %broadcast_in_dim3A_141 in 1 : vector<256x1xf32>, vector<256x1xf32>, vector<256x1xf32>, vector<256x1xf32>, vector<256x1xf32>, vector<256x1xf32>, vector<256x1xf32>, vector<256x1xf32> -> vector<256x8xf32>
    %get3A_143 = arith.constant 0 : index
    %get3A_144 = arith.constant 8 : index
    %get3A_145 = vector.load %arg7[%get3A_143, %get3A_144] : memref<256x24xf32, #tpu.memory_space<vmem>>, vector<256x8xf32>
    %concatenate3A_146 = tpu.concatenate %concatenate3A_142, %get3A_145 in 1 : vector<256x8xf32>, vector<256x8xf32> -> vector<256x16xf32>
    %broadcast_in_dim3A_147 = arith.constant 0.000000e+00 : f32
    %broadcast_in_dim3A_148 = vector.broadcast %broadcast_in_dim3A_147 : f32 to vector<256x1xf32>
    %concatenate3A_149 = tpu.concatenate %broadcast_in_dim3A_40, %broadcast_in_dim3A_63, %broadcast_in_dim3A_86, %broadcast_in_dim3A_109, %broadcast_in_dim3A_132, %broadcast_in_dim3A_148, %broadcast_in_dim3A_148, %broadcast_in_dim3A_148 in 1 : vector<256x1xf32>, vector<256x1xf32>, vector<256x1xf32>, vector<256x1xf32>, vector<256x1xf32>, vector<256x1xf32>, vector<256x1xf32>, vector<256x1xf32> -> vector<256x8xf32>
    %get3A_150 = arith.constant 0 : index
    %get3A_151 = arith.constant 16 : index
    %get3A_152 = vector.load %arg7[%get3A_150, %get3A_151] : memref<256x24xf32, #tpu.memory_space<vmem>>, vector<256x8xf32>
    %concatenate3A_153 = tpu.concatenate %concatenate3A_149, %get3A_152 in 1 : vector<256x8xf32>, vector<256x8xf32> -> vector<256x16xf32>
    %reduce_min3A_154 = arith.constant dense<0x7F800000> : vector<256xf32>
    %reduce_min3A_155 = vector.multi_reduction <minimumf>, %concatenate3A_139, %reduce_min3A_154 [1] : vector<256x16xf32> to vector<256xf32>
    %broadcast_in_dim3A_156 = vector.shape_cast %reduce_min3A_155 : vector<256xf32> to vector<256x1xf32>
    %eq3A_157 = vector.broadcast %broadcast_in_dim3A_156 : vector<256x1xf32> to vector<256x16xf32>
    %eq3A_158 = arith.cmpf oeq, %concatenate3A_139, %eq3A_157 : vector<256x16xf32>
    %jit3A_159 = arith.constant 1.000000e+09 : f32
    %broadcast_in_dim3A_160 = vector.broadcast %jit3A_159 : f32 to vector<256x16xf32>
    %select_n3A_161 = arith.select %eq3A_158, %concatenate3A_146, %broadcast_in_dim3A_160 : vector<256x16xi1>, vector<256x16xf32>
    %reduce_min3A_162 = arith.constant dense<0x7F800000> : vector<256xf32>
    %reduce_min3A_163 = vector.multi_reduction <minimumf>, %select_n3A_161, %reduce_min3A_162 [1] : vector<256x16xf32> to vector<256xf32>
    %broadcast_in_dim3A_164 = vector.shape_cast %reduce_min3A_163 : vector<256xf32> to vector<256x1xf32>
    %eq3A_165 = vector.broadcast %broadcast_in_dim3A_164 : vector<256x1xf32> to vector<256x16xf32>
    %eq3A_166 = arith.cmpf oeq, %concatenate3A_146, %eq3A_165 : vector<256x16xf32>
    %and3A_167 = arith.andi %eq3A_158, %eq3A_166 : vector<256x16xi1>
    %jit3A_168 = arith.constant 0.000000e+00 : f32
    %broadcast_in_dim3A_169 = vector.broadcast %jit3A_168 : f32 to vector<256x16xf32>
    %select_n3A_170 = arith.select %and3A_167, %concatenate3A_153, %broadcast_in_dim3A_169 : vector<256x16xi1>, vector<256x16xf32>
    %reduce_sum3A_171 = arith.constant dense<0.000000e+00> : vector<256xf32>
    %reduce_sum3A_172 = vector.multi_reduction <add>, %select_n3A_170, %reduce_sum3A_171 [1] : vector<256x16xf32> to vector<256xf32>
    %broadcast_in_dim3A_173 = vector.shape_cast %reduce_sum3A_172 : vector<256xf32> to vector<256x1xf32>
    %jit3A_174 = arith.constant 0x7F800000 : f32
    %broadcast_in_dim3A_175 = vector.broadcast %jit3A_174 : f32 to vector<256x16xf32>
    %select_n3A_176 = arith.select %and3A_167, %broadcast_in_dim3A_175, %concatenate3A_139 : vector<256x16xi1>, vector<256x16xf32>
    %reduce_min3A_177 = arith.constant dense<0x7F800000> : vector<256xf32>
    %reduce_min3A_178 = vector.multi_reduction <minimumf>, %select_n3A_176, %reduce_min3A_177 [1] : vector<256x16xf32> to vector<256xf32>
    %broadcast_in_dim3A_179 = vector.shape_cast %reduce_min3A_178 : vector<256xf32> to vector<256x1xf32>
    %eq3A_180 = vector.broadcast %broadcast_in_dim3A_179 : vector<256x1xf32> to vector<256x16xf32>
    %eq3A_181 = arith.cmpf oeq, %select_n3A_176, %eq3A_180 : vector<256x16xf32>
    %jit3A_182 = arith.constant 1.000000e+09 : f32
    %broadcast_in_dim3A_183 = vector.broadcast %jit3A_182 : f32 to vector<256x16xf32>
    %select_n3A_184 = arith.select %eq3A_181, %concatenate3A_146, %broadcast_in_dim3A_183 : vector<256x16xi1>, vector<256x16xf32>
    %reduce_min3A_185 = arith.constant dense<0x7F800000> : vector<256xf32>
    %reduce_min3A_186 = vector.multi_reduction <minimumf>, %select_n3A_184, %reduce_min3A_185 [1] : vector<256x16xf32> to vector<256xf32>
    %broadcast_in_dim3A_187 = vector.shape_cast %reduce_min3A_186 : vector<256xf32> to vector<256x1xf32>
    %eq3A_188 = vector.broadcast %broadcast_in_dim3A_187 : vector<256x1xf32> to vector<256x16xf32>
    %eq3A_189 = arith.cmpf oeq, %concatenate3A_146, %eq3A_188 : vector<256x16xf32>
    %and3A_190 = arith.andi %eq3A_181, %eq3A_189 : vector<256x16xi1>
    %jit3A_191 = arith.constant 0.000000e+00 : f32
    %broadcast_in_dim3A_192 = vector.broadcast %jit3A_191 : f32 to vector<256x16xf32>
    %select_n3A_193 = arith.select %and3A_190, %concatenate3A_153, %broadcast_in_dim3A_192 : vector<256x16xi1>, vector<256x16xf32>
    %reduce_sum3A_194 = arith.constant dense<0.000000e+00> : vector<256xf32>
    %reduce_sum3A_195 = vector.multi_reduction <add>, %select_n3A_193, %reduce_sum3A_194 [1] : vector<256x16xf32> to vector<256xf32>
    %broadcast_in_dim3A_196 = vector.shape_cast %reduce_sum3A_195 : vector<256xf32> to vector<256x1xf32>
    %jit3A_197 = arith.constant 0x7F800000 : f32
    %broadcast_in_dim3A_198 = vector.broadcast %jit3A_197 : f32 to vector<256x16xf32>
    %select_n3A_199 = arith.select %and3A_190, %broadcast_in_dim3A_198, %select_n3A_176 : vector<256x16xi1>, vector<256x16xf32>
    %reduce_min3A_200 = arith.constant dense<0x7F800000> : vector<256xf32>
    %reduce_min3A_201 = vector.multi_reduction <minimumf>, %select_n3A_199, %reduce_min3A_200 [1] : vector<256x16xf32> to vector<256xf32>
    %broadcast_in_dim3A_202 = vector.shape_cast %reduce_min3A_201 : vector<256xf32> to vector<256x1xf32>
    %eq3A_203 = vector.broadcast %broadcast_in_dim3A_202 : vector<256x1xf32> to vector<256x16xf32>
    %eq3A_204 = arith.cmpf oeq, %select_n3A_199, %eq3A_203 : vector<256x16xf32>
    %jit3A_205 = arith.constant 1.000000e+09 : f32
    %broadcast_in_dim3A_206 = vector.broadcast %jit3A_205 : f32 to vector<256x16xf32>
    %select_n3A_207 = arith.select %eq3A_204, %concatenate3A_146, %broadcast_in_dim3A_206 : vector<256x16xi1>, vector<256x16xf32>
    %reduce_min3A_208 = arith.constant dense<0x7F800000> : vector<256xf32>
    %reduce_min3A_209 = vector.multi_reduction <minimumf>, %select_n3A_207, %reduce_min3A_208 [1] : vector<256x16xf32> to vector<256xf32>
    %broadcast_in_dim3A_210 = vector.shape_cast %reduce_min3A_209 : vector<256xf32> to vector<256x1xf32>
    %eq3A_211 = vector.broadcast %broadcast_in_dim3A_210 : vector<256x1xf32> to vector<256x16xf32>
    %eq3A_212 = arith.cmpf oeq, %concatenate3A_146, %eq3A_211 : vector<256x16xf32>
    %and3A_213 = arith.andi %eq3A_204, %eq3A_212 : vector<256x16xi1>
    %jit3A_214 = arith.constant 0.000000e+00 : f32
    %broadcast_in_dim3A_215 = vector.broadcast %jit3A_214 : f32 to vector<256x16xf32>
    %select_n3A_216 = arith.select %and3A_213, %concatenate3A_153, %broadcast_in_dim3A_215 : vector<256x16xi1>, vector<256x16xf32>
    %reduce_sum3A_217 = arith.constant dense<0.000000e+00> : vector<256xf32>
    %reduce_sum3A_218 = vector.multi_reduction <add>, %select_n3A_216, %reduce_sum3A_217 [1] : vector<256x16xf32> to vector<256xf32>
    %broadcast_in_dim3A_219 = vector.shape_cast %reduce_sum3A_218 : vector<256xf32> to vector<256x1xf32>
    %jit3A_220 = arith.constant 0x7F800000 : f32
    %broadcast_in_dim3A_221 = vector.broadcast %jit3A_220 : f32 to vector<256x16xf32>
    %select_n3A_222 = arith.select %and3A_213, %broadcast_in_dim3A_221, %select_n3A_199 : vector<256x16xi1>, vector<256x16xf32>
    %reduce_min3A_223 = arith.constant dense<0x7F800000> : vector<256xf32>
    %reduce_min3A_224 = vector.multi_reduction <minimumf>, %select_n3A_222, %reduce_min3A_223 [1] : vector<256x16xf32> to vector<256xf32>
    %broadcast_in_dim3A_225 = vector.shape_cast %reduce_min3A_224 : vector<256xf32> to vector<256x1xf32>
    %eq3A_226 = vector.broadcast %broadcast_in_dim3A_225 : vector<256x1xf32> to vector<256x16xf32>
    %eq3A_227 = arith.cmpf oeq, %select_n3A_222, %eq3A_226 : vector<256x16xf32>
    %jit3A_228 = arith.constant 1.000000e+09 : f32
    %broadcast_in_dim3A_229 = vector.broadcast %jit3A_228 : f32 to vector<256x16xf32>
    %select_n3A_230 = arith.select %eq3A_227, %concatenate3A_146, %broadcast_in_dim3A_229 : vector<256x16xi1>, vector<256x16xf32>
    %reduce_min3A_231 = arith.constant dense<0x7F800000> : vector<256xf32>
    %reduce_min3A_232 = vector.multi_reduction <minimumf>, %select_n3A_230, %reduce_min3A_231 [1] : vector<256x16xf32> to vector<256xf32>
    %broadcast_in_dim3A_233 = vector.shape_cast %reduce_min3A_232 : vector<256xf32> to vector<256x1xf32>
    %eq3A_234 = vector.broadcast %broadcast_in_dim3A_233 : vector<256x1xf32> to vector<256x16xf32>
    %eq3A_235 = arith.cmpf oeq, %concatenate3A_146, %eq3A_234 : vector<256x16xf32>
    %and3A_236 = arith.andi %eq3A_227, %eq3A_235 : vector<256x16xi1>
    %jit3A_237 = arith.constant 0.000000e+00 : f32
    %broadcast_in_dim3A_238 = vector.broadcast %jit3A_237 : f32 to vector<256x16xf32>
    %select_n3A_239 = arith.select %and3A_236, %concatenate3A_153, %broadcast_in_dim3A_238 : vector<256x16xi1>, vector<256x16xf32>
    %reduce_sum3A_240 = arith.constant dense<0.000000e+00> : vector<256xf32>
    %reduce_sum3A_241 = vector.multi_reduction <add>, %select_n3A_239, %reduce_sum3A_240 [1] : vector<256x16xf32> to vector<256xf32>
    %broadcast_in_dim3A_242 = vector.shape_cast %reduce_sum3A_241 : vector<256xf32> to vector<256x1xf32>
    %jit3A_243 = arith.constant 0x7F800000 : f32
    %broadcast_in_dim3A_244 = vector.broadcast %jit3A_243 : f32 to vector<256x16xf32>
    %select_n3A_245 = arith.select %and3A_236, %broadcast_in_dim3A_244, %select_n3A_222 : vector<256x16xi1>, vector<256x16xf32>
    %reduce_min3A_246 = arith.constant dense<0x7F800000> : vector<256xf32>
    %reduce_min3A_247 = vector.multi_reduction <minimumf>, %select_n3A_245, %reduce_min3A_246 [1] : vector<256x16xf32> to vector<256xf32>
    %broadcast_in_dim3A_248 = vector.shape_cast %reduce_min3A_247 : vector<256xf32> to vector<256x1xf32>
    %eq3A_249 = vector.broadcast %broadcast_in_dim3A_248 : vector<256x1xf32> to vector<256x16xf32>
    %eq3A_250 = arith.cmpf oeq, %select_n3A_245, %eq3A_249 : vector<256x16xf32>
    %jit3A_251 = arith.constant 1.000000e+09 : f32
    %broadcast_in_dim3A_252 = vector.broadcast %jit3A_251 : f32 to vector<256x16xf32>
    %select_n3A_253 = arith.select %eq3A_250, %concatenate3A_146, %broadcast_in_dim3A_252 : vector<256x16xi1>, vector<256x16xf32>
    %reduce_min3A_254 = arith.constant dense<0x7F800000> : vector<256xf32>
    %reduce_min3A_255 = vector.multi_reduction <minimumf>, %select_n3A_253, %reduce_min3A_254 [1] : vector<256x16xf32> to vector<256xf32>
    %broadcast_in_dim3A_256 = vector.shape_cast %reduce_min3A_255 : vector<256xf32> to vector<256x1xf32>
    %eq3A_257 = vector.broadcast %broadcast_in_dim3A_256 : vector<256x1xf32> to vector<256x16xf32>
    %eq3A_258 = arith.cmpf oeq, %concatenate3A_146, %eq3A_257 : vector<256x16xf32>
    %and3A_259 = arith.andi %eq3A_250, %eq3A_258 : vector<256x16xi1>
    %jit3A_260 = arith.constant 0.000000e+00 : f32
    %broadcast_in_dim3A_261 = vector.broadcast %jit3A_260 : f32 to vector<256x16xf32>
    %select_n3A_262 = arith.select %and3A_259, %concatenate3A_153, %broadcast_in_dim3A_261 : vector<256x16xi1>, vector<256x16xf32>
    %reduce_sum3A_263 = arith.constant dense<0.000000e+00> : vector<256xf32>
    %reduce_sum3A_264 = vector.multi_reduction <add>, %select_n3A_262, %reduce_sum3A_263 [1] : vector<256x16xf32> to vector<256xf32>
    %broadcast_in_dim3A_265 = vector.shape_cast %reduce_sum3A_264 : vector<256xf32> to vector<256x1xf32>
    %add3A = arith.constant 0.000000e+00 : f32
    %add3A_266 = vector.broadcast %add3A : f32 to vector<256x1xf32>
    %add3A_267 = arith.addf %add3A_266, %broadcast_in_dim3A_173 : vector<256x1xf32>
    %add3A_268 = arith.addf %add3A_267, %broadcast_in_dim3A_196 : vector<256x1xf32>
    %add3A_269 = arith.addf %add3A_268, %broadcast_in_dim3A_219 : vector<256x1xf32>
    %add3A_270 = arith.addf %add3A_269, %broadcast_in_dim3A_242 : vector<256x1xf32>
    %add3A_271 = arith.addf %add3A_270, %broadcast_in_dim3A_265 : vector<256x1xf32>
    %get3A_272 = arith.constant 0 : index
    %get3A_273 = vector.load %arg5[%get3A_272] : memref<256xi32, #tpu.memory_space<vmem>>, vector<256xi32>
    %reshape3A = vector.shape_cast %get3A_273 : vector<256xi32> to vector<1x256xi32>
    %reshape3A_274 = vector.shape_cast %reshape3A : vector<1x256xi32> to vector<256x1xi32>
    %eq3A_275 = vector.broadcast %reshape3A_274 : vector<256x1xi32> to vector<256x256xi32>
    %eq3A_276 = vector.broadcast %reshape3A : vector<1x256xi32> to vector<256x256xi32>
    %eq3A_277 = arith.cmpi eq, %eq3A_275, %eq3A_276 : vector<256x256xi32>
    %iota3A_278 = tpu.iota {dimensions = array<i32: 1>} : vector<1x256xi32>
    %convert_element_type3A_279 = arith.sitofp %iota3A_278 : vector<1x256xi32> to vector<1x256xf32>
    %broadcast_in_dim3A_280 = arith.constant 0.000000e+00 : f32
    %broadcast_in_dim3A_281 = vector.broadcast %broadcast_in_dim3A_280 : f32 to vector<256x1xf32>
    %eq3A_282 = vector.broadcast %broadcast_in_dim3A_164 : vector<256x1xf32> to vector<256x256xf32>
    %eq3A_283 = vector.broadcast %convert_element_type3A_279 : vector<1x256xf32> to vector<256x256xf32>
    %eq3A_284 = arith.cmpf oeq, %eq3A_282, %eq3A_283 : vector<256x256xf32>
    %and3A_285 = arith.andi %eq3A_284, %eq3A_277 : vector<256x256xi1>
    %jit3A_286 = arith.constant 1.000000e+00 : f32
    %jit3A_287 = arith.constant 0.000000e+00 : f32
    %broadcast_in_dim3A_288 = vector.broadcast %jit3A_286 : f32 to vector<256x256xf32>
    %broadcast_in_dim3A_289 = vector.broadcast %jit3A_287 : f32 to vector<256x256xf32>
    %select_n3A_290 = arith.select %and3A_285, %broadcast_in_dim3A_288, %broadcast_in_dim3A_289 : vector<256x256xi1>, vector<256x256xf32>
    %reduce_sum3A_291 = arith.constant dense<0.000000e+00> : vector<256xf32>
    %reduce_sum3A_292 = vector.multi_reduction <add>, %select_n3A_290, %reduce_sum3A_291 [1] : vector<256x256xf32> to vector<256xf32>
    %broadcast_in_dim3A_293 = vector.shape_cast %reduce_sum3A_292 : vector<256xf32> to vector<256x1xf32>
    %add3A_294 = arith.addf %broadcast_in_dim3A_281, %broadcast_in_dim3A_293 : vector<256x1xf32>
    %eq3A_295 = vector.broadcast %broadcast_in_dim3A_187 : vector<256x1xf32> to vector<256x256xf32>
    %eq3A_296 = vector.broadcast %convert_element_type3A_279 : vector<1x256xf32> to vector<256x256xf32>
    %eq3A_297 = arith.cmpf oeq, %eq3A_295, %eq3A_296 : vector<256x256xf32>
    %and3A_298 = arith.andi %eq3A_297, %eq3A_277 : vector<256x256xi1>
    %jit3A_299 = arith.constant 1.000000e+00 : f32
    %jit3A_300 = arith.constant 0.000000e+00 : f32
    %broadcast_in_dim3A_301 = vector.broadcast %jit3A_299 : f32 to vector<256x256xf32>
    %broadcast_in_dim3A_302 = vector.broadcast %jit3A_300 : f32 to vector<256x256xf32>
    %select_n3A_303 = arith.select %and3A_298, %broadcast_in_dim3A_301, %broadcast_in_dim3A_302 : vector<256x256xi1>, vector<256x256xf32>
    %reduce_sum3A_304 = arith.constant dense<0.000000e+00> : vector<256xf32>
    %reduce_sum3A_305 = vector.multi_reduction <add>, %select_n3A_303, %reduce_sum3A_304 [1] : vector<256x256xf32> to vector<256xf32>
    %broadcast_in_dim3A_306 = vector.shape_cast %reduce_sum3A_305 : vector<256xf32> to vector<256x1xf32>
    %add3A_307 = arith.addf %add3A_294, %broadcast_in_dim3A_306 : vector<256x1xf32>
    %eq3A_308 = vector.broadcast %broadcast_in_dim3A_210 : vector<256x1xf32> to vector<256x256xf32>
    %eq3A_309 = vector.broadcast %convert_element_type3A_279 : vector<1x256xf32> to vector<256x256xf32>
    %eq3A_310 = arith.cmpf oeq, %eq3A_308, %eq3A_309 : vector<256x256xf32>
    %and3A_311 = arith.andi %eq3A_310, %eq3A_277 : vector<256x256xi1>
    %jit3A_312 = arith.constant 1.000000e+00 : f32
    %jit3A_313 = arith.constant 0.000000e+00 : f32
    %broadcast_in_dim3A_314 = vector.broadcast %jit3A_312 : f32 to vector<256x256xf32>
    %broadcast_in_dim3A_315 = vector.broadcast %jit3A_313 : f32 to vector<256x256xf32>
    %select_n3A_316 = arith.select %and3A_311, %broadcast_in_dim3A_314, %broadcast_in_dim3A_315 : vector<256x256xi1>, vector<256x256xf32>
    %reduce_sum3A_317 = arith.constant dense<0.000000e+00> : vector<256xf32>
    %reduce_sum3A_318 = vector.multi_reduction <add>, %select_n3A_316, %reduce_sum3A_317 [1] : vector<256x256xf32> to vector<256xf32>
    %broadcast_in_dim3A_319 = vector.shape_cast %reduce_sum3A_318 : vector<256xf32> to vector<256x1xf32>
    %add3A_320 = arith.addf %add3A_307, %broadcast_in_dim3A_319 : vector<256x1xf32>
    %eq3A_321 = vector.broadcast %broadcast_in_dim3A_233 : vector<256x1xf32> to vector<256x256xf32>
    %eq3A_322 = vector.broadcast %convert_element_type3A_279 : vector<1x256xf32> to vector<256x256xf32>
    %eq3A_323 = arith.cmpf oeq, %eq3A_321, %eq3A_322 : vector<256x256xf32>
    %and3A_324 = arith.andi %eq3A_323, %eq3A_277 : vector<256x256xi1>
    %jit3A_325 = arith.constant 1.000000e+00 : f32
    %jit3A_326 = arith.constant 0.000000e+00 : f32
    %broadcast_in_dim3A_327 = vector.broadcast %jit3A_325 : f32 to vector<256x256xf32>
    %broadcast_in_dim3A_328 = vector.broadcast %jit3A_326 : f32 to vector<256x256xf32>
    %select_n3A_329 = arith.select %and3A_324, %broadcast_in_dim3A_327, %broadcast_in_dim3A_328 : vector<256x256xi1>, vector<256x256xf32>
    %reduce_sum3A_330 = arith.constant dense<0.000000e+00> : vector<256xf32>
    %reduce_sum3A_331 = vector.multi_reduction <add>, %select_n3A_329, %reduce_sum3A_330 [1] : vector<256x256xf32> to vector<256xf32>
    %broadcast_in_dim3A_332 = vector.shape_cast %reduce_sum3A_331 : vector<256xf32> to vector<256x1xf32>
    %add3A_333 = arith.addf %add3A_320, %broadcast_in_dim3A_332 : vector<256x1xf32>
    %eq3A_334 = vector.broadcast %broadcast_in_dim3A_256 : vector<256x1xf32> to vector<256x256xf32>
    %eq3A_335 = vector.broadcast %convert_element_type3A_279 : vector<1x256xf32> to vector<256x256xf32>
    %eq3A_336 = arith.cmpf oeq, %eq3A_334, %eq3A_335 : vector<256x256xf32>
    %and3A_337 = arith.andi %eq3A_336, %eq3A_277 : vector<256x256xi1>
    %jit3A_338 = arith.constant 1.000000e+00 : f32
    %jit3A_339 = arith.constant 0.000000e+00 : f32
    %broadcast_in_dim3A_340 = vector.broadcast %jit3A_338 : f32 to vector<256x256xf32>
    %broadcast_in_dim3A_341 = vector.broadcast %jit3A_339 : f32 to vector<256x256xf32>
    %select_n3A_342 = arith.select %and3A_337, %broadcast_in_dim3A_340, %broadcast_in_dim3A_341 : vector<256x256xi1>, vector<256x256xf32>
    %reduce_sum3A_343 = arith.constant dense<0.000000e+00> : vector<256xf32>
    %reduce_sum3A_344 = vector.multi_reduction <add>, %select_n3A_342, %reduce_sum3A_343 [1] : vector<256x256xf32> to vector<256xf32>
    %broadcast_in_dim3A_345 = vector.shape_cast %reduce_sum3A_344 : vector<256xf32> to vector<256x1xf32>
    %add3A_346 = arith.addf %add3A_333, %broadcast_in_dim3A_345 : vector<256x1xf32>
    %get3A_347 = arith.constant 0 : index
    %get3A_348 = arith.constant 0 : index
    %get3A_349 = vector.load %arg4[%get3A_347, %get3A_348] : memref<512x512xf32, #tpu.memory_space<vmem>>, vector<256x512xf32>
    %get3A_350 = arith.constant 0 : index
    %get3A_351 = vector.load %arg6[%get3A_350] : memref<256xi32, #tpu.memory_space<vmem>>, vector<256xi32>
    %reshape3A_352 = vector.shape_cast %get3A_351 : vector<256xi32> to vector<1x256xi32>
    %eq3A_353 = arith.constant 49999 : i32
    %eq3A_354 = vector.broadcast %eq3A_353 : i32 to vector<1x256xi32>
    %eq3A_355 = arith.cmpi eq, %reshape3A_352, %eq3A_354 : vector<1x256xi32>
    %reduce_or3A = arith.constant 1.000000e+00 : f32
    %reduce_or3A_356 = arith.constant 0.000000e+00 : f32
    %reduce_or3A_357 = vector.broadcast %reduce_or3A : f32 to vector<1x256xf32>
    %reduce_or3A_358 = vector.broadcast %reduce_or3A_356 : f32 to vector<1x256xf32>
    %reduce_or3A_359 = arith.select %eq3A_355, %reduce_or3A_357, %reduce_or3A_358 : vector<1x256xi1>, vector<1x256xf32>
    %reduce_or3A_360 = vector.shape_cast %reduce_or3A_359 : vector<1x256xf32> to vector<1x1x256xf32>
    %reduce_or3A_361 = arith.constant dense<0xFF800000> : vector<1xf32>
    %reduce_or3A_362 = vector.multi_reduction <maximumf>, %reduce_or3A_360, %reduce_or3A_361 [1, 2] : vector<1x1x256xf32> to vector<1xf32>
    %reduce_or3A_363 = vector.shape_cast %reduce_or3A_362 : vector<1xf32> to vector<1x1x1xf32>
    %reduce_or3A_364 = vector.extract %reduce_or3A_363[0, 0, 0] : f32 from vector<1x1x1xf32>
    %reduce_or3A_365 = arith.constant 0.000000e+00 : f32
    %reduce_or3A_366 = arith.cmpf ogt, %reduce_or3A_364, %reduce_or3A_365 : f32
    %get3A_367 = arith.constant 384 : index
    %get3A_368 = arith.constant 0 : index
    %get3A_369 = vector.load %arg4[%get3A_367, %get3A_368] : memref<512x512xf32, #tpu.memory_space<vmem>>, vector<1x512xf32>
    %get3A_370 = arith.constant 256 : index
    %get3A_371 = arith.constant 0 : index
    %get3A_372 = vector.load %arg4[%get3A_370, %get3A_371] : memref<512x512xf32, #tpu.memory_space<vmem>>, vector<1x512xf32>
    %select_n3A_373 = arith.select %reduce_or3A_366, %get3A_369, %get3A_372 : vector<1x512xf32>
    %dot_general3A_374 = arith.constant dense<0.000000e+00> : vector<256x256xf32>
    %dot_general3A_375 = tpu.matmul %get3A_349, %get3A_349, %dot_general3A_374 {dimension_numbers = #tpu.dot_dimension_numbers<[1], [1], [0], [0], [0, 0, 1, 0], [], []>, transpose_lhs_hint = false} : vector<256x512xf32>, vector<256x512xf32>, vector<256x256xf32> -> vector<256x256xf32>
    %mul3A_376 = arith.constant 2.000000e+00 : f32
    %mul3A_377 = vector.broadcast %mul3A_376 : f32 to vector<256x256xf32>
    %mul3A_378 = arith.mulf %mul3A_377, %dot_general3A_375 : vector<256x256xf32>
    %sub3A_379 = arith.constant 2.000000e+00 : f32
    %sub3A_380 = vector.broadcast %sub3A_379 : f32 to vector<256x256xf32>
    %sub3A_381 = arith.subf %sub3A_380, %mul3A_378 : vector<256x256xf32>
    %dot_general3A_382 = arith.constant dense<0.000000e+00> : vector<256x1xf32>
    %dot_general3A_383 = tpu.matmul %get3A_349, %select_n3A_373, %dot_general3A_382 {dimension_numbers = #tpu.dot_dimension_numbers<[1], [1], [0], [0], [0, 0, 1, 0], [], []>, transpose_lhs_hint = false} : vector<256x512xf32>, vector<1x512xf32>, vector<256x1xf32> -> vector<256x1xf32>
    %mul3A_384 = arith.constant 2.000000e+00 : f32
    %mul3A_385 = vector.broadcast %mul3A_384 : f32 to vector<256x1xf32>
    %mul3A_386 = arith.mulf %mul3A_385, %dot_general3A_383 : vector<256x1xf32>
    %sub3A_387 = arith.constant 2.000000e+00 : f32
    %sub3A_388 = vector.broadcast %sub3A_387 : f32 to vector<256x1xf32>
    %sub3A_389 = arith.subf %sub3A_388, %mul3A_386 : vector<256x1xf32>
    %broadcast_in_dim3A_390 = vector.shape_cast %sub3A_389 : vector<256x1xf32> to vector<256x1xf32>
    %broadcast_in_dim3A_391 = vector.broadcast %broadcast_in_dim3A_390 : vector<256x1xf32> to vector<256x16xf32>
    %concatenate3A_392 = tpu.concatenate %sub3A_381, %broadcast_in_dim3A_391 in 1 : vector<256x256xf32>, vector<256x16xf32> -> vector<256x272xf32>
    %iota3A_393 = tpu.iota {dimensions = array<i32: 1>} : vector<1x272xi32>
    %convert_element_type3A_394 = arith.sitofp %iota3A_393 : vector<1x272xi32> to vector<1x272xf32>
    %broadcast_in_dim3A_395 = vector.shape_cast %convert_element_type3A_394 : vector<1x272xf32> to vector<1x272xf32>
    %broadcast_in_dim3A_396 = vector.broadcast %broadcast_in_dim3A_395 : vector<1x272xf32> to vector<256x272xf32>
    %reduce_min3A_397 = arith.constant dense<0x7F800000> : vector<256xf32>
    %reduce_min3A_398 = vector.multi_reduction <minimumf>, %concatenate3A_392, %reduce_min3A_397 [1] : vector<256x272xf32> to vector<256xf32>
    %broadcast_in_dim3A_399 = vector.shape_cast %reduce_min3A_398 : vector<256xf32> to vector<256x1xf32>
    %eq3A_400 = vector.broadcast %broadcast_in_dim3A_399 : vector<256x1xf32> to vector<256x272xf32>
    %eq3A_401 = arith.cmpf oeq, %concatenate3A_392, %eq3A_400 : vector<256x272xf32>
    %jit3A_402 = arith.constant 1.000000e+09 : f32
    %broadcast_in_dim3A_403 = vector.broadcast %jit3A_402 : f32 to vector<256x272xf32>
    %select_n3A_404 = arith.select %eq3A_401, %broadcast_in_dim3A_396, %broadcast_in_dim3A_403 : vector<256x272xi1>, vector<256x272xf32>
    %reduce_min3A_405 = arith.constant dense<0x7F800000> : vector<256xf32>
    %reduce_min3A_406 = vector.multi_reduction <minimumf>, %select_n3A_404, %reduce_min3A_405 [1] : vector<256x272xf32> to vector<256xf32>
    %broadcast_in_dim3A_407 = vector.shape_cast %reduce_min3A_406 : vector<256xf32> to vector<256x1xf32>
    %eq3A_408 = vector.broadcast %broadcast_in_dim3A_407 : vector<256x1xf32> to vector<256x272xf32>
    %eq3A_409 = arith.cmpf oeq, %broadcast_in_dim3A_396, %eq3A_408 : vector<256x272xf32>
    %and3A_410 = arith.andi %eq3A_401, %eq3A_409 : vector<256x272xi1>
    %jit3A_411 = arith.constant 0x7F800000 : f32
    %broadcast_in_dim3A_412 = vector.broadcast %jit3A_411 : f32 to vector<256x272xf32>
    %select_n3A_413 = arith.select %and3A_410, %broadcast_in_dim3A_412, %concatenate3A_392 : vector<256x272xi1>, vector<256x272xf32>
    %reduce_min3A_414 = arith.constant dense<0x7F800000> : vector<256xf32>
    %reduce_min3A_415 = vector.multi_reduction <minimumf>, %select_n3A_413, %reduce_min3A_414 [1] : vector<256x272xf32> to vector<256xf32>
    %broadcast_in_dim3A_416 = vector.shape_cast %reduce_min3A_415 : vector<256xf32> to vector<256x1xf32>
    %eq3A_417 = vector.broadcast %broadcast_in_dim3A_416 : vector<256x1xf32> to vector<256x272xf32>
    %eq3A_418 = arith.cmpf oeq, %select_n3A_413, %eq3A_417 : vector<256x272xf32>
    %jit3A_419 = arith.constant 1.000000e+09 : f32
    %broadcast_in_dim3A_420 = vector.broadcast %jit3A_419 : f32 to vector<256x272xf32>
    %select_n3A_421 = arith.select %eq3A_418, %broadcast_in_dim3A_396, %broadcast_in_dim3A_420 : vector<256x272xi1>, vector<256x272xf32>
    %reduce_min3A_422 = arith.constant dense<0x7F800000> : vector<256xf32>
    %reduce_min3A_423 = vector.multi_reduction <minimumf>, %select_n3A_421, %reduce_min3A_422 [1] : vector<256x272xf32> to vector<256xf32>
    %broadcast_in_dim3A_424 = vector.shape_cast %reduce_min3A_423 : vector<256xf32> to vector<256x1xf32>
    %eq3A_425 = vector.broadcast %broadcast_in_dim3A_424 : vector<256x1xf32> to vector<256x272xf32>
    %eq3A_426 = arith.cmpf oeq, %broadcast_in_dim3A_396, %eq3A_425 : vector<256x272xf32>
    %and3A_427 = arith.andi %eq3A_418, %eq3A_426 : vector<256x272xi1>
    %jit3A_428 = arith.constant 0x7F800000 : f32
    %broadcast_in_dim3A_429 = vector.broadcast %jit3A_428 : f32 to vector<256x272xf32>
    %select_n3A_430 = arith.select %and3A_427, %broadcast_in_dim3A_429, %select_n3A_413 : vector<256x272xi1>, vector<256x272xf32>
    %reduce_min3A_431 = arith.constant dense<0x7F800000> : vector<256xf32>
    %reduce_min3A_432 = vector.multi_reduction <minimumf>, %select_n3A_430, %reduce_min3A_431 [1] : vector<256x272xf32> to vector<256xf32>
    %broadcast_in_dim3A_433 = vector.shape_cast %reduce_min3A_432 : vector<256xf32> to vector<256x1xf32>
    %eq3A_434 = vector.broadcast %broadcast_in_dim3A_433 : vector<256x1xf32> to vector<256x272xf32>
    %eq3A_435 = arith.cmpf oeq, %select_n3A_430, %eq3A_434 : vector<256x272xf32>
    %jit3A_436 = arith.constant 1.000000e+09 : f32
    %broadcast_in_dim3A_437 = vector.broadcast %jit3A_436 : f32 to vector<256x272xf32>
    %select_n3A_438 = arith.select %eq3A_435, %broadcast_in_dim3A_396, %broadcast_in_dim3A_437 : vector<256x272xi1>, vector<256x272xf32>
    %reduce_min3A_439 = arith.constant dense<0x7F800000> : vector<256xf32>
    %reduce_min3A_440 = vector.multi_reduction <minimumf>, %select_n3A_438, %reduce_min3A_439 [1] : vector<256x272xf32> to vector<256xf32>
    %broadcast_in_dim3A_441 = vector.shape_cast %reduce_min3A_440 : vector<256xf32> to vector<256x1xf32>
    %eq3A_442 = vector.broadcast %broadcast_in_dim3A_441 : vector<256x1xf32> to vector<256x272xf32>
    %eq3A_443 = arith.cmpf oeq, %broadcast_in_dim3A_396, %eq3A_442 : vector<256x272xf32>
    %and3A_444 = arith.andi %eq3A_435, %eq3A_443 : vector<256x272xi1>
    %jit3A_445 = arith.constant 0x7F800000 : f32
    %broadcast_in_dim3A_446 = vector.broadcast %jit3A_445 : f32 to vector<256x272xf32>
    %select_n3A_447 = arith.select %and3A_444, %broadcast_in_dim3A_446, %select_n3A_430 : vector<256x272xi1>, vector<256x272xf32>
    %reduce_min3A_448 = arith.constant dense<0x7F800000> : vector<256xf32>
    %reduce_min3A_449 = vector.multi_reduction <minimumf>, %select_n3A_447, %reduce_min3A_448 [1] : vector<256x272xf32> to vector<256xf32>
    %broadcast_in_dim3A_450 = vector.shape_cast %reduce_min3A_449 : vector<256xf32> to vector<256x1xf32>
    %eq3A_451 = vector.broadcast %broadcast_in_dim3A_450 : vector<256x1xf32> to vector<256x272xf32>
    %eq3A_452 = arith.cmpf oeq, %select_n3A_447, %eq3A_451 : vector<256x272xf32>
    %jit3A_453 = arith.constant 1.000000e+09 : f32
    %broadcast_in_dim3A_454 = vector.broadcast %jit3A_453 : f32 to vector<256x272xf32>
    %select_n3A_455 = arith.select %eq3A_452, %broadcast_in_dim3A_396, %broadcast_in_dim3A_454 : vector<256x272xi1>, vector<256x272xf32>
    %reduce_min3A_456 = arith.constant dense<0x7F800000> : vector<256xf32>
    %reduce_min3A_457 = vector.multi_reduction <minimumf>, %select_n3A_455, %reduce_min3A_456 [1] : vector<256x272xf32> to vector<256xf32>
    %broadcast_in_dim3A_458 = vector.shape_cast %reduce_min3A_457 : vector<256xf32> to vector<256x1xf32>
    %eq3A_459 = vector.broadcast %broadcast_in_dim3A_458 : vector<256x1xf32> to vector<256x272xf32>
    %eq3A_460 = arith.cmpf oeq, %broadcast_in_dim3A_396, %eq3A_459 : vector<256x272xf32>
    %and3A_461 = arith.andi %eq3A_452, %eq3A_460 : vector<256x272xi1>
    %jit3A_462 = arith.constant 0x7F800000 : f32
    %broadcast_in_dim3A_463 = vector.broadcast %jit3A_462 : f32 to vector<256x272xf32>
    %select_n3A_464 = arith.select %and3A_461, %broadcast_in_dim3A_463, %select_n3A_447 : vector<256x272xi1>, vector<256x272xf32>
    %reduce_min3A_465 = arith.constant dense<0x7F800000> : vector<256xf32>
    %reduce_min3A_466 = vector.multi_reduction <minimumf>, %select_n3A_464, %reduce_min3A_465 [1] : vector<256x272xf32> to vector<256xf32>
    %broadcast_in_dim3A_467 = vector.shape_cast %reduce_min3A_466 : vector<256xf32> to vector<256x1xf32>
    %eq3A_468 = vector.broadcast %broadcast_in_dim3A_467 : vector<256x1xf32> to vector<256x272xf32>
    %eq3A_469 = arith.cmpf oeq, %select_n3A_464, %eq3A_468 : vector<256x272xf32>
    %jit3A_470 = arith.constant 1.000000e+09 : f32
    %broadcast_in_dim3A_471 = vector.broadcast %jit3A_470 : f32 to vector<256x272xf32>
    %select_n3A_472 = arith.select %eq3A_469, %broadcast_in_dim3A_396, %broadcast_in_dim3A_471 : vector<256x272xi1>, vector<256x272xf32>
    %reduce_min3A_473 = arith.constant dense<0x7F800000> : vector<256xf32>
    %reduce_min3A_474 = vector.multi_reduction <minimumf>, %select_n3A_472, %reduce_min3A_473 [1] : vector<256x272xf32> to vector<256xf32>
    %broadcast_in_dim3A_475 = vector.shape_cast %reduce_min3A_474 : vector<256xf32> to vector<256x1xf32>
    %eq3A_476 = vector.broadcast %broadcast_in_dim3A_475 : vector<256x1xf32> to vector<256x272xf32>
    %eq3A_477 = arith.cmpf oeq, %broadcast_in_dim3A_396, %eq3A_476 : vector<256x272xf32>
    %and3A_478 = arith.andi %eq3A_469, %eq3A_477 : vector<256x272xi1>
    %jit3A_479 = arith.constant 0x7F800000 : f32
    %broadcast_in_dim3A_480 = vector.broadcast %jit3A_479 : f32 to vector<256x272xf32>
    %select_n3A_481 = arith.select %and3A_478, %broadcast_in_dim3A_480, %select_n3A_464 : vector<256x272xi1>, vector<256x272xf32>
    %reduce_min3A_482 = arith.constant dense<0x7F800000> : vector<256xf32>
    %reduce_min3A_483 = vector.multi_reduction <minimumf>, %select_n3A_481, %reduce_min3A_482 [1] : vector<256x272xf32> to vector<256xf32>
    %broadcast_in_dim3A_484 = vector.shape_cast %reduce_min3A_483 : vector<256xf32> to vector<256x1xf32>
    %eq3A_485 = vector.broadcast %broadcast_in_dim3A_484 : vector<256x1xf32> to vector<256x272xf32>
    %eq3A_486 = arith.cmpf oeq, %select_n3A_481, %eq3A_485 : vector<256x272xf32>
    %jit3A_487 = arith.constant 1.000000e+09 : f32
    %broadcast_in_dim3A_488 = vector.broadcast %jit3A_487 : f32 to vector<256x272xf32>
    %select_n3A_489 = arith.select %eq3A_486, %broadcast_in_dim3A_396, %broadcast_in_dim3A_488 : vector<256x272xi1>, vector<256x272xf32>
    %reduce_min3A_490 = arith.constant dense<0x7F800000> : vector<256xf32>
    %reduce_min3A_491 = vector.multi_reduction <minimumf>, %select_n3A_489, %reduce_min3A_490 [1] : vector<256x272xf32> to vector<256xf32>
    %broadcast_in_dim3A_492 = vector.shape_cast %reduce_min3A_491 : vector<256xf32> to vector<256x1xf32>
    %eq3A_493 = vector.broadcast %broadcast_in_dim3A_492 : vector<256x1xf32> to vector<256x272xf32>
    %eq3A_494 = arith.cmpf oeq, %broadcast_in_dim3A_396, %eq3A_493 : vector<256x272xf32>
    %and3A_495 = arith.andi %eq3A_486, %eq3A_494 : vector<256x272xi1>
    %jit3A_496 = arith.constant 0x7F800000 : f32
    %broadcast_in_dim3A_497 = vector.broadcast %jit3A_496 : f32 to vector<256x272xf32>
    %select_n3A_498 = arith.select %and3A_495, %broadcast_in_dim3A_497, %select_n3A_481 : vector<256x272xi1>, vector<256x272xf32>
    %reduce_min3A_499 = arith.constant dense<0x7F800000> : vector<256xf32>
    %reduce_min3A_500 = vector.multi_reduction <minimumf>, %select_n3A_498, %reduce_min3A_499 [1] : vector<256x272xf32> to vector<256xf32>
    %broadcast_in_dim3A_501 = vector.shape_cast %reduce_min3A_500 : vector<256xf32> to vector<256x1xf32>
    %eq3A_502 = vector.broadcast %broadcast_in_dim3A_501 : vector<256x1xf32> to vector<256x272xf32>
    %eq3A_503 = arith.cmpf oeq, %select_n3A_498, %eq3A_502 : vector<256x272xf32>
    %jit3A_504 = arith.constant 1.000000e+09 : f32
    %broadcast_in_dim3A_505 = vector.broadcast %jit3A_504 : f32 to vector<256x272xf32>
    %select_n3A_506 = arith.select %eq3A_503, %broadcast_in_dim3A_396, %broadcast_in_dim3A_505 : vector<256x272xi1>, vector<256x272xf32>
    %reduce_min3A_507 = arith.constant dense<0x7F800000> : vector<256xf32>
    %reduce_min3A_508 = vector.multi_reduction <minimumf>, %select_n3A_506, %reduce_min3A_507 [1] : vector<256x272xf32> to vector<256xf32>
    %broadcast_in_dim3A_509 = vector.shape_cast %reduce_min3A_508 : vector<256xf32> to vector<256x1xf32>
    %eq3A_510 = vector.broadcast %broadcast_in_dim3A_509 : vector<256x1xf32> to vector<256x272xf32>
    %eq3A_511 = arith.cmpf oeq, %broadcast_in_dim3A_396, %eq3A_510 : vector<256x272xf32>
    %and3A_512 = arith.andi %eq3A_503, %eq3A_511 : vector<256x272xi1>
    %jit3A_513 = arith.constant 0x7F800000 : f32
    %broadcast_in_dim3A_514 = vector.broadcast %jit3A_513 : f32 to vector<256x272xf32>
    %select_n3A_515 = arith.select %and3A_512, %broadcast_in_dim3A_514, %select_n3A_498 : vector<256x272xi1>, vector<256x272xf32>
    %reduce_min3A_516 = arith.constant dense<0x7F800000> : vector<256xf32>
    %reduce_min3A_517 = vector.multi_reduction <minimumf>, %select_n3A_515, %reduce_min3A_516 [1] : vector<256x272xf32> to vector<256xf32>
    %broadcast_in_dim3A_518 = vector.shape_cast %reduce_min3A_517 : vector<256xf32> to vector<256x1xf32>
    %eq3A_519 = vector.broadcast %broadcast_in_dim3A_518 : vector<256x1xf32> to vector<256x272xf32>
    %eq3A_520 = arith.cmpf oeq, %select_n3A_515, %eq3A_519 : vector<256x272xf32>
    %jit3A_521 = arith.constant 1.000000e+09 : f32
    %broadcast_in_dim3A_522 = vector.broadcast %jit3A_521 : f32 to vector<256x272xf32>
    %select_n3A_523 = arith.select %eq3A_520, %broadcast_in_dim3A_396, %broadcast_in_dim3A_522 : vector<256x272xi1>, vector<256x272xf32>
    %reduce_min3A_524 = arith.constant dense<0x7F800000> : vector<256xf32>
    %reduce_min3A_525 = vector.multi_reduction <minimumf>, %select_n3A_523, %reduce_min3A_524 [1] : vector<256x272xf32> to vector<256xf32>
    %broadcast_in_dim3A_526 = vector.shape_cast %reduce_min3A_525 : vector<256xf32> to vector<256x1xf32>
    %eq3A_527 = vector.broadcast %broadcast_in_dim3A_526 : vector<256x1xf32> to vector<256x272xf32>
    %eq3A_528 = arith.cmpf oeq, %broadcast_in_dim3A_396, %eq3A_527 : vector<256x272xf32>
    %and3A_529 = arith.andi %eq3A_520, %eq3A_528 : vector<256x272xi1>
    %jit3A_530 = arith.constant 0x7F800000 : f32
    %broadcast_in_dim3A_531 = vector.broadcast %jit3A_530 : f32 to vector<256x272xf32>
    %select_n3A_532 = arith.select %and3A_529, %broadcast_in_dim3A_531, %select_n3A_515 : vector<256x272xi1>, vector<256x272xf32>
    %reduce_min3A_533 = arith.constant dense<0x7F800000> : vector<256xf32>
    %reduce_min3A_534 = vector.multi_reduction <minimumf>, %select_n3A_532, %reduce_min3A_533 [1] : vector<256x272xf32> to vector<256xf32>
    %broadcast_in_dim3A_535 = vector.shape_cast %reduce_min3A_534 : vector<256xf32> to vector<256x1xf32>
    %eq3A_536 = vector.broadcast %broadcast_in_dim3A_535 : vector<256x1xf32> to vector<256x272xf32>
    %eq3A_537 = arith.cmpf oeq, %select_n3A_532, %eq3A_536 : vector<256x272xf32>
    %jit3A_538 = arith.constant 1.000000e+09 : f32
    %broadcast_in_dim3A_539 = vector.broadcast %jit3A_538 : f32 to vector<256x272xf32>
    %select_n3A_540 = arith.select %eq3A_537, %broadcast_in_dim3A_396, %broadcast_in_dim3A_539 : vector<256x272xi1>, vector<256x272xf32>
    %reduce_min3A_541 = arith.constant dense<0x7F800000> : vector<256xf32>
    %reduce_min3A_542 = vector.multi_reduction <minimumf>, %select_n3A_540, %reduce_min3A_541 [1] : vector<256x272xf32> to vector<256xf32>
    %broadcast_in_dim3A_543 = vector.shape_cast %reduce_min3A_542 : vector<256xf32> to vector<256x1xf32>
    %eq3A_544 = vector.broadcast %broadcast_in_dim3A_543 : vector<256x1xf32> to vector<256x272xf32>
    %eq3A_545 = arith.cmpf oeq, %broadcast_in_dim3A_396, %eq3A_544 : vector<256x272xf32>
    %and3A_546 = arith.andi %eq3A_537, %eq3A_545 : vector<256x272xi1>
    %jit3A_547 = arith.constant 0x7F800000 : f32
    %broadcast_in_dim3A_548 = vector.broadcast %jit3A_547 : f32 to vector<256x272xf32>
    %select_n3A_549 = arith.select %and3A_546, %broadcast_in_dim3A_548, %select_n3A_532 : vector<256x272xi1>, vector<256x272xf32>
    %reduce_min3A_550 = arith.constant dense<0x7F800000> : vector<256xf32>
    %reduce_min3A_551 = vector.multi_reduction <minimumf>, %select_n3A_549, %reduce_min3A_550 [1] : vector<256x272xf32> to vector<256xf32>
    %broadcast_in_dim3A_552 = vector.shape_cast %reduce_min3A_551 : vector<256xf32> to vector<256x1xf32>
    %eq3A_553 = vector.broadcast %broadcast_in_dim3A_552 : vector<256x1xf32> to vector<256x272xf32>
    %eq3A_554 = arith.cmpf oeq, %select_n3A_549, %eq3A_553 : vector<256x272xf32>
    %jit3A_555 = arith.constant 1.000000e+09 : f32
    %broadcast_in_dim3A_556 = vector.broadcast %jit3A_555 : f32 to vector<256x272xf32>
    %select_n3A_557 = arith.select %eq3A_554, %broadcast_in_dim3A_396, %broadcast_in_dim3A_556 : vector<256x272xi1>, vector<256x272xf32>
    %reduce_min3A_558 = arith.constant dense<0x7F800000> : vector<256xf32>
    %reduce_min3A_559 = vector.multi_reduction <minimumf>, %select_n3A_557, %reduce_min3A_558 [1] : vector<256x272xf32> to vector<256xf32>
    %broadcast_in_dim3A_560 = vector.shape_cast %reduce_min3A_559 : vector<256xf32> to vector<256x1xf32>
    %eq3A_561 = vector.broadcast %broadcast_in_dim3A_407 : vector<256x1xf32> to vector<256x512xf32>
    %eq3A_562 = vector.broadcast %convert_element_type3A : vector<1x512xf32> to vector<256x512xf32>
    %eq3A_563 = arith.cmpf oeq, %eq3A_561, %eq3A_562 : vector<256x512xf32>
    %jit3A_564 = arith.constant 0.000000e+00 : f32
    %broadcast_in_dim3A_565 = vector.broadcast %jit3A_564 : f32 to vector<256x512xf32>
    %select_n3A_566 = arith.select %eq3A_563, %sub3A_14, %broadcast_in_dim3A_565 : vector<256x512xi1>, vector<256x512xf32>
    %reduce_sum3A_567 = arith.constant dense<0.000000e+00> : vector<256xf32>
    %reduce_sum3A_568 = vector.multi_reduction <add>, %select_n3A_566, %reduce_sum3A_567 [1] : vector<256x512xf32> to vector<256xf32>
    %broadcast_in_dim3A_569 = vector.shape_cast %reduce_sum3A_568 : vector<256xf32> to vector<256x1xf32>
    %jit3A_570 = arith.constant 0.000000e+00 : f32
    %broadcast_in_dim3A_571 = vector.broadcast %jit3A_570 : f32 to vector<256x512xf32>
    %select_n3A_572 = arith.select %eq3A_563, %sub3A_25, %broadcast_in_dim3A_571 : vector<256x512xi1>, vector<256x512xf32>
    %reduce_sum3A_573 = arith.constant dense<0.000000e+00> : vector<256xf32>
    %reduce_sum3A_574 = vector.multi_reduction <add>, %select_n3A_572, %reduce_sum3A_573 [1] : vector<256x512xf32> to vector<256xf32>
    %broadcast_in_dim3A_575 = vector.shape_cast %reduce_sum3A_574 : vector<256xf32> to vector<256x1xf32>
    %sub3A_576 = arith.constant 5.000000e+00 : f32
    %sub3A_577 = vector.broadcast %sub3A_576 : f32 to vector<256x1xf32>
    %sub3A_578 = arith.subf %broadcast_in_dim3A_569, %sub3A_577 : vector<256x1xf32>
    %eq3A_579 = vector.broadcast %broadcast_in_dim3A_424 : vector<256x1xf32> to vector<256x512xf32>
    %eq3A_580 = vector.broadcast %convert_element_type3A : vector<1x512xf32> to vector<256x512xf32>
    %eq3A_581 = arith.cmpf oeq, %eq3A_579, %eq3A_580 : vector<256x512xf32>
    %jit3A_582 = arith.constant 0.000000e+00 : f32
    %broadcast_in_dim3A_583 = vector.broadcast %jit3A_582 : f32 to vector<256x512xf32>
    %select_n3A_584 = arith.select %eq3A_581, %sub3A_14, %broadcast_in_dim3A_583 : vector<256x512xi1>, vector<256x512xf32>
    %reduce_sum3A_585 = arith.constant dense<0.000000e+00> : vector<256xf32>
    %reduce_sum3A_586 = vector.multi_reduction <add>, %select_n3A_584, %reduce_sum3A_585 [1] : vector<256x512xf32> to vector<256xf32>
    %broadcast_in_dim3A_587 = vector.shape_cast %reduce_sum3A_586 : vector<256xf32> to vector<256x1xf32>
    %jit3A_588 = arith.constant 0.000000e+00 : f32
    %broadcast_in_dim3A_589 = vector.broadcast %jit3A_588 : f32 to vector<256x512xf32>
    %select_n3A_590 = arith.select %eq3A_581, %sub3A_25, %broadcast_in_dim3A_589 : vector<256x512xi1>, vector<256x512xf32>
    %reduce_sum3A_591 = arith.constant dense<0.000000e+00> : vector<256xf32>
    %reduce_sum3A_592 = vector.multi_reduction <add>, %select_n3A_590, %reduce_sum3A_591 [1] : vector<256x512xf32> to vector<256xf32>
    %broadcast_in_dim3A_593 = vector.shape_cast %reduce_sum3A_592 : vector<256xf32> to vector<256x1xf32>
    %sub3A_594 = arith.constant 5.000000e+00 : f32
    %sub3A_595 = vector.broadcast %sub3A_594 : f32 to vector<256x1xf32>
    %sub3A_596 = arith.subf %broadcast_in_dim3A_587, %sub3A_595 : vector<256x1xf32>
    %eq3A_597 = vector.broadcast %broadcast_in_dim3A_441 : vector<256x1xf32> to vector<256x512xf32>
    %eq3A_598 = vector.broadcast %convert_element_type3A : vector<1x512xf32> to vector<256x512xf32>
    %eq3A_599 = arith.cmpf oeq, %eq3A_597, %eq3A_598 : vector<256x512xf32>
    %jit3A_600 = arith.constant 0.000000e+00 : f32
    %broadcast_in_dim3A_601 = vector.broadcast %jit3A_600 : f32 to vector<256x512xf32>
    %select_n3A_602 = arith.select %eq3A_599, %sub3A_14, %broadcast_in_dim3A_601 : vector<256x512xi1>, vector<256x512xf32>
    %reduce_sum3A_603 = arith.constant dense<0.000000e+00> : vector<256xf32>
    %reduce_sum3A_604 = vector.multi_reduction <add>, %select_n3A_602, %reduce_sum3A_603 [1] : vector<256x512xf32> to vector<256xf32>
    %broadcast_in_dim3A_605 = vector.shape_cast %reduce_sum3A_604 : vector<256xf32> to vector<256x1xf32>
    %jit3A_606 = arith.constant 0.000000e+00 : f32
    %broadcast_in_dim3A_607 = vector.broadcast %jit3A_606 : f32 to vector<256x512xf32>
    %select_n3A_608 = arith.select %eq3A_599, %sub3A_25, %broadcast_in_dim3A_607 : vector<256x512xi1>, vector<256x512xf32>
    %reduce_sum3A_609 = arith.constant dense<0.000000e+00> : vector<256xf32>
    %reduce_sum3A_610 = vector.multi_reduction <add>, %select_n3A_608, %reduce_sum3A_609 [1] : vector<256x512xf32> to vector<256xf32>
    %broadcast_in_dim3A_611 = vector.shape_cast %reduce_sum3A_610 : vector<256xf32> to vector<256x1xf32>
    %sub3A_612 = arith.constant 5.000000e+00 : f32
    %sub3A_613 = vector.broadcast %sub3A_612 : f32 to vector<256x1xf32>
    %sub3A_614 = arith.subf %broadcast_in_dim3A_605, %sub3A_613 : vector<256x1xf32>
    %eq3A_615 = vector.broadcast %broadcast_in_dim3A_458 : vector<256x1xf32> to vector<256x512xf32>
    %eq3A_616 = vector.broadcast %convert_element_type3A : vector<1x512xf32> to vector<256x512xf32>
    %eq3A_617 = arith.cmpf oeq, %eq3A_615, %eq3A_616 : vector<256x512xf32>
    %jit3A_618 = arith.constant 0.000000e+00 : f32
    %broadcast_in_dim3A_619 = vector.broadcast %jit3A_618 : f32 to vector<256x512xf32>
    %select_n3A_620 = arith.select %eq3A_617, %sub3A_14, %broadcast_in_dim3A_619 : vector<256x512xi1>, vector<256x512xf32>
    %reduce_sum3A_621 = arith.constant dense<0.000000e+00> : vector<256xf32>
    %reduce_sum3A_622 = vector.multi_reduction <add>, %select_n3A_620, %reduce_sum3A_621 [1] : vector<256x512xf32> to vector<256xf32>
    %broadcast_in_dim3A_623 = vector.shape_cast %reduce_sum3A_622 : vector<256xf32> to vector<256x1xf32>
    %jit3A_624 = arith.constant 0.000000e+00 : f32
    %broadcast_in_dim3A_625 = vector.broadcast %jit3A_624 : f32 to vector<256x512xf32>
    %select_n3A_626 = arith.select %eq3A_617, %sub3A_25, %broadcast_in_dim3A_625 : vector<256x512xi1>, vector<256x512xf32>
    %reduce_sum3A_627 = arith.constant dense<0.000000e+00> : vector<256xf32>
    %reduce_sum3A_628 = vector.multi_reduction <add>, %select_n3A_626, %reduce_sum3A_627 [1] : vector<256x512xf32> to vector<256xf32>
    %broadcast_in_dim3A_629 = vector.shape_cast %reduce_sum3A_628 : vector<256xf32> to vector<256x1xf32>
    %sub3A_630 = arith.constant 5.000000e+00 : f32
    %sub3A_631 = vector.broadcast %sub3A_630 : f32 to vector<256x1xf32>
    %sub3A_632 = arith.subf %broadcast_in_dim3A_623, %sub3A_631 : vector<256x1xf32>
    %eq3A_633 = vector.broadcast %broadcast_in_dim3A_475 : vector<256x1xf32> to vector<256x512xf32>
    %eq3A_634 = vector.broadcast %convert_element_type3A : vector<1x512xf32> to vector<256x512xf32>
    %eq3A_635 = arith.cmpf oeq, %eq3A_633, %eq3A_634 : vector<256x512xf32>
    %jit3A_636 = arith.constant 0.000000e+00 : f32
    %broadcast_in_dim3A_637 = vector.broadcast %jit3A_636 : f32 to vector<256x512xf32>
    %select_n3A_638 = arith.select %eq3A_635, %sub3A_14, %broadcast_in_dim3A_637 : vector<256x512xi1>, vector<256x512xf32>
    %reduce_sum3A_639 = arith.constant dense<0.000000e+00> : vector<256xf32>
    %reduce_sum3A_640 = vector.multi_reduction <add>, %select_n3A_638, %reduce_sum3A_639 [1] : vector<256x512xf32> to vector<256xf32>
    %broadcast_in_dim3A_641 = vector.shape_cast %reduce_sum3A_640 : vector<256xf32> to vector<256x1xf32>
    %jit3A_642 = arith.constant 0.000000e+00 : f32
    %broadcast_in_dim3A_643 = vector.broadcast %jit3A_642 : f32 to vector<256x512xf32>
    %select_n3A_644 = arith.select %eq3A_635, %sub3A_25, %broadcast_in_dim3A_643 : vector<256x512xi1>, vector<256x512xf32>
    %reduce_sum3A_645 = arith.constant dense<0.000000e+00> : vector<256xf32>
    %reduce_sum3A_646 = vector.multi_reduction <add>, %select_n3A_644, %reduce_sum3A_645 [1] : vector<256x512xf32> to vector<256xf32>
    %broadcast_in_dim3A_647 = vector.shape_cast %reduce_sum3A_646 : vector<256xf32> to vector<256x1xf32>
    %sub3A_648 = arith.constant 5.000000e+00 : f32
    %sub3A_649 = vector.broadcast %sub3A_648 : f32 to vector<256x1xf32>
    %sub3A_650 = arith.subf %broadcast_in_dim3A_641, %sub3A_649 : vector<256x1xf32>
    %eq3A_651 = vector.broadcast %broadcast_in_dim3A_492 : vector<256x1xf32> to vector<256x512xf32>
    %eq3A_652 = vector.broadcast %convert_element_type3A : vector<1x512xf32> to vector<256x512xf32>
    %eq3A_653 = arith.cmpf oeq, %eq3A_651, %eq3A_652 : vector<256x512xf32>
    %jit3A_654 = arith.constant 0.000000e+00 : f32
    %broadcast_in_dim3A_655 = vector.broadcast %jit3A_654 : f32 to vector<256x512xf32>
    %select_n3A_656 = arith.select %eq3A_653, %sub3A_14, %broadcast_in_dim3A_655 : vector<256x512xi1>, vector<256x512xf32>
    %reduce_sum3A_657 = arith.constant dense<0.000000e+00> : vector<256xf32>
    %reduce_sum3A_658 = vector.multi_reduction <add>, %select_n3A_656, %reduce_sum3A_657 [1] : vector<256x512xf32> to vector<256xf32>
    %broadcast_in_dim3A_659 = vector.shape_cast %reduce_sum3A_658 : vector<256xf32> to vector<256x1xf32>
    %jit3A_660 = arith.constant 0.000000e+00 : f32
    %broadcast_in_dim3A_661 = vector.broadcast %jit3A_660 : f32 to vector<256x512xf32>
    %select_n3A_662 = arith.select %eq3A_653, %sub3A_25, %broadcast_in_dim3A_661 : vector<256x512xi1>, vector<256x512xf32>
    %reduce_sum3A_663 = arith.constant dense<0.000000e+00> : vector<256xf32>
    %reduce_sum3A_664 = vector.multi_reduction <add>, %select_n3A_662, %reduce_sum3A_663 [1] : vector<256x512xf32> to vector<256xf32>
    %broadcast_in_dim3A_665 = vector.shape_cast %reduce_sum3A_664 : vector<256xf32> to vector<256x1xf32>
    %sub3A_666 = arith.constant 5.000000e+00 : f32
    %sub3A_667 = vector.broadcast %sub3A_666 : f32 to vector<256x1xf32>
    %sub3A_668 = arith.subf %broadcast_in_dim3A_659, %sub3A_667 : vector<256x1xf32>
    %eq3A_669 = vector.broadcast %broadcast_in_dim3A_509 : vector<256x1xf32> to vector<256x512xf32>
    %eq3A_670 = vector.broadcast %convert_element_type3A : vector<1x512xf32> to vector<256x512xf32>
    %eq3A_671 = arith.cmpf oeq, %eq3A_669, %eq3A_670 : vector<256x512xf32>
    %jit3A_672 = arith.constant 0.000000e+00 : f32
    %broadcast_in_dim3A_673 = vector.broadcast %jit3A_672 : f32 to vector<256x512xf32>
    %select_n3A_674 = arith.select %eq3A_671, %sub3A_14, %broadcast_in_dim3A_673 : vector<256x512xi1>, vector<256x512xf32>
    %reduce_sum3A_675 = arith.constant dense<0.000000e+00> : vector<256xf32>
    %reduce_sum3A_676 = vector.multi_reduction <add>, %select_n3A_674, %reduce_sum3A_675 [1] : vector<256x512xf32> to vector<256xf32>
    %broadcast_in_dim3A_677 = vector.shape_cast %reduce_sum3A_676 : vector<256xf32> to vector<256x1xf32>
    %jit3A_678 = arith.constant 0.000000e+00 : f32
    %broadcast_in_dim3A_679 = vector.broadcast %jit3A_678 : f32 to vector<256x512xf32>
    %select_n3A_680 = arith.select %eq3A_671, %sub3A_25, %broadcast_in_dim3A_679 : vector<256x512xi1>, vector<256x512xf32>
    %reduce_sum3A_681 = arith.constant dense<0.000000e+00> : vector<256xf32>
    %reduce_sum3A_682 = vector.multi_reduction <add>, %select_n3A_680, %reduce_sum3A_681 [1] : vector<256x512xf32> to vector<256xf32>
    %broadcast_in_dim3A_683 = vector.shape_cast %reduce_sum3A_682 : vector<256xf32> to vector<256x1xf32>
    %sub3A_684 = arith.constant 5.000000e+00 : f32
    %sub3A_685 = vector.broadcast %sub3A_684 : f32 to vector<256x1xf32>
    %sub3A_686 = arith.subf %broadcast_in_dim3A_677, %sub3A_685 : vector<256x1xf32>
    %eq3A_687 = vector.broadcast %broadcast_in_dim3A_526 : vector<256x1xf32> to vector<256x512xf32>
    %eq3A_688 = vector.broadcast %convert_element_type3A : vector<1x512xf32> to vector<256x512xf32>
    %eq3A_689 = arith.cmpf oeq, %eq3A_687, %eq3A_688 : vector<256x512xf32>
    %jit3A_690 = arith.constant 0.000000e+00 : f32
    %broadcast_in_dim3A_691 = vector.broadcast %jit3A_690 : f32 to vector<256x512xf32>
    %select_n3A_692 = arith.select %eq3A_689, %sub3A_14, %broadcast_in_dim3A_691 : vector<256x512xi1>, vector<256x512xf32>
    %reduce_sum3A_693 = arith.constant dense<0.000000e+00> : vector<256xf32>
    %reduce_sum3A_694 = vector.multi_reduction <add>, %select_n3A_692, %reduce_sum3A_693 [1] : vector<256x512xf32> to vector<256xf32>
    %broadcast_in_dim3A_695 = vector.shape_cast %reduce_sum3A_694 : vector<256xf32> to vector<256x1xf32>
    %jit3A_696 = arith.constant 0.000000e+00 : f32
    %broadcast_in_dim3A_697 = vector.broadcast %jit3A_696 : f32 to vector<256x512xf32>
    %select_n3A_698 = arith.select %eq3A_689, %sub3A_25, %broadcast_in_dim3A_697 : vector<256x512xi1>, vector<256x512xf32>
    %reduce_sum3A_699 = arith.constant dense<0.000000e+00> : vector<256xf32>
    %reduce_sum3A_700 = vector.multi_reduction <add>, %select_n3A_698, %reduce_sum3A_699 [1] : vector<256x512xf32> to vector<256xf32>
    %broadcast_in_dim3A_701 = vector.shape_cast %reduce_sum3A_700 : vector<256xf32> to vector<256x1xf32>
    %sub3A_702 = arith.constant 5.000000e+00 : f32
    %sub3A_703 = vector.broadcast %sub3A_702 : f32 to vector<256x1xf32>
    %sub3A_704 = arith.subf %broadcast_in_dim3A_695, %sub3A_703 : vector<256x1xf32>
    %eq3A_705 = vector.broadcast %broadcast_in_dim3A_543 : vector<256x1xf32> to vector<256x512xf32>
    %eq3A_706 = vector.broadcast %convert_element_type3A : vector<1x512xf32> to vector<256x512xf32>
    %eq3A_707 = arith.cmpf oeq, %eq3A_705, %eq3A_706 : vector<256x512xf32>
    %jit3A_708 = arith.constant 0.000000e+00 : f32
    %broadcast_in_dim3A_709 = vector.broadcast %jit3A_708 : f32 to vector<256x512xf32>
    %select_n3A_710 = arith.select %eq3A_707, %sub3A_14, %broadcast_in_dim3A_709 : vector<256x512xi1>, vector<256x512xf32>
    %reduce_sum3A_711 = arith.constant dense<0.000000e+00> : vector<256xf32>
    %reduce_sum3A_712 = vector.multi_reduction <add>, %select_n3A_710, %reduce_sum3A_711 [1] : vector<256x512xf32> to vector<256xf32>
    %broadcast_in_dim3A_713 = vector.shape_cast %reduce_sum3A_712 : vector<256xf32> to vector<256x1xf32>
    %jit3A_714 = arith.constant 0.000000e+00 : f32
    %broadcast_in_dim3A_715 = vector.broadcast %jit3A_714 : f32 to vector<256x512xf32>
    %select_n3A_716 = arith.select %eq3A_707, %sub3A_25, %broadcast_in_dim3A_715 : vector<256x512xi1>, vector<256x512xf32>
    %reduce_sum3A_717 = arith.constant dense<0.000000e+00> : vector<256xf32>
    %reduce_sum3A_718 = vector.multi_reduction <add>, %select_n3A_716, %reduce_sum3A_717 [1] : vector<256x512xf32> to vector<256xf32>
    %broadcast_in_dim3A_719 = vector.shape_cast %reduce_sum3A_718 : vector<256xf32> to vector<256x1xf32>
    %sub3A_720 = arith.constant 5.000000e+00 : f32
    %sub3A_721 = vector.broadcast %sub3A_720 : f32 to vector<256x1xf32>
    %sub3A_722 = arith.subf %broadcast_in_dim3A_713, %sub3A_721 : vector<256x1xf32>
    %eq3A_723 = vector.broadcast %broadcast_in_dim3A_560 : vector<256x1xf32> to vector<256x512xf32>
    %eq3A_724 = vector.broadcast %convert_element_type3A : vector<1x512xf32> to vector<256x512xf32>
    %eq3A_725 = arith.cmpf oeq, %eq3A_723, %eq3A_724 : vector<256x512xf32>
    %jit3A_726 = arith.constant 0.000000e+00 : f32
    %broadcast_in_dim3A_727 = vector.broadcast %jit3A_726 : f32 to vector<256x512xf32>
    %select_n3A_728 = arith.select %eq3A_725, %sub3A_14, %broadcast_in_dim3A_727 : vector<256x512xi1>, vector<256x512xf32>
    %reduce_sum3A_729 = arith.constant dense<0.000000e+00> : vector<256xf32>
    %reduce_sum3A_730 = vector.multi_reduction <add>, %select_n3A_728, %reduce_sum3A_729 [1] : vector<256x512xf32> to vector<256xf32>
    %broadcast_in_dim3A_731 = vector.shape_cast %reduce_sum3A_730 : vector<256xf32> to vector<256x1xf32>
    %jit3A_732 = arith.constant 0.000000e+00 : f32
    %broadcast_in_dim3A_733 = vector.broadcast %jit3A_732 : f32 to vector<256x512xf32>
    %select_n3A_734 = arith.select %eq3A_725, %sub3A_25, %broadcast_in_dim3A_733 : vector<256x512xi1>, vector<256x512xf32>
    %reduce_sum3A_735 = arith.constant dense<0.000000e+00> : vector<256xf32>
    %reduce_sum3A_736 = vector.multi_reduction <add>, %select_n3A_734, %reduce_sum3A_735 [1] : vector<256x512xf32> to vector<256xf32>
    %broadcast_in_dim3A_737 = vector.shape_cast %reduce_sum3A_736 : vector<256xf32> to vector<256x1xf32>
    %sub3A_738 = arith.constant 5.000000e+00 : f32
    %sub3A_739 = vector.broadcast %sub3A_738 : f32 to vector<256x1xf32>
    %sub3A_740 = arith.subf %broadcast_in_dim3A_731, %sub3A_739 : vector<256x1xf32>
    %broadcast_in_dim3A_741 = arith.constant 0x7F800000 : f32
    %broadcast_in_dim3A_742 = vector.broadcast %broadcast_in_dim3A_741 : f32 to vector<256x1xf32>
    %broadcast_in_dim3A_743 = arith.constant 1.000000e+09 : f32
    %broadcast_in_dim3A_744 = vector.broadcast %broadcast_in_dim3A_743 : f32 to vector<256x1xf32>
    %broadcast_in_dim3A_745 = arith.constant 0.000000e+00 : f32
    %broadcast_in_dim3A_746 = vector.broadcast %broadcast_in_dim3A_745 : f32 to vector<256x1xf32>
    %concatenate3A_747 = tpu.concatenate %sub3A_578, %sub3A_596, %sub3A_614, %sub3A_632, %sub3A_650, %sub3A_668, %sub3A_686, %sub3A_704, %sub3A_722, %sub3A_740, %broadcast_in_dim3A_742, %broadcast_in_dim3A_742, %broadcast_in_dim3A_742, %broadcast_in_dim3A_742, %broadcast_in_dim3A_742, %broadcast_in_dim3A_742 in 1 : vector<256x1xf32>, vector<256x1xf32>, vector<256x1xf32>, vector<256x1xf32>, vector<256x1xf32>, vector<256x1xf32>, vector<256x1xf32>, vector<256x1xf32>, vector<256x1xf32>, vector<256x1xf32>, vector<256x1xf32>, vector<256x1xf32>, vector<256x1xf32>, vector<256x1xf32>, vector<256x1xf32>, vector<256x1xf32> -> vector<256x16xf32>
    %concatenate3A_748 = tpu.concatenate %broadcast_in_dim3A_407, %broadcast_in_dim3A_424, %broadcast_in_dim3A_441, %broadcast_in_dim3A_458, %broadcast_in_dim3A_475, %broadcast_in_dim3A_492, %broadcast_in_dim3A_509, %broadcast_in_dim3A_526, %broadcast_in_dim3A_543, %broadcast_in_dim3A_560, %broadcast_in_dim3A_744, %broadcast_in_dim3A_744, %broadcast_in_dim3A_744, %broadcast_in_dim3A_744, %broadcast_in_dim3A_744, %broadcast_in_dim3A_744 in 1 : vector<256x1xf32>, vector<256x1xf32>, vector<256x1xf32>, vector<256x1xf32>, vector<256x1xf32>, vector<256x1xf32>, vector<256x1xf32>, vector<256x1xf32>, vector<256x1xf32>, vector<256x1xf32>, vector<256x1xf32>, vector<256x1xf32>, vector<256x1xf32>, vector<256x1xf32>, vector<256x1xf32>, vector<256x1xf32> -> vector<256x16xf32>
    %concatenate3A_749 = tpu.concatenate %broadcast_in_dim3A_575, %broadcast_in_dim3A_593, %broadcast_in_dim3A_611, %broadcast_in_dim3A_629, %broadcast_in_dim3A_647, %broadcast_in_dim3A_665, %broadcast_in_dim3A_683, %broadcast_in_dim3A_701, %broadcast_in_dim3A_719, %broadcast_in_dim3A_737, %broadcast_in_dim3A_746, %broadcast_in_dim3A_746, %broadcast_in_dim3A_746, %broadcast_in_dim3A_746, %broadcast_in_dim3A_746, %broadcast_in_dim3A_746 in 1 : vector<256x1xf32>, vector<256x1xf32>, vector<256x1xf32>, vector<256x1xf32>, vector<256x1xf32>, vector<256x1xf32>, vector<256x1xf32>, vector<256x1xf32>, vector<256x1xf32>, vector<256x1xf32>, vector<256x1xf32>, vector<256x1xf32>, vector<256x1xf32>, vector<256x1xf32>, vector<256x1xf32>, vector<256x1xf32> -> vector<256x16xf32>
    %reduce_min3A_750 = arith.constant dense<0x7F800000> : vector<256xf32>
    %reduce_min3A_751 = vector.multi_reduction <minimumf>, %concatenate3A_747, %reduce_min3A_750 [1] : vector<256x16xf32> to vector<256xf32>
    %broadcast_in_dim3A_752 = vector.shape_cast %reduce_min3A_751 : vector<256xf32> to vector<256x1xf32>
    %eq3A_753 = vector.broadcast %broadcast_in_dim3A_752 : vector<256x1xf32> to vector<256x16xf32>
    %eq3A_754 = arith.cmpf oeq, %concatenate3A_747, %eq3A_753 : vector<256x16xf32>
    %jit3A_755 = arith.constant 1.000000e+09 : f32
    %broadcast_in_dim3A_756 = vector.broadcast %jit3A_755 : f32 to vector<256x16xf32>
    %select_n3A_757 = arith.select %eq3A_754, %concatenate3A_748, %broadcast_in_dim3A_756 : vector<256x16xi1>, vector<256x16xf32>
    %reduce_min3A_758 = arith.constant dense<0x7F800000> : vector<256xf32>
    %reduce_min3A_759 = vector.multi_reduction <minimumf>, %select_n3A_757, %reduce_min3A_758 [1] : vector<256x16xf32> to vector<256xf32>
    %broadcast_in_dim3A_760 = vector.shape_cast %reduce_min3A_759 : vector<256xf32> to vector<256x1xf32>
    %eq3A_761 = vector.broadcast %broadcast_in_dim3A_760 : vector<256x1xf32> to vector<256x16xf32>
    %eq3A_762 = arith.cmpf oeq, %concatenate3A_748, %eq3A_761 : vector<256x16xf32>
    %and3A_763 = arith.andi %eq3A_754, %eq3A_762 : vector<256x16xi1>
    %jit3A_764 = arith.constant 0.000000e+00 : f32
    %broadcast_in_dim3A_765 = vector.broadcast %jit3A_764 : f32 to vector<256x16xf32>
    %select_n3A_766 = arith.select %and3A_763, %concatenate3A_749, %broadcast_in_dim3A_765 : vector<256x16xi1>, vector<256x16xf32>
    %reduce_sum3A_767 = arith.constant dense<0.000000e+00> : vector<256xf32>
    %reduce_sum3A_768 = vector.multi_reduction <add>, %select_n3A_766, %reduce_sum3A_767 [1] : vector<256x16xf32> to vector<256xf32>
    %broadcast_in_dim3A_769 = vector.shape_cast %reduce_sum3A_768 : vector<256xf32> to vector<256x1xf32>
    %jit3A_770 = arith.constant 0x7F800000 : f32
    %broadcast_in_dim3A_771 = vector.broadcast %jit3A_770 : f32 to vector<256x16xf32>
    %select_n3A_772 = arith.select %and3A_763, %broadcast_in_dim3A_771, %concatenate3A_747 : vector<256x16xi1>, vector<256x16xf32>
    %reduce_min3A_773 = arith.constant dense<0x7F800000> : vector<256xf32>
    %reduce_min3A_774 = vector.multi_reduction <minimumf>, %select_n3A_772, %reduce_min3A_773 [1] : vector<256x16xf32> to vector<256xf32>
    %broadcast_in_dim3A_775 = vector.shape_cast %reduce_min3A_774 : vector<256xf32> to vector<256x1xf32>
    %eq3A_776 = vector.broadcast %broadcast_in_dim3A_775 : vector<256x1xf32> to vector<256x16xf32>
    %eq3A_777 = arith.cmpf oeq, %select_n3A_772, %eq3A_776 : vector<256x16xf32>
    %jit3A_778 = arith.constant 1.000000e+09 : f32
    %broadcast_in_dim3A_779 = vector.broadcast %jit3A_778 : f32 to vector<256x16xf32>
    %select_n3A_780 = arith.select %eq3A_777, %concatenate3A_748, %broadcast_in_dim3A_779 : vector<256x16xi1>, vector<256x16xf32>
    %reduce_min3A_781 = arith.constant dense<0x7F800000> : vector<256xf32>
    %reduce_min3A_782 = vector.multi_reduction <minimumf>, %select_n3A_780, %reduce_min3A_781 [1] : vector<256x16xf32> to vector<256xf32>
    %broadcast_in_dim3A_783 = vector.shape_cast %reduce_min3A_782 : vector<256xf32> to vector<256x1xf32>
    %eq3A_784 = vector.broadcast %broadcast_in_dim3A_783 : vector<256x1xf32> to vector<256x16xf32>
    %eq3A_785 = arith.cmpf oeq, %concatenate3A_748, %eq3A_784 : vector<256x16xf32>
    %and3A_786 = arith.andi %eq3A_777, %eq3A_785 : vector<256x16xi1>
    %jit3A_787 = arith.constant 0.000000e+00 : f32
    %broadcast_in_dim3A_788 = vector.broadcast %jit3A_787 : f32 to vector<256x16xf32>
    %select_n3A_789 = arith.select %and3A_786, %concatenate3A_749, %broadcast_in_dim3A_788 : vector<256x16xi1>, vector<256x16xf32>
    %reduce_sum3A_790 = arith.constant dense<0.000000e+00> : vector<256xf32>
    %reduce_sum3A_791 = vector.multi_reduction <add>, %select_n3A_789, %reduce_sum3A_790 [1] : vector<256x16xf32> to vector<256xf32>
    %broadcast_in_dim3A_792 = vector.shape_cast %reduce_sum3A_791 : vector<256xf32> to vector<256x1xf32>
    %jit3A_793 = arith.constant 0x7F800000 : f32
    %broadcast_in_dim3A_794 = vector.broadcast %jit3A_793 : f32 to vector<256x16xf32>
    %select_n3A_795 = arith.select %and3A_786, %broadcast_in_dim3A_794, %select_n3A_772 : vector<256x16xi1>, vector<256x16xf32>
    %reduce_min3A_796 = arith.constant dense<0x7F800000> : vector<256xf32>
    %reduce_min3A_797 = vector.multi_reduction <minimumf>, %select_n3A_795, %reduce_min3A_796 [1] : vector<256x16xf32> to vector<256xf32>
    %broadcast_in_dim3A_798 = vector.shape_cast %reduce_min3A_797 : vector<256xf32> to vector<256x1xf32>
    %eq3A_799 = vector.broadcast %broadcast_in_dim3A_798 : vector<256x1xf32> to vector<256x16xf32>
    %eq3A_800 = arith.cmpf oeq, %select_n3A_795, %eq3A_799 : vector<256x16xf32>
    %jit3A_801 = arith.constant 1.000000e+09 : f32
    %broadcast_in_dim3A_802 = vector.broadcast %jit3A_801 : f32 to vector<256x16xf32>
    %select_n3A_803 = arith.select %eq3A_800, %concatenate3A_748, %broadcast_in_dim3A_802 : vector<256x16xi1>, vector<256x16xf32>
    %reduce_min3A_804 = arith.constant dense<0x7F800000> : vector<256xf32>
    %reduce_min3A_805 = vector.multi_reduction <minimumf>, %select_n3A_803, %reduce_min3A_804 [1] : vector<256x16xf32> to vector<256xf32>
    %broadcast_in_dim3A_806 = vector.shape_cast %reduce_min3A_805 : vector<256xf32> to vector<256x1xf32>
    %eq3A_807 = vector.broadcast %broadcast_in_dim3A_806 : vector<256x1xf32> to vector<256x16xf32>
    %eq3A_808 = arith.cmpf oeq, %concatenate3A_748, %eq3A_807 : vector<256x16xf32>
    %and3A_809 = arith.andi %eq3A_800, %eq3A_808 : vector<256x16xi1>
    %jit3A_810 = arith.constant 0.000000e+00 : f32
    %broadcast_in_dim3A_811 = vector.broadcast %jit3A_810 : f32 to vector<256x16xf32>
    %select_n3A_812 = arith.select %and3A_809, %concatenate3A_749, %broadcast_in_dim3A_811 : vector<256x16xi1>, vector<256x16xf32>
    %reduce_sum3A_813 = arith.constant dense<0.000000e+00> : vector<256xf32>
    %reduce_sum3A_814 = vector.multi_reduction <add>, %select_n3A_812, %reduce_sum3A_813 [1] : vector<256x16xf32> to vector<256xf32>
    %broadcast_in_dim3A_815 = vector.shape_cast %reduce_sum3A_814 : vector<256xf32> to vector<256x1xf32>
    %jit3A_816 = arith.constant 0x7F800000 : f32
    %broadcast_in_dim3A_817 = vector.broadcast %jit3A_816 : f32 to vector<256x16xf32>
    %select_n3A_818 = arith.select %and3A_809, %broadcast_in_dim3A_817, %select_n3A_795 : vector<256x16xi1>, vector<256x16xf32>
    %reduce_min3A_819 = arith.constant dense<0x7F800000> : vector<256xf32>
    %reduce_min3A_820 = vector.multi_reduction <minimumf>, %select_n3A_818, %reduce_min3A_819 [1] : vector<256x16xf32> to vector<256xf32>
    %broadcast_in_dim3A_821 = vector.shape_cast %reduce_min3A_820 : vector<256xf32> to vector<256x1xf32>
    %eq3A_822 = vector.broadcast %broadcast_in_dim3A_821 : vector<256x1xf32> to vector<256x16xf32>
    %eq3A_823 = arith.cmpf oeq, %select_n3A_818, %eq3A_822 : vector<256x16xf32>
    %jit3A_824 = arith.constant 1.000000e+09 : f32
    %broadcast_in_dim3A_825 = vector.broadcast %jit3A_824 : f32 to vector<256x16xf32>
    %select_n3A_826 = arith.select %eq3A_823, %concatenate3A_748, %broadcast_in_dim3A_825 : vector<256x16xi1>, vector<256x16xf32>
    %reduce_min3A_827 = arith.constant dense<0x7F800000> : vector<256xf32>
    %reduce_min3A_828 = vector.multi_reduction <minimumf>, %select_n3A_826, %reduce_min3A_827 [1] : vector<256x16xf32> to vector<256xf32>
    %broadcast_in_dim3A_829 = vector.shape_cast %reduce_min3A_828 : vector<256xf32> to vector<256x1xf32>
    %eq3A_830 = vector.broadcast %broadcast_in_dim3A_829 : vector<256x1xf32> to vector<256x16xf32>
    %eq3A_831 = arith.cmpf oeq, %concatenate3A_748, %eq3A_830 : vector<256x16xf32>
    %and3A_832 = arith.andi %eq3A_823, %eq3A_831 : vector<256x16xi1>
    %jit3A_833 = arith.constant 0.000000e+00 : f32
    %broadcast_in_dim3A_834 = vector.broadcast %jit3A_833 : f32 to vector<256x16xf32>
    %select_n3A_835 = arith.select %and3A_832, %concatenate3A_749, %broadcast_in_dim3A_834 : vector<256x16xi1>, vector<256x16xf32>
    %reduce_sum3A_836 = arith.constant dense<0.000000e+00> : vector<256xf32>
    %reduce_sum3A_837 = vector.multi_reduction <add>, %select_n3A_835, %reduce_sum3A_836 [1] : vector<256x16xf32> to vector<256xf32>
    %broadcast_in_dim3A_838 = vector.shape_cast %reduce_sum3A_837 : vector<256xf32> to vector<256x1xf32>
    %jit3A_839 = arith.constant 0x7F800000 : f32
    %broadcast_in_dim3A_840 = vector.broadcast %jit3A_839 : f32 to vector<256x16xf32>
    %select_n3A_841 = arith.select %and3A_832, %broadcast_in_dim3A_840, %select_n3A_818 : vector<256x16xi1>, vector<256x16xf32>
    %reduce_min3A_842 = arith.constant dense<0x7F800000> : vector<256xf32>
    %reduce_min3A_843 = vector.multi_reduction <minimumf>, %select_n3A_841, %reduce_min3A_842 [1] : vector<256x16xf32> to vector<256xf32>
    %broadcast_in_dim3A_844 = vector.shape_cast %reduce_min3A_843 : vector<256xf32> to vector<256x1xf32>
    %eq3A_845 = vector.broadcast %broadcast_in_dim3A_844 : vector<256x1xf32> to vector<256x16xf32>
    %eq3A_846 = arith.cmpf oeq, %select_n3A_841, %eq3A_845 : vector<256x16xf32>
    %jit3A_847 = arith.constant 1.000000e+09 : f32
    %broadcast_in_dim3A_848 = vector.broadcast %jit3A_847 : f32 to vector<256x16xf32>
    %select_n3A_849 = arith.select %eq3A_846, %concatenate3A_748, %broadcast_in_dim3A_848 : vector<256x16xi1>, vector<256x16xf32>
    %reduce_min3A_850 = arith.constant dense<0x7F800000> : vector<256xf32>
    %reduce_min3A_851 = vector.multi_reduction <minimumf>, %select_n3A_849, %reduce_min3A_850 [1] : vector<256x16xf32> to vector<256xf32>
    %broadcast_in_dim3A_852 = vector.shape_cast %reduce_min3A_851 : vector<256xf32> to vector<256x1xf32>
    %eq3A_853 = vector.broadcast %broadcast_in_dim3A_852 : vector<256x1xf32> to vector<256x16xf32>
    %eq3A_854 = arith.cmpf oeq, %concatenate3A_748, %eq3A_853 : vector<256x16xf32>
    %and3A_855 = arith.andi %eq3A_846, %eq3A_854 : vector<256x16xi1>
    %jit3A_856 = arith.constant 0.000000e+00 : f32
    %broadcast_in_dim3A_857 = vector.broadcast %jit3A_856 : f32 to vector<256x16xf32>
    %select_n3A_858 = arith.select %and3A_855, %concatenate3A_749, %broadcast_in_dim3A_857 : vector<256x16xi1>, vector<256x16xf32>
    %reduce_sum3A_859 = arith.constant dense<0.000000e+00> : vector<256xf32>
    %reduce_sum3A_860 = vector.multi_reduction <add>, %select_n3A_858, %reduce_sum3A_859 [1] : vector<256x16xf32> to vector<256xf32>
    %broadcast_in_dim3A_861 = vector.shape_cast %reduce_sum3A_860 : vector<256xf32> to vector<256x1xf32>
    %add3A_862 = arith.constant 0.000000e+00 : f32
    %add3A_863 = vector.broadcast %add3A_862 : f32 to vector<256x1xf32>
    %add3A_864 = arith.addf %add3A_863, %broadcast_in_dim3A_769 : vector<256x1xf32>
    %add3A_865 = arith.addf %add3A_864, %broadcast_in_dim3A_792 : vector<256x1xf32>
    %add3A_866 = arith.addf %add3A_865, %broadcast_in_dim3A_815 : vector<256x1xf32>
    %add3A_867 = arith.addf %add3A_866, %broadcast_in_dim3A_838 : vector<256x1xf32>
    %add3A_868 = arith.addf %add3A_867, %broadcast_in_dim3A_861 : vector<256x1xf32>
    %div3A = arith.constant 5.000000e+00 : f32
    %div3A_869 = vector.broadcast %div3A : f32 to vector<256x1xf32>
    %div3A_870 = arith.divf %add3A_868, %div3A_869 : vector<256x1xf32>
    %reduce_sum3A_871 = vector.shape_cast %div3A_870 : vector<256x1xf32> to vector<1x256x1xf32>
    %reduce_sum3A_872 = arith.constant dense<0.000000e+00> : vector<1xf32>
    %reduce_sum3A_873 = vector.multi_reduction <add>, %reduce_sum3A_871, %reduce_sum3A_872 [1, 2] : vector<1x256x1xf32> to vector<1xf32>
    %reduce_sum3A_874 = vector.shape_cast %reduce_sum3A_873 : vector<1xf32> to vector<1x1x1xf32>
    %reduce_sum3A_875 = vector.extract %reduce_sum3A_874[0, 0, 0] : f32 from vector<1x1x1xf32>
    %div3A_876 = arith.constant 2.560000e+02 : f32
    %div3A_877 = arith.divf %reduce_sum3A_875, %div3A_876 : f32
    %div3A_878 = arith.constant 5.000000e+00 : f32
    %div3A_879 = vector.broadcast %div3A_878 : f32 to vector<256x1xf32>
    %div3A_880 = arith.divf %add3A_271, %div3A_879 : vector<256x1xf32>
    %reduce_sum3A_881 = vector.shape_cast %div3A_880 : vector<256x1xf32> to vector<1x256x1xf32>
    %reduce_sum3A_882 = arith.constant dense<0.000000e+00> : vector<1xf32>
    %reduce_sum3A_883 = vector.multi_reduction <add>, %reduce_sum3A_881, %reduce_sum3A_882 [1, 2] : vector<1x256x1xf32> to vector<1xf32>
    %reduce_sum3A_884 = vector.shape_cast %reduce_sum3A_883 : vector<1xf32> to vector<1x1x1xf32>
    %reduce_sum3A_885 = vector.extract %reduce_sum3A_884[0, 0, 0] : f32 from vector<1x1x1xf32>
    %div3A_886 = arith.constant 2.560000e+02 : f32
    %div3A_887 = arith.divf %reduce_sum3A_885, %div3A_886 : f32
    %add3A_888 = arith.addf %div3A_877, %div3A_887 : f32
    %div3A_889 = arith.constant 2.000000e+00 : f32
    %div3A_890 = arith.divf %add3A_888, %div3A_889 : f32
    %div3A_891 = arith.constant 5.000000e+00 : f32
    %div3A_892 = vector.broadcast %div3A_891 : f32 to vector<256x1xf32>
    %div3A_893 = arith.divf %add3A_346, %div3A_892 : vector<256x1xf32>
    %reduce_sum3A_894 = vector.shape_cast %div3A_893 : vector<256x1xf32> to vector<1x256x1xf32>
    %reduce_sum3A_895 = arith.constant dense<0.000000e+00> : vector<1xf32>
    %reduce_sum3A_896 = vector.multi_reduction <add>, %reduce_sum3A_894, %reduce_sum3A_895 [1, 2] : vector<1x256x1xf32> to vector<1xf32>
    %reduce_sum3A_897 = vector.shape_cast %reduce_sum3A_896 : vector<1xf32> to vector<1x1x1xf32>
    %reduce_sum3A_898 = vector.extract %reduce_sum3A_897[0, 0, 0] : f32 from vector<1x1x1xf32>
    %div3A_899 = arith.constant 2.560000e+02 : f32
    %div3A_900 = arith.divf %reduce_sum3A_898, %div3A_899 : f32
    %iota3A_901 = tpu.iota {dimensions = array<i32: 0>} : vector<8x128xi32>
    %iota3A_902 = tpu.iota {dimensions = array<i32: 1>} : vector<8x128xi32>
    %eq3A_903 = arith.constant 0 : i32
    %eq3A_904 = vector.broadcast %eq3A_903 : i32 to vector<8x128xi32>
    %eq3A_905 = arith.cmpi eq, %iota3A_901, %eq3A_904 : vector<8x128xi32>
    %eq3A_906 = arith.constant 0 : i32
    %eq3A_907 = vector.broadcast %eq3A_906 : i32 to vector<8x128xi32>
    %eq3A_908 = arith.cmpi eq, %iota3A_902, %eq3A_907 : vector<8x128xi32>
    %and3A_909 = arith.andi %eq3A_905, %eq3A_908 : vector<8x128xi1>
    %eq3A_910 = arith.constant 0 : i32
    %eq3A_911 = vector.broadcast %eq3A_910 : i32 to vector<8x128xi32>
    %eq3A_912 = arith.cmpi eq, %iota3A_901, %eq3A_911 : vector<8x128xi32>
    %eq3A_913 = arith.constant 1 : i32
    %eq3A_914 = vector.broadcast %eq3A_913 : i32 to vector<8x128xi32>
    %eq3A_915 = arith.cmpi eq, %iota3A_902, %eq3A_914 : vector<8x128xi32>
    %and3A_916 = arith.andi %eq3A_912, %eq3A_915 : vector<8x128xi1>
    %jit3A_917 = arith.constant 0.000000e+00 : f32
    %broadcast_in_dim3A_918 = vector.broadcast %div3A_900 : f32 to vector<8x128xf32>
    %broadcast_in_dim3A_919 = vector.broadcast %jit3A_917 : f32 to vector<8x128xf32>
    %select_n3A_920 = arith.select %and3A_916, %broadcast_in_dim3A_918, %broadcast_in_dim3A_919 : vector<8x128xi1>, vector<8x128xf32>
    %broadcast_in_dim3A_921 = vector.broadcast %div3A_890 : f32 to vector<8x128xf32>
    %select_n3A_922 = arith.select %and3A_909, %broadcast_in_dim3A_921, %select_n3A_920 : vector<8x128xi1>, vector<8x128xf32>
    %swap3A = arith.constant 0 : index
    %swap3A_923 = arith.constant 0 : index
    %swap3A_924 = vector.load %arg8[%swap3A, %swap3A_923] : memref<8x128xf32, #tpu.memory_space<vmem>>, vector<8x128xf32>
    tpu.vector_store %arg8[%swap3A, %swap3A_923], %select_n3A_922 {strides = array<i32>} : memref<8x128xf32, #tpu.memory_space<vmem>>, vector<8x128xf32>,
    return
  }
  func.func @transform_0(%arg0: i32) -> (i32, i32) {
    %c0_i32 = arith.constant 0 : i32
    %c0_i32_0 = arith.constant 0 : i32
    %c0_i32_1 = arith.constant 0 : i32
    return %c0_i32, %c0_i32_0 : i32, i32
  }
  func.func @transform_1(%arg0: i32) -> (i32, i32) {
    %c0_i32 = arith.constant 0 : i32
    %c0_i32_0 = arith.constant 0 : i32
    %c0_i32_1 = arith.constant 0 : i32
    return %c0_i32, %c0_i32_0 : i32, i32
  }
  func.func @transform_2(%arg0: i32) -> (i32, i32) {
    %c0_i32 = arith.constant 0 : i32
    %c0_i32_0 = arith.constant 0 : i32
    %c0_i32_1 = arith.constant 0 : i32
    return %c0_i32, %c0_i32_0 : i32, i32
  }
  func.func @transform_3(%arg0: i32) -> (i32, i32) {
    %c0_i32 = arith.constant 0 : i32
    %c0_i32_0 = arith.constant 0 : i32
    %c0_i32_1 = arith.constant 0 : i32
    return %c0_i32, %c0_i32_0 : i32, i32
  }
  func.func @transform_4(%arg0: i32) -> i32 {
    %c0_i32 = arith.constant 0 : i32
    %c0_i32_0 = arith.constant 0 : i32
    return %c0_i32 : i32
  }
  func.func @transform_5(%arg0: i32) -> i32 {
    %c0_i32 = arith.constant 0 : i32
    %c0_i32_0 = arith.constant 0 : i32
    return %c0_i32 : i32
  }
  func.func @transform_6(%arg0: i32) -> (i32, i32) {
    %c0_i32 = arith.constant 0 : i32
    %c0_i32_0 = arith.constant 0 : i32
    %c0_i32_1 = arith.constant 0 : i32
    return %c0_i32, %c0_i32_0 : i32, i32
  }
  func.func @transform_7(%arg0: i32) -> (i32, i32) {
    %c0_i32 = arith.constant 0 : i32
    %c0_i32_0 = arith.constant 0 : i32
    %c0_i32_1 = arith.constant 0 : i32
    return %c0_i32, %c0_i32_0 : i32, i32
  }
}

</mosaic_0001>

<sc_bundles>
// kernel: kernel.7.cloned.1.call-start
scs
__scs_entry_jumppad:
0x0: {  	(pc) =	sbr.rel $0x88, $3  }
0x1: {  	(tag) =	ssettag $0x0;
	lr =	simm.s32 $0x1  }
0x2: {  	[smem:$0x3F8F] =	sst lr;
	_ =	strace $0xD0000000  }
0x3: {  	_ = 	snop  }
0x4: {  	_ = 	snop  }
0x5: {  	_ = 	snop  }
0x6: {  	_ = 	snop  }
0x7: {  	_ = 	snop  }
__scs_overlays_trampoline_lowered:
0x8: {  	[smem:$0x3F9E] =	sst s0  }
0x9: {  	[smem:$0x3F9F] =	sst s1  }
0xa: {  	[smem:$0x3FA0] =	sst s2  }
0xb: {  	[smem:$0x3FA1] =	sst s3  }
0xc: {  	[smem:$0x3FA2] =	sst s4  }
0xd: {  	[smem:$0x3FA3] =	sst s5  }
0xe: {  	[smem:$0x3FA4] =	sst s6  }
0xf: {  	[smem:$0x3FA5] =	sst s7  }
0x10: {  	[smem:$0x3FA6] =	sst s8  }
0x11: {  	[smem:$0x3FA7] =	sst s9;
	s0 =	simm.s32 @!p0 $0x0  }
0x12: {  	s1 =	sld [smem:$0x3F8D];
	s0 =	simm.s32 @p0 $0x1  }
0x13: {  	[smem:$0x3FA8] =	sst s0;
	s0 =	simm.s32 @!p1 $0x0  }
0x14: {  	s2 =	sld [smem:$0x3F8C];
	s0 =	simm.s32 @p1 $0x1  }
0x15: {  	[smem:$0x3FA9] =	sst s0;
	s0 =	simm.s32 @!p2 $0x0  }
0x16: {  	s3 =	sld [smem:$0x3FDB];
	s0 =	simm.s32 @p2 $0x1  }
0x17: {  	s4 =	simm.s32 $0x1BF5;
	[smem:$0x3FAB] =	sst s0  }
0x18: {  	s0 =	sld [smem:$0x3F8E];
	_ =	swait.ge [sflag:s4], $0x0  }
0x19: {  	s7 =	sld [smem:$0x3F8F]  }
0x1a: {  	s8 =	sadd.s32 $0xFFFFE003, lr  }
0x1b: {  	s9 =	sadd.s32 $0xFFFFFEF7, lr;
	s5 =	simm.s32 $0xFFFFFFFF;
	p2 =	slt.u32 s8, $0xFFFFF086  }
0x1c: {  	p1 =	slt.u32 s9, $0xF7A;
	s5 =	simm.s32 @!p2 $0x0  }
0x1d: {  	s5 =	simm.s32 @p1 $0x1;
	p0 =	seq.s32 s7, s2  }
0x1e: {  	s7 =	smul.u32 @!p0 $0xF7A, s2;
	p2 =	seq.s32 @!p0 s5, $0x0  }
0x1f: {  	s9 =	smul.u32 $0xF7A, s1;
	s8 =	simm.s32 @!p0 $0x1BF5;
	p2 =	por !p2, p0  }
0x20: {  	[sflag:s8] =	ssyncset.s32 @!p0 $0xFFFFF086;
	s6 =	sadd.s32 @!p0 s3, s7;
	s7 =	simm.s32 @!p0 $0x108  }
0x21: {  	s3 =	sadd.s32 s3, s9;
	s6 =	sadd.s32 @!p0 $0x88, s6;
	s7 =	simm.s32 @p2 $0x1082  }
0x22: {  	[simem:s7], [sflag:s8] =	dma.local @!p0 [hbm:s6], $0xF7A  }
0x23: {  	s9 =	sor.u32 $0xD0000000, s2;
	s6 =	simm.s32 $0x108;
	_ =	swait.ge @!p0 [sflag:s8], $0x0  }
0x24: {  	s3 =	sadd.s32 $0x88, s3;
	s6 =	simm.s32 @!p1 $0x1082;
	[sflag:s4] =	ssyncset.s32 $0xFFFFF086  }
0x25: {  	[simem:s6], [sflag:s4] =	dma.local [hbm:s3], $0xF7A  }
0x26: {  	[smem:$0x3F8F] =	sst s1;
	(tag) =	ssettag s2;
	_ =	strace s9  }
0x27: {  	s1 =	sld [smem:$0x3F9F]  }
0x28: {  	s2 =	sld [smem:$0x3FA0]  }
0x29: {  	s4 =	sld [smem:$0x3FA2]  }
0x2a: {  	p0 =	seq.s32 s5, $0x0;
	s5 =	sld [smem:$0x3FA3]  }
0x2b: {  	s6 =	sld [smem:$0x3FA4]  }
0x2c: {  	s7 =	sld [smem:$0x3FA5]  }
0x2d: {  	s3 =	simm.s32 $0x108;
	s8 =	sld [smem:$0x3FA6]  }
0x2e: {  	s3 =	simm.s32 @!p0 $0x1082;
	s9 =	sld [smem:$0x3FA7]  }
0x2f: {  	lr =	sadd.s32 s0, s3;
	s0 =	sld [smem:$0x3F9E]  }
0x30: {  	s3 =	sld [smem:$0x3FA1]  }
0x31: {  	[smem:$0x3FAA] =	sst s10  }
0x32: {  	s10 =	sld [smem:$0x3FA8];
	_ =	sdelay $0x3  }
0x33: {  	p0 =	seq.s32 s10, $0x1;
	s10 =	sld [smem:$0x3FAA];
	_ =	sdelay $0x3  }
0x34: {  	[smem:$0x3FAA] =	sst s10  }
0x35: {  	s10 =	sld [smem:$0x3FA9];
	_ =	sdelay $0x3  }
0x36: {  	p1 =	seq.s32 s10, $0x1;
	s10 =	sld [smem:$0x3FAA];
	_ =	sdelay $0x3  }
0x37: {  	[smem:$0x3FAA] =	sst s10  }
0x38: {  	s10 =	sld [smem:$0x3FAB]  }
0x39: {  	_ = 	snop;
	(pc) =	sbr.ind lr, $3  }
0x3a: {  	_ = 	snop  }
0x3b: {  	_ = 	snop  }
0x3c: {  	p2 =	seq.s32 s10, $0x1;
	s10 =	sld [smem:$0x3FAA]  }
0x3d: {  	_ =	shalt  }
0x3e: {  	_ =	shalt  }
0x3f: {  	_ =	shalt  }
0x40: {  	_ =	shalt  }
0x41: {  	_ =	shalt  }
0x42: {  	_ =	shalt  }
0x43: {  	_ =	shalt  }
0x44: {  	_ =	shalt  }
0x45: {  	_ =	shalt  }
0x46: {  	_ =	shalt  }
0x47: {  	_ =	shalt  }
0x48: {  	_ =	shalt  }
0x49: {  	_ =	shalt  }
0x4a: {  	_ =	shalt  }
0x4b: {  	_ =	shalt  }
0x4c: {  	_ =	shalt  }
0x4d: {  	_ =	shalt  }
0x4e: {  	_ =	shalt  }
0x4f: {  	_ =	shalt  }
0x50: {  	_ =	shalt  }
0x51: {  	_ =	shalt  }
0x52: {  	_ =	shalt  }
0x53: {  	_ =	shalt  }
0x54: {  	_ =	shalt  }
0x55: {  	_ =	shalt  }
0x56: {  	_ =	shalt  }
0x57: {  	_ =	shalt  }
0x58: {  	_ =	shalt  }
0x59: {  	_ =	shalt  }
0x5a: {  	_ =	shalt  }
0x5b: {  	_ =	shalt  }
0x5c: {  	_ =	shalt  }
0x5d: {  	_ =	shalt  }
0x5e: {  	_ =	shalt  }
0x5f: {  	_ =	shalt  }
0x60: {  	_ =	shalt  }
0x61: {  	_ =	shalt  }
0x62: {  	_ =	shalt  }
0x63: {  	_ =	shalt  }
0x64: {  	_ =	shalt  }
0x65: {  	_ =	shalt  }
0x66: {  	_ =	shalt  }
0x67: {  	_ =	shalt  }
0x68: {  	_ =	shalt  }
0x69: {  	_ =	shalt  }
0x6a: {  	_ =	shalt  }
0x6b: {  	_ =	shalt  }
0x6c: {  	_ =	shalt  }
0x6d: {  	_ =	shalt  }
0x6e: {  	_ =	shalt  }
0x6f: {  	_ =	shalt  }
0x70: {  	_ =	shalt  }
0x71: {  	_ =	shalt  }
0x72: {  	_ =	shalt  }
0x73: {  	_ =	shalt  }
0x74: {  	_ =	shalt  }
0x75: {  	_ =	shalt  }
0x76: {  	_ =	shalt  }
0x77: {  	_ =	shalt  }
0x78: {  	_ =	shalt  }
0x79: {  	_ =	shalt  }
0x7a: {  	_ =	shalt  }
0x7b: {  	_ =	shalt  }
0x7c: {  	_ =	shalt  }
0x7d: {  	_ =	shalt  }
0x7e: {  	_ =	shalt  }
0x7f: {  	_ =	shalt  }
0x80: {  	_ =	shalt  }
0x81: {  	_ =	shalt  }
0x82: {  	_ =	shalt  }
0x83: {  	_ =	shalt  }
0x84: {  	_ =	shalt  }
0x85: {  	_ =	shalt  }
0x86: {  	_ =	shalt  }
0x87: {  	_ =	shalt  }
.Lfunc_end0:
.L_simem_size_0:
called_computation_lowered:
.L_overlay_start_0:
0x88: {  	s2 =	sld [smem:$0x3FD9]  }
0x89: {  	s3 =	sld [smem:$0x3FFE];
	_ =	sdelay $0x1  }
0x8a: {  	s1 =	srdreg.scid  }
0x8b: {  	s0 =	sand.u32 $0x1, s1  }
0x8c: {  	s17 =	sshll.u32 s0, $0xA;
	s2 =	sadd.s32 s3, s2  }
0x8d: {  	s2 =	sadd.s32 s2, s17  }
0x8e: {  	[smem:$0x3FB6] =	sst s2  }
0x8f: {  	_ = 	snop  }
0x90: {  	s2 =	sld [smem:$0x3FB8];
	(tm) =	ssettm $0x1  }
0x91: {  	s18 =	sld [smem:$0x3FFB];
	_ =	sdelay $0x3  }
0x92: {  	_ =	strace s18  }
0x93: {  	s3 =	sld [smem:$0x3FFC];
	_ =	sdelay $0x3  }
0x94: {  	_ =	strace s3  }
0x95: {  	s3 =	sld [smem:$0x3FFD];
	_ =	sdelay $0x3  }
0x96: {  	_ =	strace s3  }
0x97: {  	_ =	strace $0x8FFFFFFF  }
0x98: {  	s19 =	sld [smem:$0x3FDB];
	_ =	sdelay $0x1  }
0x99: {  	s4 =	simm.s32 $_scs_section_size  }
0x9a: {  	s5 =	simm.s32 $_size__tile_overlayer_lowered;
	s6 =	simm.s32 $_tile_overlayer_lowered  }
0x9b: {  	s22 =	simm.s32 $0x1BFF;
	s21 =	sshll.u32 s6, $0x1;
	s3 =	sadd.s32 s4, s19  }
0x9c: {  	s7 =	simm.s32 $0x0;
	s20 =	sshll.u32 s5, $0x1;
	s5 =	sadd.s32 s21, s3  }
0x9d: {  	[timem:s7], [sflag:s22] =	dma.local [hbm:s5], s20  }
0x9e: {  	_ =	swait.ge [sflag:s22], s20  }
0x9f: {  	s4 =	ssub.s32 $0x0, s20;
	[sflag:s22] =	ssyncset.done $0x0  }
0xa0: {  	[sflag:s22] =	ssyncadd.s32 s4;
	_ =	sdelay $0x1  }
0xa1: {  	s23 =	simm.s32 $0x1B8B  }
0xa2: {  	_ =	swait.ge [sflag:s23], $0x1  }
0xa3: {  	[sflag:s23] =	ssyncset.done $0x0  }
0xa4: {  	s25 =	simm.s32 $0x1B8E;
	s24 =	sld [smem:$0x3FFE];
	[sflag:s23] =	ssyncadd.s32 $0xFFFFFFFF  }
0xa5: {  	s26 =	simm.s32 $execute0_lowered;
	[smem:$0x3FD2] =	sst s25  }
0xa6: {  	s5 =	sshll.u32 s26, $0x1;
	_ =	strace $0x80000046;
	[dreg:$0x1] =	wrdreg $0xFFFFFFFF  }
0xa7: {  	s28 =	simm.s32 $_size_execute0_lowered;
	s3 =	sadd.s32 s3, s5;
	[dreg:$0x0] =	wrdreg $0x0  }
0xa8: {  	s5 =	sshll.u32 s28, $0x1;
	[dreg:$0x2] =	wrdreg s3  }
0xa9: {  	[dreg:$0x3] =	wrdreg s5  }
0xaa: {  	[dreg:$0x4] =	wrdreg $0xC0  }
0xab: {  	_ =	task [dreg:s7], $0x5FFFF  }
0xac: {  	[dreg:$0x1] =	wrdreg $0xFFFFFFFF  }
0xad: {  	[dreg:$0x0] =	wrdreg $0x60  }
0xae: {  	[dreg:$0x2] =	wrdreg s2  }
0xaf: {  	[dreg:$0x3] =	wrdreg s24  }
0xb0: {  	[dreg:$0x4] =	wrdreg $0x9  }
0xb1: {  	_ =	task.clear_ibuf [dreg:s7], $0x5FFFF;
	_ =	strace $0x90000046  }
0xb2: {  	s29 =	simm.s32 $0x9;
	_ =	strace $0x80000048  }
0xb3: {  	_ =	swait.ge [sflag:s29], $0x1  }
0xb4: {  	[sflag:s29] =	ssyncadd.s32 $0xFFFFFFFF  }
0xb5: {  	_ =	strace $0x90000048  }
0xb6: {  	_ =	sfence  }
0xb7: {  	s30 =	sld [smem:$0x0];
	_ =	sdelay $0x2  }
0xb8: {  	s31 =	sshll.u32 s1, $0xD;
	s1 =	sshrl.u32 s1, $0x2  }
0xb9: {  	s3 =	sand.u32 $0x4000, s31;
	s1 =	sadd.s32 s1, s30  }
0xba: {  	s0 =	sor.u32 s3, s0;
	s1 =	sshll.u32 s1, $0x11  }
0xbb: {  	s0 =	sor.u32 s1, s0  }
0xbc: {  	s0 =	sadd.s32 $0x8F2B, s0  }
0xbd: {  	[sflag:s0] =	ssyncadd.remote.s32 $0x1  }
0xbe: {  	_ =	sfence.sel $0xFFFF  }
0xbf: {  	[dreg:$0x0] =	wrdreg $0xFFFFFFFF;
	(pc) =	sbr.abs _section_cstart, $3  }
0xc0: {  	[dreg:$0x1] =	wrdreg $0xFFFFFFFF  }
0xc1: {  	_ =	task.clear_ibuf [dreg:s7], $0x2FFFF;
	_ =	strace $0x9FFFFFFF  }
0xc2: {  	(tm) =	ssettm $0x7FFFFFFF  }
0xc3: {  	_ =	shalt  }
tec
execute0_lowered:
.L_overlay_start_1:
0x0: {  	(tag) =	ssettag $0x1  }
0x1: {  	s1 =	srdreg.scid  }
0x2: {  	s0 =	stileid.u32;
	s10 =	sand.u32 $0x1, s1  }
0x3: {  	s2 =	rddreg [dreg:$0x0];
	s30 =	sshll.u32 s0, $0x5;
	s3 =	sshll.u32 s10, $0x4  }
0x4: {  	s12 =	rddreg [dreg:$0x1];
	s13 =	sor.u32 s3, s30  }
0x5: {  	s1 =	rddreg [dreg:$0x2];
	s3 =	simm.s32 $0x0;
	s4 =	sshrl.u32 s13, $0x3  }
0x6: {  	[smem:$0x7FF] =	sst s3;
	s4 =	sadd.s32 s4, s12  }
0x7: {  	_ =	strace $0x80000047;
	s5 =	sadd.s32 $0x2600, s4;
	s4 =	simm.s32 $0x2  }
0x8: {  	[tilespmem:s3], [sflag:$0x2] =	stream.linear.gather [hbm4b:s5+s3], $0x10, $0x38;
	[tilespmem:$0x2080] =	vst v63  }
0x9: {  	_ =	swait.ge [sflag:s4], $0x10  }
0xa: {  	[sflag:s4] =	ssyncset.done $0x0  }
0xb: {  	[sflag:s4] =	ssyncadd.s32 $0xFFFFFFF0  }
0xc: {  	v0 =	vld [tilespmem:$0x0];
	_ =	sdelay $0x4  }
0xd: {  	v1 =	vshll.u32 v0, $0x2  }
0xe: {  	v2 =	vlaneseq.u32;
	v3 =	vand.u32 $0x7, v0;
	v1 =	vand.u32 $0xFFFFFFE0, v1  }
0xf: {  	v4 =	vshrl.u32 v2, $0x3;
	v0 =	vand.u32 $0x7, v2;
	v3 =	vor.u32 v3, v1  }
0x10: {  	v1 =	vmul.u32 $0x8, v4;
	v63 =	vperm.xlane v3, v0;
	_ =	sdelay $0x1  }
0x11: {  	v4 =	vadd.s32 v1, v63  }
0x12: {  	v2 =	vor.u32 $0x8, v2  }
0x13: {  	v3 =	vperm.xlane v3, v2;
	_ =	sdelay $0x1  }
0x14: {  	vm0 =	vmmov $0xffff;
	s6 =	simm.s32 $0x80;
	s8 =	simm.s32 $0x880;
	s14 =	ssub.s32 $0x2, s10;
	v3 =	vadd.s32 v1, v3  }
0x15: {  	[tilespmem:s6], [sflag:$0x1] =	stream.indirect_vreg.gather [hbm4b:s2+s3], $0x80, v4, vm0, $0xb8;
	[tilespmem:$0x2080] =	vst v63  }
0x16: {  	s9 =	simm.s32 $0x1080;
	s7 =	sadd.s32 $0x100, s2;
	s15 =	sshrl.u32 s14, $0x1  }
0x17: {  	[tilespmem:s8], [sflag:$0x1] =	stream.indirect_vreg.gather [hbm4b:s7+s3], $0x80, v4, vm0, $0xb8;
	[tilespmem:$0x2080] =	vst v63  }
0x18: {  	s11 =	simm.s32 $0x1;
	s13 =	sshll.u32 s13, $0x6;
	s31 =	ssub.s32 s14, s15  }
0x19: {  	[tilespmem:s9], [sflag:$0x1] =	stream.indirect_vreg.gather [hbm4b:s2+s3], $0x80, v3, vm0, $0xb8;
	[tilespmem:$0x2080] =	vst v63  }
0x1a: {  	s10 =	simm.s32 $0x1880;
	s12 =	sadd.s32 s13, s12;
	s13 =	smax.u32 s31, $0x1  }
0x1b: {  	[tilespmem:s10], [sflag:$0x1] =	stream.indirect_vreg.gather [hbm4b:s7+s3], $0x80, v3, vm0, $0xb8;
	[tilespmem:$0x2080] =	vst v63  }
0x1c: {  	p0 =	sne.s32 s13, $0x1;
	_ =	swait.ge [sflag:s11], $0x2000  }
.Ltmp0:
0x1d: {  	[sflag:s11] =	ssyncset.done $0x0;
	(pc) =	sbr.rel @!p0 .LBB2_2-.Ltmp0, $4  }
0x1e: {  	s12 =	sadd.s32 $0x2800, s12;
	[sflag:s11] =	ssyncadd.s32 $0xFFFFE000  }
0x1f: {  	[hbm4b:s12+s3] =	stream.linear.scatter [tilespmem:s6], [sflag:$0x2], $0x2000, $0x38;
	[tilespmem:$0x2080] =	vst v63  }
0x20: {  	_ =	swait.ge [sflag:s4], $0x2000  }
0x21: {  	s13 =	sadd.s32 $0xFFFFFFFF, s13;
	[sflag:s4] =	ssyncset.done $0x0  }
.LBB2_1:
0x22: {  	p0 =	sne.s32 s13, $0x1;
	s13 =	sadd.s32 $0xFFFFFFFF, s13;
	[sflag:s4] =	ssyncadd.s32 $0xFFFFE000  }
0x23: {  	[tilespmem:s3], [sflag:$0x2] =	stream.linear.gather [hbm4b:s5+s3], $0x10, $0x38;
	[tilespmem:$0x2080] =	vst v63  }
0x24: {  	_ =	swait.ge [sflag:s4], $0x10  }
0x25: {  	[sflag:s4] =	ssyncset.done $0x0  }
0x26: {  	[sflag:s4] =	ssyncadd.s32 $0xFFFFFFF0  }
0x27: {  	v3 =	vld [tilespmem:$0x0];
	_ =	sdelay $0x4  }
0x28: {  	v4 =	vshll.u32 v3, $0x2  }
0x29: {  	v3 =	vand.u32 $0x7, v3;
	v4 =	vand.u32 $0xFFFFFFE0, v4  }
0x2a: {  	v3 =	vor.u32 v3, v4  }
0x2b: {  	v4 =	vperm.xlane v3, v0;
	v3 =	vperm.xlane v3, v2;
	_ =	sdelay $0x1  }
0x2c: {  	v4 =	vadd.s32 v1, v4;
	_ =	sdelay $0x3  }
0x2d: {  	v3 =	vadd.s32 v1, v3  }
0x2e: {  	[tilespmem:s6], [sflag:$0x1] =	stream.indirect_vreg.gather [hbm4b:s2+s3], $0x80, v4, vm0, $0xb8;
	[tilespmem:$0x2080] =	vst v63  }
0x2f: {  	_ = 	snop  }
0x30: {  	[tilespmem:s8], [sflag:$0x1] =	stream.indirect_vreg.gather [hbm4b:s7+s3], $0x80, v4, vm0, $0xb8;
	[tilespmem:$0x2080] =	vst v63  }
0x31: {  	_ = 	snop  }
0x32: {  	[tilespmem:s9], [sflag:$0x1] =	stream.indirect_vreg.gather [hbm4b:s2+s3], $0x80, v3, vm0, $0xb8;
	[tilespmem:$0x2080] =	vst v63  }
0x33: {  	_ = 	snop  }
0x34: {  	[tilespmem:s10], [sflag:$0x1] =	stream.indirect_vreg.gather [hbm4b:s7+s3], $0x80, v3, vm0, $0xb8;
	[tilespmem:$0x2080] =	vst v63  }
0x35: {  	_ =	swait.ge [sflag:s11], $0x2000  }
.Ltmp1:
0x36: {  	[sflag:s11] =	ssyncset.done $0x0;
	(pc) =	sbr.rel @p0 .LBB2_1-.Ltmp1, $4  }
0x37: {  	[sflag:s11] =	ssyncadd.s32 $0xFFFFE000  }
0x38: {  	[hbm4b:s12+s3] =	stream.linear.scatter [tilespmem:s6], [sflag:$0x2], $0x2000, $0x38;
	[tilespmem:$0x2080] =	vst v63  }
0x39: {  	_ =	swait.ge [sflag:s4], $0x2000  }
0x3a: {  	[sflag:s4] =	ssyncset.done $0x0  }
.LBB2_2:
0x3b: {  	[sflag:s4] =	ssyncadd.s32 $0xFFFFE000  }
0x3c: {  	_ =	sfence.sel $0x180000  }
0x3d: {  	[bflag:$0x0] =	sbarrier.arrive $0xFFFF  }
0x3e: {  	p0 =	sne.s32 s0, $0x0;
	_ =	strace $0x90000047  }
0x3f: {  	s0 =	sadd.s32 @!p0 $0x100000, s1;
	[bflag:$0x2] =	sbarrier.arrive $0xFFFF  }
0x40: {  	[sflag:s0] =	ssyncadd.tile.s32 @!p0 $0x1;
	_ =	shalt  }
.Lfunc_end2:
_tile_overlayer_lowered:
.L_overlay_start_2:
0x41: {  	(tag) =	ssettag $0x2  }
0x42: {  	s0 =	rddreg [dreg:$0x0];
	s2 =	stileid.u32  }
0x43: {  	s1 =	rddreg [dreg:$0x1];
	p0 =	sne.s32 s2, $0x0  }
0x44: {  	s3 =	rddreg [dreg:$0x2];
	[bflag:$0x3] =	sbarrier.arrive $0xFFFF;
	s2 =	simm.s32 @!p0 $0x1C02  }
0x45: {  	[timem:s3], [sflag:s2] =	dma.local @!p0 [hbm:s0], s1  }
0x46: {  	s0 =	simm.s32 @!p0 $0x2  }
0x47: {  	_ =	swait.ge @!p0 [sflag:s0], s1  }
0x48: {  	s1 =	ssub.s32 @!p0 $0x0, s1;
	[sflag:s0] =	ssyncset.done @!p0 $0x0  }
0x49: {  	[sflag:s0] =	ssyncadd.s32 @!p0 s1  }
0x4a: {  	[bflag:$0x3] =	sbarrier.arrive $0xFFFF  }
0x4b: {  	_ =	shalt  }

</sc_bundles>
